<compile_context>
chip_gen: v7x
topology: tpu7x:2x2x1
jax: 0.10.2.dev20260603
libtpu: 0.0.44.dev20260713+nightly
codegen_flags: <defaults>
</compile_context>

<pallas_src>
import functools

import jax
import jax.numpy as jnp
from jax import lax
from jax.experimental import pallas as pl
from jax.experimental.pallas import tpu as pltpu
from jax.experimental.pallas import tpu_sc as plsc

_NC = 2
_NS = 16
_NW = _NC * _NS
_LANES = 16

_CHUNK = 128


def _tc_pre_body(nf_ref, eft_ref, w1a_ref, w1b_ref, w1c4_ref, b1_4_ref,
                 p0_ref, p1_ref, e4_ref):
    nf = nf_ref[...]
    p0_ref[...] = jnp.dot(nf, w1a_ref[...], preferred_element_type=jnp.float32)
    p1_ref[...] = jnp.dot(nf, w1b_ref[...], preferred_element_type=jnp.float32)
    _tc_pree_compute(eft_ref, w1c4_ref, b1_4_ref, e4_ref)


def _tc_pree_compute(eft_ref, w1c4_ref, b1_4_ref, e4_ref):
    eft = eft_ref[...]
    q = eft.shape[1] // 4
    x = jnp.concatenate(
        [eft[:, 0:q], eft[:, q:2 * q], eft[:, 2 * q:3 * q],
         eft[:, 3 * q:4 * q]], axis=0)
    e4_ref[...] = lax.dot_general(x, w1c4_ref[...],
                                  (((0,), (0,)), ((), ())),
                                  preferred_element_type=jnp.float32
                                  ) + b1_4_ref[...]


def _tc_posta_body(nf_ref, w2a_ref, b2_ref, z_ref):
    z_ref[...] = jnp.dot(nf_ref[...], w2a_ref[...],
                         preferred_element_type=jnp.float32) + b2_ref[...]


def _tc_postb_body(z_ref, parts_ref, w2b_ref, out_ref):
    s = parts_ref[0] + parts_ref[1]
    acc = z_ref[...] + jnp.dot(s, w2b_ref[...],
                               preferred_element_type=jnp.float32)
    out_ref[...] = jnp.maximum(acc, 0.0)


def _sc_edge_body(n_nodes_pad, n_edges, eblk_t,
                  p0_hbm, p1_hbm, e4_hbm, n01_hbm, out_hbm,
                  idx0a, idx0b, idx1a, idx1b, r0a, r0b, r1a, r1b, rea, reb,
                  rma, rmb, sxa, sxb, zbuf, acc_sh,
                  si0a, si0b, si1a, si1b, sea, seb, sg0a, sg0b, sg1a, sg1b,
                  ssa, ssb):
    cid = lax.axis_index("c")
    sid = lax.axis_index("s")
    wid = sid * _NC + cid

    idx0 = (idx0a, idx0b)
    idx1 = (idx1a, idx1b)
    r0 = (r0a, r0b)
    r1 = (r1a, r1b)
    re = (rea, reb)
    rm = (rma, rmb)
    sx = (sxa, sxb)
    si0 = (si0a, si0b)
    si1 = (si1a, si1b)
    se = (sea, seb)
    sg0 = (sg0a, sg0b)
    sg1 = (sg1a, sg1b)
    ss = (ssa, ssb)

    total_chunks = n_edges // _CHUNK
    nbase = total_chunks // _NW
    rem = total_chunks % _NW
    nch = nbase + jnp.where(wid < rem, 1, 0)
    slots = nbase + (1 if rem else 0)
    groups = (slots + 1) // 2

    def chunk_base(c):
        return (wid + _NW * c) * _CHUNK

    def issue_idx_loads(c, b):
        base = chunk_base(c)
        pltpu.async_copy(n01_hbm.at[pl.ds(base, _CHUNK)], idx0[b], si0[b])
        pltpu.async_copy(n01_hbm.at[pl.ds(n_edges + base, _CHUNK)], idx1[b],
                         si1[b])

    def wait_idx_loads(b):
        pltpu.make_async_copy(n01_hbm.at[pl.ds(0, _CHUNK)], idx0[b], si0[b]).wait()
        pltpu.make_async_copy(n01_hbm.at[pl.ds(0, _CHUNK)], idx1[b], si1[b]).wait()

    qsz = eblk_t // 4

    def _e4_slice(base):
        blk, bb = base // eblk_t, base % eblk_t
        qd, rr = bb // qsz, bb % qsz
        return e4_hbm.at[pl.ds(blk * qsz + rr, _CHUNK // 4),
                         pl.ds(qd * 32, 32)]

    def issue_e_load(c, b):
        base = chunk_base(c)
        for i in range(4):
            pltpu.async_copy(_e4_slice(base + 32 * i),
                             re[b].at[pl.ds(32 * i, 32)], se[b])

    def wait_e_load(b):
        for i in range(4):
            pltpu.make_async_copy(_e4_slice(0), re[b].at[pl.ds(32 * i, 32)],
                                  se[b]).wait()

    def issue_gathers(b):
        pltpu.async_copy(p0_hbm.at[idx0[b]], r0[b], sg0[b])
        pltpu.async_copy(p1_hbm.at[idx1[b]], r1[b], sg1[b])

    def wait_gathers(b):
        pltpu.make_async_copy(p0_hbm.at[idx0[b]], r0[b], sg0[b]).wait()
        pltpu.make_async_copy(p1_hbm.at[idx1[b]], r1[b], sg1[b]).wait()

    issue_idx_loads(0, 0)
    issue_e_load(0, 0)
    issue_idx_loads(1, 1)
    issue_e_load(1, 1)

    rows_per_tile = n_nodes_pad // _NS
    zeros16 = jnp.zeros((_LANES,), jnp.float32)

    def zero_body(j, carry):
        zbuf[j, pl.ds(0, _LANES)] = zeros16
        zbuf[j, pl.ds(_LANES, _LANES)] = zeros16
        return carry

    lax.fori_loop(0, rows_per_tile, zero_body, 0)
    pltpu.sync_copy(zbuf, acc_sh.at[pl.ds(sid * rows_per_tile, rows_per_tile)])
    plsc.subcore_barrier()

    wait_idx_loads(0)
    issue_gathers(0)

    def group_body(g, carry):
        for k in (0, 1):
            c = g * 2 + k
            b = k
            nb = 1 - k

            @pl.when(c + 1 < nch)
            def _():
                wait_idx_loads(nb)
                issue_gathers(nb)

            @pl.when(c < nch)
            def _():
                wait_gathers(b)
                wait_e_load(b)

                @pl.when(c >= 2)
                def _():
                    pltpu.make_async_copy(rm[b], acc_sh.at[sx[b]], ss[b]).wait()

                def row_body(j, inner):
                    for h in (0, _LANES):
                        v = (r0[b][j, pl.ds(h, _LANES)]
                             + r1[b][j, pl.ds(h, _LANES)]
                             + re[b][j, pl.ds(h, _LANES)])
                        rm[b][j, pl.ds(h, _LANES)] = jnp.maximum(v, 0.0)
                    return inner

                lax.fori_loop(0, _CHUNK, row_body, 0)
                for k in range(_CHUNK // _LANES):
                    sx[b][pl.ds(k * _LANES, _LANES)] = (
                        idx0[b][pl.ds(k * _LANES, _LANES)])
                pltpu.async_copy(rm[b], acc_sh.at[sx[b]], ss[b], add=True)

            @pl.when(c + 2 < nch)
            def _():
                issue_idx_loads(c + 2, b)
                issue_e_load(c + 2, b)
        return carry

    lax.fori_loop(0, groups, group_body, 0)
    pltpu.make_async_copy(rm[0], acc_sh.at[sx[0]], ss[0]).wait()
    pltpu.make_async_copy(rm[1], acc_sh.at[sx[1]], ss[1]).wait()

    plsc.subcore_barrier()
    pltpu.sync_copy(
        acc_sh.at[pl.ds(sid * rows_per_tile, rows_per_tile)],
        out_hbm.at[cid, pl.ds(sid * rows_per_tile, rows_per_tile)])


def kernel(node_features, edge_node_indices, edge_features, W1, b1, W2, b2):
    n_nodes, d_feat = node_features.shape
    n_edges = edge_features.shape[0]
    msg = W1.shape[1]
    d_edge = edge_features.shape[1]

    w1a = W1[:d_feat]
    w1b = W1[d_feat:2 * d_feat]
    w1c = W1[2 * d_feat:]
    eft = edge_features.T
    w1c4 = jnp.kron(jnp.eye(4, dtype=jnp.float32), w1c)
    b1_4 = jnp.tile(b1, 4).reshape(1, 4 * msg)
    b2r = b2.reshape(1, -1)

    grid1 = 5
    nblk = n_nodes // grid1
    eblk_t = n_edges // grid1
    p0, p1, e4 = pl.pallas_call(
        _tc_pre_body,
        grid=(grid1,),
        in_specs=[
            pl.BlockSpec((nblk, d_feat), lambda i: (i, 0)),
            pl.BlockSpec((d_edge, eblk_t), lambda i: (0, i)),
            pl.BlockSpec((d_feat, msg), lambda i: (0, 0)),
            pl.BlockSpec((d_feat, msg), lambda i: (0, 0)),
            pl.BlockSpec((4 * d_edge, 4 * msg), lambda i: (0, 0)),
            pl.BlockSpec((1, 4 * msg), lambda i: (0, 0)),
        ],
        out_specs=[
            pl.BlockSpec((nblk, msg), lambda i: (i, 0)),
            pl.BlockSpec((nblk, msg), lambda i: (i, 0)),
            pl.BlockSpec((eblk_t // 4, 4 * msg), lambda i: (i, 0)),
        ],
        out_shape=[
            jax.ShapeDtypeStruct((n_nodes, msg), jnp.float32),
            jax.ShapeDtypeStruct((n_nodes, msg), jnp.float32),
            jax.ShapeDtypeStruct((n_edges // 4, 4 * msg), jnp.float32),
        ],
    )(node_features, eft, w1a, w1b, w1c4, b1_4)

    grid2 = 10
    nblk2 = n_nodes // grid2
    z = pl.pallas_call(
        _tc_posta_body,
        grid=(grid2,),
        in_specs=[
            pl.BlockSpec((nblk2, d_feat), lambda i: (i, 0)),
            pl.BlockSpec((d_feat, d_feat), lambda i: (0, 0)),
            pl.BlockSpec((1, d_feat), lambda i: (0, 0)),
        ],
        out_specs=pl.BlockSpec((nblk2, d_feat), lambda i: (i, 0)),
        out_shape=jax.ShapeDtypeStruct((n_nodes, d_feat), jnp.float32),
    )(node_features, W2[:d_feat], b2r)

    n_nodes_pad = ((n_nodes + 8 * _NS - 1) // (8 * _NS)) * (8 * _NS)
    mesh = plsc.VectorSubcoreMesh(core_axis_name="c", subcore_axis_name="s")
    sc_fn = pl.kernel(
        functools.partial(_sc_edge_body, n_nodes_pad, n_edges, n_edges // 5),
        mesh=mesh,
        compiler_params=pltpu.CompilerParams(use_tc_tiling_on_sc=False),
        out_type=jax.ShapeDtypeStruct((_NC, n_nodes_pad, msg), jnp.float32),
        scratch_types=(
            [pltpu.VMEM((_CHUNK,), jnp.int32)] * 4
            + [pltpu.VMEM((_CHUNK, msg), jnp.float32)] * 8
            + [pltpu.VMEM((_CHUNK,), jnp.int32)] * 2
            + [pltpu.VMEM((n_nodes_pad // _NS, msg), jnp.float32),
               pltpu.VMEM_SHARED((n_nodes_pad, msg), jnp.float32)]
            + [pltpu.SemaphoreType.DMA] * 12
        ),
    )
    n01_lin = edge_node_indices.reshape(2 * n_edges)
    partials = sc_fn(p0, p1, e4, n01_lin)

    out = pl.pallas_call(
        _tc_postb_body,
        grid=(grid2,),
        in_specs=[
            pl.BlockSpec((nblk2, d_feat), lambda i: (i, 0)),
            pl.BlockSpec((_NC, nblk2, msg), lambda i: (0, i, 0)),
            pl.BlockSpec((msg, d_feat), lambda i: (0, 0)),
        ],
        out_specs=pl.BlockSpec((nblk2, d_feat), lambda i: (i, 0)),
        out_shape=jax.ShapeDtypeStruct((n_nodes, d_feat), jnp.float32),
    )(z, partials, W2[d_feat:])

    return out

# --- scband reference (transcript-rebuilt; emitter-appended) ---
"""Pipeline reference for scband-naive-convolutional-layer-29996051595891 (READ-ONLY COPY).

The authoritative reference and input builder live on the scoring server;
editing this copy changes nothing except your own understanding.
"""

import jax, jax.numpy as jnp
import numpy as np

N_NODES = 10000
N_EDGES = 160000
D_FEAT = 256
D_EDGE = 16
MSG = 32


def setup_inputs(seed: int = 0) -> dict:
    key = jax.random.key(seed)
    k1, k2, k3, k4, k5, k6, k7 = jax.random.split(key, 7)
    node_features = jax.random.normal(k1, (N_NODES, D_FEAT), dtype=jnp.float32)
    edge_node_indices = jax.random.randint(k2, (2, N_EDGES), 0, N_NODES, dtype=jnp.int64 if jax.config.jax_enable_x64 else jnp.int32)
    edge_features = jax.random.normal(k3, (N_EDGES, D_EDGE), dtype=jnp.float32)
    edge_in = 2 * D_FEAT + D_EDGE
    node_in = D_FEAT + MSG
    W1 = jax.random.normal(k4, (edge_in, MSG), dtype=jnp.float32) * (1.0 / np.sqrt(edge_in))
    b1 = jax.random.normal(k5, (MSG,), dtype=jnp.float32) * 0.01
    W2 = jax.random.normal(k6, (node_in, D_FEAT), dtype=jnp.float32) * (1.0 / np.sqrt(node_in))
    b2 = jax.random.normal(k7, (D_FEAT,), dtype=jnp.float32) * 0.01
    return {
        "node_features": node_features,
        "edge_node_indices": edge_node_indices,
        "edge_features": edge_features,
        "W1": W1, "b1": b1, "W2": W2, "b2": b2,
    }


def reference(node_features, edge_node_indices, edge_features, W1, b1, W2, b2):
    node0_indices = edge_node_indices[0]
    node1_indices = edge_node_indices[1]
    node0_features = jnp.take(node_features, node0_indices, axis=0)
    node1_features = jnp.take(node_features, node1_indices, axis=0)
    message_input = jnp.concatenate([node0_features, node1_features, edge_features], axis=1)
    messages_per_neighbour = jax.nn.relu(message_input @ W1 + b1)
    message_sums_per_node = jax.ops.segment_sum(messages_per_neighbour, node0_indices, num_segments=node_features.shape[0])
    node_input = jnp.concatenate([node_features, message_sums_per_node], axis=1)
    node_output = jax.nn.relu(node_input @ W2 + b2)
    return node_output

if __name__ == "__main__":
    import jax
    _d = setup_inputs()
    print(jax.jit(kernel)(*tuple(_d.values())))

</pallas_src>

<mosaic_0001>
#map = affine_map<(d0, d1) -> (0, 0)>
#map1 = affine_map<(d0, d1) -> (0)>
#map2 = affine_map<(d0, d1) -> (0, 0, 0)>
module attributes {stable_mosaic.version = 14 : i64} {
  func.func @_sc_edge_body(%arg0: i32, %arg1: i32, %arg2: memref<10000x32xf32, #tpu.memory_space<hbm>>, %arg3: memref<10000x32xf32, #tpu.memory_space<hbm>>, %arg4: memref<40000x128xf32, #tpu.memory_space<hbm>>, %arg5: memref<320000xi32, #tpu.memory_space<hbm>>, %arg6: memref<2x10112x32xf32, #tpu.memory_space<hbm>>, %arg7: memref<128xi32, #tpu.memory_space<vmem>>, %arg8: memref<128xi32, #tpu.memory_space<vmem>>, %arg9: memref<128xi32, #tpu.memory_space<vmem>>, %arg10: memref<128xi32, #tpu.memory_space<vmem>>, %arg11: memref<128x32xf32, #tpu.memory_space<vmem>>, %arg12: memref<128x32xf32, #tpu.memory_space<vmem>>, %arg13: memref<128x32xf32, #tpu.memory_space<vmem>>, %arg14: memref<128x32xf32, #tpu.memory_space<vmem>>, %arg15: memref<128x32xf32, #tpu.memory_space<vmem>>, %arg16: memref<128x32xf32, #tpu.memory_space<vmem>>, %arg17: memref<128x32xf32, #tpu.memory_space<vmem>>, %arg18: memref<128x32xf32, #tpu.memory_space<vmem>>, %arg19: memref<128xi32, #tpu.memory_space<vmem>>, %arg20: memref<128xi32, #tpu.memory_space<vmem>>, %arg21: memref<632x32xf32, #tpu.memory_space<vmem>>, %arg22: memref<10112x32xf32, #tpu.memory_space<vmem_shared>>, %arg23: memref<!tpu.dma_semaphore, #tpu.memory_space<semaphore_mem>>, %arg24: memref<!tpu.dma_semaphore, #tpu.memory_space<semaphore_mem>>, %arg25: memref<!tpu.dma_semaphore, #tpu.memory_space<semaphore_mem>>, %arg26: memref<!tpu.dma_semaphore, #tpu.memory_space<semaphore_mem>>, %arg27: memref<!tpu.dma_semaphore, #tpu.memory_space<semaphore_mem>>, %arg28: memref<!tpu.dma_semaphore, #tpu.memory_space<semaphore_mem>>, %arg29: memref<!tpu.dma_semaphore, #tpu.memory_space<semaphore_mem>>, %arg30: memref<!tpu.dma_semaphore, #tpu.memory_space<semaphore_mem>>, %arg31: memref<!tpu.dma_semaphore, #tpu.memory_space<semaphore_mem>>, %arg32: memref<!tpu.dma_semaphore, #tpu.memory_space<semaphore_mem>>, %arg33: memref<!tpu.dma_semaphore, #tpu.memory_space<semaphore_mem>>, %arg34: memref<!tpu.dma_semaphore, #tpu.memory_space<semaphore_mem>>) attributes {dimension_semantics = [#tpu.dimension_semantics<core_parallel>, #tpu.dimension_semantics<subcore_parallel>], iteration_bounds = array<i64: 2, 16>, scalar_prefetch = 0 : i64, scratch_operands = 28 : i64, tpu.core_type = #tpu.core_type<sc_vector_subcore>, window_params = [{transform_indices = #map}, {transform_indices = #map}, {transform_indices = #map}, {transform_indices = #map1}, {transform_indices = #map2}]} {
    %mul3A = arith.constant 2 : i32
    %mul3A_0 = arith.muli %arg1, %mul3A : i32
    %add3A = arith.addi %mul3A_0, %arg0 : i32
    %lt3A = arith.constant 2 : i32
    %lt3A_1 = arith.cmpi slt, %add3A, %lt3A : i32
    %jit3A = arith.constant 1 : i32
    %jit3A_2 = arith.constant 0 : i32
    %select_n3A = arith.select %lt3A_1, %jit3A, %jit3A_2 : i32
    %add3A_3 = arith.constant 39 : i32
    %add3A_4 = arith.addi %add3A_3, %select_n3A : i32
    %add3A_5 = arith.constant 0 : i32
    %add3A_6 = arith.addi %add3A, %add3A_5 : i32
    %mul3A_7 = arith.constant 128 : i32
    %mul3A_8 = arith.muli %add3A_6, %mul3A_7 : i32
    %dma_start3A = tpu.memref_slice %arg5[%mul3A_8] : memref<320000xi32, #tpu.memory_space<hbm>> -> memref<128xi32, #tpu.memory_space<hbm>>
    %dma_start3A_9 = tpu.memref_slice %arg5[%mul3A_8] : memref<320000xi32, #tpu.memory_space<hbm>> -> memref<128xi32, #tpu.memory_space<hbm>>
    tpu.enqueue_dma source(%dma_start3A_9 : memref<128xi32, #tpu.memory_space<hbm>>) target(%arg7 : memref<128xi32, #tpu.memory_space<vmem>>) target_semaphore(%arg23 : memref<!tpu.dma_semaphore, #tpu.memory_space<semaphore_mem>>)
    %add3A_10 = arith.constant 160000 : i32
    %add3A_11 = arith.addi %add3A_10, %mul3A_8 : i32
    %dma_start3A_12 = tpu.memref_slice %arg5[%add3A_11] : memref<320000xi32, #tpu.memory_space<hbm>> -> memref<128xi32, #tpu.memory_space<hbm>>
    %dma_start3A_13 = tpu.memref_slice %arg5[%add3A_11] : memref<320000xi32, #tpu.memory_space<hbm>> -> memref<128xi32, #tpu.memory_space<hbm>>
    tpu.enqueue_dma source(%dma_start3A_13 : memref<128xi32, #tpu.memory_space<hbm>>) target(%arg9 : memref<128xi32, #tpu.memory_space<vmem>>) target_semaphore(%arg25 : memref<!tpu.dma_semaphore, #tpu.memory_space<semaphore_mem>>)
    %add3A_14 = arith.constant 0 : i32
    %add3A_15 = arith.addi %add3A, %add3A_14 : i32
    %mul3A_16 = arith.constant 128 : i32
    %mul3A_17 = arith.muli %add3A_15, %mul3A_16 : i32
    %add3A_18 = arith.constant 0 : i32
    %add3A_19 = arith.addi %mul3A_17, %add3A_18 : i32
    %jit3A_20 = arith.constant 32000 : i32
    %div3A = arith.divsi %add3A_19, %jit3A_20 : i32
    %sign3A = arith.constant 0 : i32
    %sign3A_21 = arith.cmpi sgt, %add3A_19, %sign3A : i32
    %sign3A_22 = arith.extui %sign3A_21 : i1 to i32
    %sign3A_23 = arith.constant 0 : i32
    %sign3A_24 = arith.cmpi slt, %add3A_19, %sign3A_23 : i32
    %sign3A_25 = arith.extui %sign3A_24 : i1 to i32
    %sign3A_26 = arith.subi %sign3A_22, %sign3A_25 : i32
    %sign3A_27 = arith.constant 0 : i32
    %sign3A_28 = arith.cmpi sgt, %jit3A_20, %sign3A_27 : i32
    %sign3A_29 = arith.extui %sign3A_28 : i1 to i32
    %sign3A_30 = arith.constant 0 : i32
    %sign3A_31 = arith.cmpi slt, %jit3A_20, %sign3A_30 : i32
    %sign3A_32 = arith.extui %sign3A_31 : i1 to i32
    %sign3A_33 = arith.subi %sign3A_29, %sign3A_32 : i32
    %ne3A = arith.cmpi ne, %sign3A_26, %sign3A_33 : i32
    %rem3A = arith.remsi %add3A_19, %jit3A_20 : i32
    %ne3A_34 = arith.constant 0 : i32
    %ne3A_35 = arith.cmpi ne, %rem3A, %ne3A_34 : i32
    %and3A = arith.andi %ne3A, %ne3A_35 : i1
    %sub3A = arith.constant 1 : i32
    %sub3A_36 = arith.subi %div3A, %sub3A : i32
    %select_n3A_37 = arith.select %and3A, %sub3A_36, %div3A : i32
    %jit3A_38 = arith.constant 32000 : i32
    %eq3A = arith.constant 0 : i32
    %eq3A_39 = arith.cmpi eq, %jit3A_38, %eq3A : i32
    %jit3A_40 = arith.constant 1 : i32
    %select_n3A_41 = arith.select %eq3A_39, %jit3A_40, %jit3A_38 : i32
    %rem3A_42 = arith.remsi %add3A_19, %select_n3A_41 : i32
    %ne3A_43 = arith.constant 0 : i32
    %ne3A_44 = arith.cmpi ne, %rem3A_42, %ne3A_43 : i32
    %lt3A_45 = arith.constant 0 : i32
    %lt3A_46 = arith.cmpi slt, %rem3A_42, %lt3A_45 : i32
    %lt3A_47 = arith.constant 0 : i32
    %lt3A_48 = arith.cmpi slt, %select_n3A_41, %lt3A_47 : i32
    %ne3A_49 = arith.xori %lt3A_46, %lt3A_48 : i1
    %and3A_50 = arith.andi %ne3A_49, %ne3A_44 : i1
    %add3A_51 = arith.addi %rem3A_42, %select_n3A_41 : i32
    %select_n3A_52 = arith.select %and3A_50, %add3A_51, %rem3A_42 : i32
    %jit3A_53 = arith.constant 8000 : i32
    %div3A_54 = arith.divsi %select_n3A_52, %jit3A_53 : i32
    %sign3A_55 = arith.constant 0 : i32
    %sign3A_56 = arith.cmpi sgt, %select_n3A_52, %sign3A_55 : i32
    %sign3A_57 = arith.extui %sign3A_56 : i1 to i32
    %sign3A_58 = arith.constant 0 : i32
    %sign3A_59 = arith.cmpi slt, %select_n3A_52, %sign3A_58 : i32
    %sign3A_60 = arith.extui %sign3A_59 : i1 to i32
    %sign3A_61 = arith.subi %sign3A_57, %sign3A_60 : i32
    %sign3A_62 = arith.constant 0 : i32
    %sign3A_63 = arith.cmpi sgt, %jit3A_53, %sign3A_62 : i32
    %sign3A_64 = arith.extui %sign3A_63 : i1 to i32
    %sign3A_65 = arith.constant 0 : i32
    %sign3A_66 = arith.cmpi slt, %jit3A_53, %sign3A_65 : i32
    %sign3A_67 = arith.extui %sign3A_66 : i1 to i32
    %sign3A_68 = arith.subi %sign3A_64, %sign3A_67 : i32
    %ne3A_69 = arith.cmpi ne, %sign3A_61, %sign3A_68 : i32
    %rem3A_70 = arith.remsi %select_n3A_52, %jit3A_53 : i32
    %ne3A_71 = arith.constant 0 : i32
    %ne3A_72 = arith.cmpi ne, %rem3A_70, %ne3A_71 : i32
    %and3A_73 = arith.andi %ne3A_69, %ne3A_72 : i1
    %sub3A_74 = arith.constant 1 : i32
    %sub3A_75 = arith.subi %div3A_54, %sub3A_74 : i32
    %select_n3A_76 = arith.select %and3A_73, %sub3A_75, %div3A_54 : i32
    %jit3A_77 = arith.constant 8000 : i32
    %eq3A_78 = arith.constant 0 : i32
    %eq3A_79 = arith.cmpi eq, %jit3A_77, %eq3A_78 : i32
    %jit3A_80 = arith.constant 1 : i32
    %select_n3A_81 = arith.select %eq3A_79, %jit3A_80, %jit3A_77 : i32
    %rem3A_82 = arith.remsi %select_n3A_52, %select_n3A_81 : i32
    %ne3A_83 = arith.constant 0 : i32
    %ne3A_84 = arith.cmpi ne, %rem3A_82, %ne3A_83 : i32
    %lt3A_85 = arith.constant 0 : i32
    %lt3A_86 = arith.cmpi slt, %rem3A_82, %lt3A_85 : i32
    %lt3A_87 = arith.constant 0 : i32
    %lt3A_88 = arith.cmpi slt, %select_n3A_81, %lt3A_87 : i32
    %ne3A_89 = arith.xori %lt3A_86, %lt3A_88 : i1
    %and3A_90 = arith.andi %ne3A_89, %ne3A_84 : i1
    %add3A_91 = arith.addi %rem3A_82, %select_n3A_81 : i32
    %select_n3A_92 = arith.select %and3A_90, %add3A_91, %rem3A_82 : i32
    %mul3A_93 = arith.constant 8000 : i32
    %mul3A_94 = arith.muli %select_n3A_37, %mul3A_93 : i32
    %add3A_95 = arith.addi %mul3A_94, %select_n3A_92 : i32
    %mul3A_96 = arith.constant 32 : i32
    %mul3A_97 = arith.muli %select_n3A_76, %mul3A_96 : i32
    %dma_start3A_98 = arith.constant 0 : i32
    %dma_start3A_99 = arith.constant 0 : i32
    %dma_start3A_100 = tpu.memref_slice %arg15[%dma_start3A_98, %dma_start3A_99] : memref<128x32xf32, #tpu.memory_space<vmem>> -> memref<32x32xf32, #tpu.memory_space<vmem>>
    %dma_start3A_101 = tpu.memref_slice %arg4[%add3A_95, %mul3A_97] : memref<40000x128xf32, #tpu.memory_space<hbm>> -> memref<32x32xf32, #tpu.memory_space<hbm>>
    %dma_start3A_102 = arith.constant 0 : i32
    %dma_start3A_103 = arith.constant 0 : i32
    %dma_start3A_104 = tpu.memref_slice %arg15[%dma_start3A_102, %dma_start3A_103] : memref<128x32xf32, #tpu.memory_space<vmem>> -> memref<32x32xf32, #tpu.memory_space<vmem>>
    %dma_start3A_105 = tpu.memref_slice %arg4[%add3A_95, %mul3A_97] : memref<40000x128xf32, #tpu.memory_space<hbm>> -> memref<32x32xf32, #tpu.memory_space<hbm>>
    tpu.enqueue_dma source(%dma_start3A_105 : memref<32x32xf32, #tpu.memory_space<hbm>>) target(%dma_start3A_104 : memref<32x32xf32, #tpu.memory_space<vmem>>) target_semaphore(%arg27 : memref<!tpu.dma_semaphore, #tpu.memory_space<semaphore_mem>>)
    %add3A_106 = arith.constant 32 : i32
    %add3A_107 = arith.addi %mul3A_17, %add3A_106 : i32
    %jit3A_108 = arith.constant 32000 : i32
    %div3A_109 = arith.divsi %add3A_107, %jit3A_108 : i32
    %sign3A_110 = arith.constant 0 : i32
    %sign3A_111 = arith.cmpi sgt, %add3A_107, %sign3A_110 : i32
    %sign3A_112 = arith.extui %sign3A_111 : i1 to i32
    %sign3A_113 = arith.constant 0 : i32
    %sign3A_114 = arith.cmpi slt, %add3A_107, %sign3A_113 : i32
    %sign3A_115 = arith.extui %sign3A_114 : i1 to i32
    %sign3A_116 = arith.subi %sign3A_112, %sign3A_115 : i32
    %sign3A_117 = arith.constant 0 : i32
    %sign3A_118 = arith.cmpi sgt, %jit3A_108, %sign3A_117 : i32
    %sign3A_119 = arith.extui %sign3A_118 : i1 to i32
    %sign3A_120 = arith.constant 0 : i32
    %sign3A_121 = arith.cmpi slt, %jit3A_108, %sign3A_120 : i32
    %sign3A_122 = arith.extui %sign3A_121 : i1 to i32
    %sign3A_123 = arith.subi %sign3A_119, %sign3A_122 : i32
    %ne3A_124 = arith.cmpi ne, %sign3A_116, %sign3A_123 : i32
    %rem3A_125 = arith.remsi %add3A_107, %jit3A_108 : i32
    %ne3A_126 = arith.constant 0 : i32
    %ne3A_127 = arith.cmpi ne, %rem3A_125, %ne3A_126 : i32
    %and3A_128 = arith.andi %ne3A_124, %ne3A_127 : i1
    %sub3A_129 = arith.constant 1 : i32
    %sub3A_130 = arith.subi %div3A_109, %sub3A_129 : i32
    %select_n3A_131 = arith.select %and3A_128, %sub3A_130, %div3A_109 : i32
    %jit3A_132 = arith.constant 32000 : i32
    %eq3A_133 = arith.constant 0 : i32
    %eq3A_134 = arith.cmpi eq, %jit3A_132, %eq3A_133 : i32
    %jit3A_135 = arith.constant 1 : i32
    %select_n3A_136 = arith.select %eq3A_134, %jit3A_135, %jit3A_132 : i32
    %rem3A_137 = arith.remsi %add3A_107, %select_n3A_136 : i32
    %ne3A_138 = arith.constant 0 : i32
    %ne3A_139 = arith.cmpi ne, %rem3A_137, %ne3A_138 : i32
    %lt3A_140 = arith.constant 0 : i32
    %lt3A_141 = arith.cmpi slt, %rem3A_137, %lt3A_140 : i32
    %lt3A_142 = arith.constant 0 : i32
    %lt3A_143 = arith.cmpi slt, %select_n3A_136, %lt3A_142 : i32
    %ne3A_144 = arith.xori %lt3A_141, %lt3A_143 : i1
    %and3A_145 = arith.andi %ne3A_144, %ne3A_139 : i1
    %add3A_146 = arith.addi %rem3A_137, %select_n3A_136 : i32
    %select_n3A_147 = arith.select %and3A_145, %add3A_146, %rem3A_137 : i32
    %jit3A_148 = arith.constant 8000 : i32
    %div3A_149 = arith.divsi %select_n3A_147, %jit3A_148 : i32
    %sign3A_150 = arith.constant 0 : i32
    %sign3A_151 = arith.cmpi sgt, %select_n3A_147, %sign3A_150 : i32
    %sign3A_152 = arith.extui %sign3A_151 : i1 to i32
    %sign3A_153 = arith.constant 0 : i32
    %sign3A_154 = arith.cmpi slt, %select_n3A_147, %sign3A_153 : i32
    %sign3A_155 = arith.extui %sign3A_154 : i1 to i32
    %sign3A_156 = arith.subi %sign3A_152, %sign3A_155 : i32
    %sign3A_157 = arith.constant 0 : i32
    %sign3A_158 = arith.cmpi sgt, %jit3A_148, %sign3A_157 : i32
    %sign3A_159 = arith.extui %sign3A_158 : i1 to i32
    %sign3A_160 = arith.constant 0 : i32
    %sign3A_161 = arith.cmpi slt, %jit3A_148, %sign3A_160 : i32
    %sign3A_162 = arith.extui %sign3A_161 : i1 to i32
    %sign3A_163 = arith.subi %sign3A_159, %sign3A_162 : i32
    %ne3A_164 = arith.cmpi ne, %sign3A_156, %sign3A_163 : i32
    %rem3A_165 = arith.remsi %select_n3A_147, %jit3A_148 : i32
    %ne3A_166 = arith.constant 0 : i32
    %ne3A_167 = arith.cmpi ne, %rem3A_165, %ne3A_166 : i32
    %and3A_168 = arith.andi %ne3A_164, %ne3A_167 : i1
    %sub3A_169 = arith.constant 1 : i32
    %sub3A_170 = arith.subi %div3A_149, %sub3A_169 : i32
    %select_n3A_171 = arith.select %and3A_168, %sub3A_170, %div3A_149 : i32
    %jit3A_172 = arith.constant 8000 : i32
    %eq3A_173 = arith.constant 0 : i32
    %eq3A_174 = arith.cmpi eq, %jit3A_172, %eq3A_173 : i32
    %jit3A_175 = arith.constant 1 : i32
    %select_n3A_176 = arith.select %eq3A_174, %jit3A_175, %jit3A_172 : i32
    %rem3A_177 = arith.remsi %select_n3A_147, %select_n3A_176 : i32
    %ne3A_178 = arith.constant 0 : i32
    %ne3A_179 = arith.cmpi ne, %rem3A_177, %ne3A_178 : i32
    %lt3A_180 = arith.constant 0 : i32
    %lt3A_181 = arith.cmpi slt, %rem3A_177, %lt3A_180 : i32
    %lt3A_182 = arith.constant 0 : i32
    %lt3A_183 = arith.cmpi slt, %select_n3A_176, %lt3A_182 : i32
    %ne3A_184 = arith.xori %lt3A_181, %lt3A_183 : i1
    %and3A_185 = arith.andi %ne3A_184, %ne3A_179 : i1
    %add3A_186 = arith.addi %rem3A_177, %select_n3A_176 : i32
    %select_n3A_187 = arith.select %and3A_185, %add3A_186, %rem3A_177 : i32
    %mul3A_188 = arith.constant 8000 : i32
    %mul3A_189 = arith.muli %select_n3A_131, %mul3A_188 : i32
    %add3A_190 = arith.addi %mul3A_189, %select_n3A_187 : i32
    %mul3A_191 = arith.constant 32 : i32
    %mul3A_192 = arith.muli %select_n3A_171, %mul3A_191 : i32
    %dma_start3A_193 = arith.constant 32 : i32
    %dma_start3A_194 = arith.constant 0 : i32
    %dma_start3A_195 = tpu.memref_slice %arg15[%dma_start3A_193, %dma_start3A_194] : memref<128x32xf32, #tpu.memory_space<vmem>> -> memref<32x32xf32, #tpu.memory_space<vmem>>
    %dma_start3A_196 = tpu.memref_slice %arg4[%add3A_190, %mul3A_192] : memref<40000x128xf32, #tpu.memory_space<hbm>> -> memref<32x32xf32, #tpu.memory_space<hbm>>
    %dma_start3A_197 = arith.constant 32 : i32
    %dma_start3A_198 = arith.constant 0 : i32
    %dma_start3A_199 = tpu.memref_slice %arg15[%dma_start3A_197, %dma_start3A_198] : memref<128x32xf32, #tpu.memory_space<vmem>> -> memref<32x32xf32, #tpu.memory_space<vmem>>
    %dma_start3A_200 = tpu.memref_slice %arg4[%add3A_190, %mul3A_192] : memref<40000x128xf32, #tpu.memory_space<hbm>> -> memref<32x32xf32, #tpu.memory_space<hbm>>
    tpu.enqueue_dma source(%dma_start3A_200 : memref<32x32xf32, #tpu.memory_space<hbm>>) target(%dma_start3A_199 : memref<32x32xf32, #tpu.memory_space<vmem>>) target_semaphore(%arg27 : memref<!tpu.dma_semaphore, #tpu.memory_space<semaphore_mem>>)
    %add3A_201 = arith.constant 64 : i32
    %add3A_202 = arith.addi %mul3A_17, %add3A_201 : i32
    %jit3A_203 = arith.constant 32000 : i32
    %div3A_204 = arith.divsi %add3A_202, %jit3A_203 : i32
    %sign3A_205 = arith.constant 0 : i32
    %sign3A_206 = arith.cmpi sgt, %add3A_202, %sign3A_205 : i32
    %sign3A_207 = arith.extui %sign3A_206 : i1 to i32
    %sign3A_208 = arith.constant 0 : i32
    %sign3A_209 = arith.cmpi slt, %add3A_202, %sign3A_208 : i32
    %sign3A_210 = arith.extui %sign3A_209 : i1 to i32
    %sign3A_211 = arith.subi %sign3A_207, %sign3A_210 : i32
    %sign3A_212 = arith.constant 0 : i32
    %sign3A_213 = arith.cmpi sgt, %jit3A_203, %sign3A_212 : i32
    %sign3A_214 = arith.extui %sign3A_213 : i1 to i32
    %sign3A_215 = arith.constant 0 : i32
    %sign3A_216 = arith.cmpi slt, %jit3A_203, %sign3A_215 : i32
    %sign3A_217 = arith.extui %sign3A_216 : i1 to i32
    %sign3A_218 = arith.subi %sign3A_214, %sign3A_217 : i32
    %ne3A_219 = arith.cmpi ne, %sign3A_211, %sign3A_218 : i32
    %rem3A_220 = arith.remsi %add3A_202, %jit3A_203 : i32
    %ne3A_221 = arith.constant 0 : i32
    %ne3A_222 = arith.cmpi ne, %rem3A_220, %ne3A_221 : i32
    %and3A_223 = arith.andi %ne3A_219, %ne3A_222 : i1
    %sub3A_224 = arith.constant 1 : i32
    %sub3A_225 = arith.subi %div3A_204, %sub3A_224 : i32
    %select_n3A_226 = arith.select %and3A_223, %sub3A_225, %div3A_204 : i32
    %jit3A_227 = arith.constant 32000 : i32
    %eq3A_228 = arith.constant 0 : i32
    %eq3A_229 = arith.cmpi eq, %jit3A_227, %eq3A_228 : i32
    %jit3A_230 = arith.constant 1 : i32
    %select_n3A_231 = arith.select %eq3A_229, %jit3A_230, %jit3A_227 : i32
    %rem3A_232 = arith.remsi %add3A_202, %select_n3A_231 : i32
    %ne3A_233 = arith.constant 0 : i32
    %ne3A_234 = arith.cmpi ne, %rem3A_232, %ne3A_233 : i32
    %lt3A_235 = arith.constant 0 : i32
    %lt3A_236 = arith.cmpi slt, %rem3A_232, %lt3A_235 : i32
    %lt3A_237 = arith.constant 0 : i32
    %lt3A_238 = arith.cmpi slt, %select_n3A_231, %lt3A_237 : i32
    %ne3A_239 = arith.xori %lt3A_236, %lt3A_238 : i1
    %and3A_240 = arith.andi %ne3A_239, %ne3A_234 : i1
    %add3A_241 = arith.addi %rem3A_232, %select_n3A_231 : i32
    %select_n3A_242 = arith.select %and3A_240, %add3A_241, %rem3A_232 : i32
    %jit3A_243 = arith.constant 8000 : i32
    %div3A_244 = arith.divsi %select_n3A_242, %jit3A_243 : i32
    %sign3A_245 = arith.constant 0 : i32
    %sign3A_246 = arith.cmpi sgt, %select_n3A_242, %sign3A_245 : i32
    %sign3A_247 = arith.extui %sign3A_246 : i1 to i32
    %sign3A_248 = arith.constant 0 : i32
    %sign3A_249 = arith.cmpi slt, %select_n3A_242, %sign3A_248 : i32
    %sign3A_250 = arith.extui %sign3A_249 : i1 to i32
    %sign3A_251 = arith.subi %sign3A_247, %sign3A_250 : i32
    %sign3A_252 = arith.constant 0 : i32
    %sign3A_253 = arith.cmpi sgt, %jit3A_243, %sign3A_252 : i32
    %sign3A_254 = arith.extui %sign3A_253 : i1 to i32
    %sign3A_255 = arith.constant 0 : i32
    %sign3A_256 = arith.cmpi slt, %jit3A_243, %sign3A_255 : i32
    %sign3A_257 = arith.extui %sign3A_256 : i1 to i32
    %sign3A_258 = arith.subi %sign3A_254, %sign3A_257 : i32
    %ne3A_259 = arith.cmpi ne, %sign3A_251, %sign3A_258 : i32
    %rem3A_260 = arith.remsi %select_n3A_242, %jit3A_243 : i32
    %ne3A_261 = arith.constant 0 : i32
    %ne3A_262 = arith.cmpi ne, %rem3A_260, %ne3A_261 : i32
    %and3A_263 = arith.andi %ne3A_259, %ne3A_262 : i1
    %sub3A_264 = arith.constant 1 : i32
    %sub3A_265 = arith.subi %div3A_244, %sub3A_264 : i32
    %select_n3A_266 = arith.select %and3A_263, %sub3A_265, %div3A_244 : i32
    %jit3A_267 = arith.constant 8000 : i32
    %eq3A_268 = arith.constant 0 : i32
    %eq3A_269 = arith.cmpi eq, %jit3A_267, %eq3A_268 : i32
    %jit3A_270 = arith.constant 1 : i32
    %select_n3A_271 = arith.select %eq3A_269, %jit3A_270, %jit3A_267 : i32
    %rem3A_272 = arith.remsi %select_n3A_242, %select_n3A_271 : i32
    %ne3A_273 = arith.constant 0 : i32
    %ne3A_274 = arith.cmpi ne, %rem3A_272, %ne3A_273 : i32
    %lt3A_275 = arith.constant 0 : i32
    %lt3A_276 = arith.cmpi slt, %rem3A_272, %lt3A_275 : i32
    %lt3A_277 = arith.constant 0 : i32
    %lt3A_278 = arith.cmpi slt, %select_n3A_271, %lt3A_277 : i32
    %ne3A_279 = arith.xori %lt3A_276, %lt3A_278 : i1
    %and3A_280 = arith.andi %ne3A_279, %ne3A_274 : i1
    %add3A_281 = arith.addi %rem3A_272, %select_n3A_271 : i32
    %select_n3A_282 = arith.select %and3A_280, %add3A_281, %rem3A_272 : i32
    %mul3A_283 = arith.constant 8000 : i32
    %mul3A_284 = arith.muli %select_n3A_226, %mul3A_283 : i32
    %add3A_285 = arith.addi %mul3A_284, %select_n3A_282 : i32
    %mul3A_286 = arith.constant 32 : i32
    %mul3A_287 = arith.muli %select_n3A_266, %mul3A_286 : i32
    %dma_start3A_288 = arith.constant 64 : i32
    %dma_start3A_289 = arith.constant 0 : i32
    %dma_start3A_290 = tpu.memref_slice %arg15[%dma_start3A_288, %dma_start3A_289] : memref<128x32xf32, #tpu.memory_space<vmem>> -> memref<32x32xf32, #tpu.memory_space<vmem>>
    %dma_start3A_291 = tpu.memref_slice %arg4[%add3A_285, %mul3A_287] : memref<40000x128xf32, #tpu.memory_space<hbm>> -> memref<32x32xf32, #tpu.memory_space<hbm>>
    %dma_start3A_292 = arith.constant 64 : i32
    %dma_start3A_293 = arith.constant 0 : i32
    %dma_start3A_294 = tpu.memref_slice %arg15[%dma_start3A_292, %dma_start3A_293] : memref<128x32xf32, #tpu.memory_space<vmem>> -> memref<32x32xf32, #tpu.memory_space<vmem>>
    %dma_start3A_295 = tpu.memref_slice %arg4[%add3A_285, %mul3A_287] : memref<40000x128xf32, #tpu.memory_space<hbm>> -> memref<32x32xf32, #tpu.memory_space<hbm>>
    tpu.enqueue_dma source(%dma_start3A_295 : memref<32x32xf32, #tpu.memory_space<hbm>>) target(%dma_start3A_294 : memref<32x32xf32, #tpu.memory_space<vmem>>) target_semaphore(%arg27 : memref<!tpu.dma_semaphore, #tpu.memory_space<semaphore_mem>>)
    %add3A_296 = arith.constant 96 : i32
    %add3A_297 = arith.addi %mul3A_17, %add3A_296 : i32
    %jit3A_298 = arith.constant 32000 : i32
    %div3A_299 = arith.divsi %add3A_297, %jit3A_298 : i32
    %sign3A_300 = arith.constant 0 : i32
    %sign3A_301 = arith.cmpi sgt, %add3A_297, %sign3A_300 : i32
    %sign3A_302 = arith.extui %sign3A_301 : i1 to i32
    %sign3A_303 = arith.constant 0 : i32
    %sign3A_304 = arith.cmpi slt, %add3A_297, %sign3A_303 : i32
    %sign3A_305 = arith.extui %sign3A_304 : i1 to i32
    %sign3A_306 = arith.subi %sign3A_302, %sign3A_305 : i32
    %sign3A_307 = arith.constant 0 : i32
    %sign3A_308 = arith.cmpi sgt, %jit3A_298, %sign3A_307 : i32
    %sign3A_309 = arith.extui %sign3A_308 : i1 to i32
    %sign3A_310 = arith.constant 0 : i32
    %sign3A_311 = arith.cmpi slt, %jit3A_298, %sign3A_310 : i32
    %sign3A_312 = arith.extui %sign3A_311 : i1 to i32
    %sign3A_313 = arith.subi %sign3A_309, %sign3A_312 : i32
    %ne3A_314 = arith.cmpi ne, %sign3A_306, %sign3A_313 : i32
    %rem3A_315 = arith.remsi %add3A_297, %jit3A_298 : i32
    %ne3A_316 = arith.constant 0 : i32
    %ne3A_317 = arith.cmpi ne, %rem3A_315, %ne3A_316 : i32
    %and3A_318 = arith.andi %ne3A_314, %ne3A_317 : i1
    %sub3A_319 = arith.constant 1 : i32
    %sub3A_320 = arith.subi %div3A_299, %sub3A_319 : i32
    %select_n3A_321 = arith.select %and3A_318, %sub3A_320, %div3A_299 : i32
    %jit3A_322 = arith.constant 32000 : i32
    %eq3A_323 = arith.constant 0 : i32
    %eq3A_324 = arith.cmpi eq, %jit3A_322, %eq3A_323 : i32
    %jit3A_325 = arith.constant 1 : i32
    %select_n3A_326 = arith.select %eq3A_324, %jit3A_325, %jit3A_322 : i32
    %rem3A_327 = arith.remsi %add3A_297, %select_n3A_326 : i32
    %ne3A_328 = arith.constant 0 : i32
    %ne3A_329 = arith.cmpi ne, %rem3A_327, %ne3A_328 : i32
    %lt3A_330 = arith.constant 0 : i32
    %lt3A_331 = arith.cmpi slt, %rem3A_327, %lt3A_330 : i32
    %lt3A_332 = arith.constant 0 : i32
    %lt3A_333 = arith.cmpi slt, %select_n3A_326, %lt3A_332 : i32
    %ne3A_334 = arith.xori %lt3A_331, %lt3A_333 : i1
    %and3A_335 = arith.andi %ne3A_334, %ne3A_329 : i1
    %add3A_336 = arith.addi %rem3A_327, %select_n3A_326 : i32
    %select_n3A_337 = arith.select %and3A_335, %add3A_336, %rem3A_327 : i32
    %jit3A_338 = arith.constant 8000 : i32
    %div3A_339 = arith.divsi %select_n3A_337, %jit3A_338 : i32
    %sign3A_340 = arith.constant 0 : i32
    %sign3A_341 = arith.cmpi sgt, %select_n3A_337, %sign3A_340 : i32
    %sign3A_342 = arith.extui %sign3A_341 : i1 to i32
    %sign3A_343 = arith.constant 0 : i32
    %sign3A_344 = arith.cmpi slt, %select_n3A_337, %sign3A_343 : i32
    %sign3A_345 = arith.extui %sign3A_344 : i1 to i32
    %sign3A_346 = arith.subi %sign3A_342, %sign3A_345 : i32
    %sign3A_347 = arith.constant 0 : i32
    %sign3A_348 = arith.cmpi sgt, %jit3A_338, %sign3A_347 : i32
    %sign3A_349 = arith.extui %sign3A_348 : i1 to i32
    %sign3A_350 = arith.constant 0 : i32
    %sign3A_351 = arith.cmpi slt, %jit3A_338, %sign3A_350 : i32
    %sign3A_352 = arith.extui %sign3A_351 : i1 to i32
    %sign3A_353 = arith.subi %sign3A_349, %sign3A_352 : i32
    %ne3A_354 = arith.cmpi ne, %sign3A_346, %sign3A_353 : i32
    %rem3A_355 = arith.remsi %select_n3A_337, %jit3A_338 : i32
    %ne3A_356 = arith.constant 0 : i32
    %ne3A_357 = arith.cmpi ne, %rem3A_355, %ne3A_356 : i32
    %and3A_358 = arith.andi %ne3A_354, %ne3A_357 : i1
    %sub3A_359 = arith.constant 1 : i32
    %sub3A_360 = arith.subi %div3A_339, %sub3A_359 : i32
    %select_n3A_361 = arith.select %and3A_358, %sub3A_360, %div3A_339 : i32
    %jit3A_362 = arith.constant 8000 : i32
    %eq3A_363 = arith.constant 0 : i32
    %eq3A_364 = arith.cmpi eq, %jit3A_362, %eq3A_363 : i32
    %jit3A_365 = arith.constant 1 : i32
    %select_n3A_366 = arith.select %eq3A_364, %jit3A_365, %jit3A_362 : i32
    %rem3A_367 = arith.remsi %select_n3A_337, %select_n3A_366 : i32
    %ne3A_368 = arith.constant 0 : i32
    %ne3A_369 = arith.cmpi ne, %rem3A_367, %ne3A_368 : i32
    %lt3A_370 = arith.constant 0 : i32
    %lt3A_371 = arith.cmpi slt, %rem3A_367, %lt3A_370 : i32
    %lt3A_372 = arith.constant 0 : i32
    %lt3A_373 = arith.cmpi slt, %select_n3A_366, %lt3A_372 : i32
    %ne3A_374 = arith.xori %lt3A_371, %lt3A_373 : i1
    %and3A_375 = arith.andi %ne3A_374, %ne3A_369 : i1
    %add3A_376 = arith.addi %rem3A_367, %select_n3A_366 : i32
    %select_n3A_377 = arith.select %and3A_375, %add3A_376, %rem3A_367 : i32
    %mul3A_378 = arith.constant 8000 : i32
    %mul3A_379 = arith.muli %select_n3A_321, %mul3A_378 : i32
    %add3A_380 = arith.addi %mul3A_379, %select_n3A_377 : i32
    %mul3A_381 = arith.constant 32 : i32
    %mul3A_382 = arith.muli %select_n3A_361, %mul3A_381 : i32
    %dma_start3A_383 = arith.constant 96 : i32
    %dma_start3A_384 = arith.constant 0 : i32
    %dma_start3A_385 = tpu.memref_slice %arg15[%dma_start3A_383, %dma_start3A_384] : memref<128x32xf32, #tpu.memory_space<vmem>> -> memref<32x32xf32, #tpu.memory_space<vmem>>
    %dma_start3A_386 = tpu.memref_slice %arg4[%add3A_380, %mul3A_382] : memref<40000x128xf32, #tpu.memory_space<hbm>> -> memref<32x32xf32, #tpu.memory_space<hbm>>
    %dma_start3A_387 = arith.constant 96 : i32
    %dma_start3A_388 = arith.constant 0 : i32
    %dma_start3A_389 = tpu.memref_slice %arg15[%dma_start3A_387, %dma_start3A_388] : memref<128x32xf32, #tpu.memory_space<vmem>> -> memref<32x32xf32, #tpu.memory_space<vmem>>
    %dma_start3A_390 = tpu.memref_slice %arg4[%add3A_380, %mul3A_382] : memref<40000x128xf32, #tpu.memory_space<hbm>> -> memref<32x32xf32, #tpu.memory_space<hbm>>
    tpu.enqueue_dma source(%dma_start3A_390 : memref<32x32xf32, #tpu.memory_space<hbm>>) target(%dma_start3A_389 : memref<32x32xf32, #tpu.memory_space<vmem>>) target_semaphore(%arg27 : memref<!tpu.dma_semaphore, #tpu.memory_space<semaphore_mem>>)
    %add3A_391 = arith.constant 32 : i32
    %add3A_392 = arith.addi %add3A, %add3A_391 : i32
    %mul3A_393 = arith.constant 128 : i32
    %mul3A_394 = arith.muli %add3A_392, %mul3A_393 : i32
    %dma_start3A_395 = tpu.memref_slice %arg5[%mul3A_394] : memref<320000xi32, #tpu.memory_space<hbm>> -> memref<128xi32, #tpu.memory_space<hbm>>
    %dma_start3A_396 = tpu.memref_slice %arg5[%mul3A_394] : memref<320000xi32, #tpu.memory_space<hbm>> -> memref<128xi32, #tpu.memory_space<hbm>>
    tpu.enqueue_dma source(%dma_start3A_396 : memref<128xi32, #tpu.memory_space<hbm>>) target(%arg8 : memref<128xi32, #tpu.memory_space<vmem>>) target_semaphore(%arg24 : memref<!tpu.dma_semaphore, #tpu.memory_space<semaphore_mem>>)
    %add3A_397 = arith.constant 160000 : i32
    %add3A_398 = arith.addi %add3A_397, %mul3A_394 : i32
    %dma_start3A_399 = tpu.memref_slice %arg5[%add3A_398] : memref<320000xi32, #tpu.memory_space<hbm>> -> memref<128xi32, #tpu.memory_space<hbm>>
    %dma_start3A_400 = tpu.memref_slice %arg5[%add3A_398] : memref<320000xi32, #tpu.memory_space<hbm>> -> memref<128xi32, #tpu.memory_space<hbm>>
    tpu.enqueue_dma source(%dma_start3A_400 : memref<128xi32, #tpu.memory_space<hbm>>) target(%arg10 : memref<128xi32, #tpu.memory_space<vmem>>) target_semaphore(%arg26 : memref<!tpu.dma_semaphore, #tpu.memory_space<semaphore_mem>>)
    %add3A_401 = arith.constant 32 : i32
    %add3A_402 = arith.addi %add3A, %add3A_401 : i32
    %mul3A_403 = arith.constant 128 : i32
    %mul3A_404 = arith.muli %add3A_402, %mul3A_403 : i32
    %add3A_405 = arith.constant 0 : i32
    %add3A_406 = arith.addi %mul3A_404, %add3A_405 : i32
    %jit3A_407 = arith.constant 32000 : i32
    %div3A_408 = arith.divsi %add3A_406, %jit3A_407 : i32
    %sign3A_409 = arith.constant 0 : i32
    %sign3A_410 = arith.cmpi sgt, %add3A_406, %sign3A_409 : i32
    %sign3A_411 = arith.extui %sign3A_410 : i1 to i32
    %sign3A_412 = arith.constant 0 : i32
    %sign3A_413 = arith.cmpi slt, %add3A_406, %sign3A_412 : i32
    %sign3A_414 = arith.extui %sign3A_413 : i1 to i32
    %sign3A_415 = arith.subi %sign3A_411, %sign3A_414 : i32
    %sign3A_416 = arith.constant 0 : i32
    %sign3A_417 = arith.cmpi sgt, %jit3A_407, %sign3A_416 : i32
    %sign3A_418 = arith.extui %sign3A_417 : i1 to i32
    %sign3A_419 = arith.constant 0 : i32
    %sign3A_420 = arith.cmpi slt, %jit3A_407, %sign3A_419 : i32
    %sign3A_421 = arith.extui %sign3A_420 : i1 to i32
    %sign3A_422 = arith.subi %sign3A_418, %sign3A_421 : i32
    %ne3A_423 = arith.cmpi ne, %sign3A_415, %sign3A_422 : i32
    %rem3A_424 = arith.remsi %add3A_406, %jit3A_407 : i32
    %ne3A_425 = arith.constant 0 : i32
    %ne3A_426 = arith.cmpi ne, %rem3A_424, %ne3A_425 : i32
    %and3A_427 = arith.andi %ne3A_423, %ne3A_426 : i1
    %sub3A_428 = arith.constant 1 : i32
    %sub3A_429 = arith.subi %div3A_408, %sub3A_428 : i32
    %select_n3A_430 = arith.select %and3A_427, %sub3A_429, %div3A_408 : i32
    %jit3A_431 = arith.constant 32000 : i32
    %eq3A_432 = arith.constant 0 : i32
    %eq3A_433 = arith.cmpi eq, %jit3A_431, %eq3A_432 : i32
    %jit3A_434 = arith.constant 1 : i32
    %select_n3A_435 = arith.select %eq3A_433, %jit3A_434, %jit3A_431 : i32
    %rem3A_436 = arith.remsi %add3A_406, %select_n3A_435 : i32
    %ne3A_437 = arith.constant 0 : i32
    %ne3A_438 = arith.cmpi ne, %rem3A_436, %ne3A_437 : i32
    %lt3A_439 = arith.constant 0 : i32
    %lt3A_440 = arith.cmpi slt, %rem3A_436, %lt3A_439 : i32
    %lt3A_441 = arith.constant 0 : i32
    %lt3A_442 = arith.cmpi slt, %select_n3A_435, %lt3A_441 : i32
    %ne3A_443 = arith.xori %lt3A_440, %lt3A_442 : i1
    %and3A_444 = arith.andi %ne3A_443, %ne3A_438 : i1
    %add3A_445 = arith.addi %rem3A_436, %select_n3A_435 : i32
    %select_n3A_446 = arith.select %and3A_444, %add3A_445, %rem3A_436 : i32
    %jit3A_447 = arith.constant 8000 : i32
    %div3A_448 = arith.divsi %select_n3A_446, %jit3A_447 : i32
    %sign3A_449 = arith.constant 0 : i32
    %sign3A_450 = arith.cmpi sgt, %select_n3A_446, %sign3A_449 : i32
    %sign3A_451 = arith.extui %sign3A_450 : i1 to i32
    %sign3A_452 = arith.constant 0 : i32
    %sign3A_453 = arith.cmpi slt, %select_n3A_446, %sign3A_452 : i32
    %sign3A_454 = arith.extui %sign3A_453 : i1 to i32
    %sign3A_455 = arith.subi %sign3A_451, %sign3A_454 : i32
    %sign3A_456 = arith.constant 0 : i32
    %sign3A_457 = arith.cmpi sgt, %jit3A_447, %sign3A_456 : i32
    %sign3A_458 = arith.extui %sign3A_457 : i1 to i32
    %sign3A_459 = arith.constant 0 : i32
    %sign3A_460 = arith.cmpi slt, %jit3A_447, %sign3A_459 : i32
    %sign3A_461 = arith.extui %sign3A_460 : i1 to i32
    %sign3A_462 = arith.subi %sign3A_458, %sign3A_461 : i32
    %ne3A_463 = arith.cmpi ne, %sign3A_455, %sign3A_462 : i32
    %rem3A_464 = arith.remsi %select_n3A_446, %jit3A_447 : i32
    %ne3A_465 = arith.constant 0 : i32
    %ne3A_466 = arith.cmpi ne, %rem3A_464, %ne3A_465 : i32
    %and3A_467 = arith.andi %ne3A_463, %ne3A_466 : i1
    %sub3A_468 = arith.constant 1 : i32
    %sub3A_469 = arith.subi %div3A_448, %sub3A_468 : i32
    %select_n3A_470 = arith.select %and3A_467, %sub3A_469, %div3A_448 : i32
    %jit3A_471 = arith.constant 8000 : i32
    %eq3A_472 = arith.constant 0 : i32
    %eq3A_473 = arith.cmpi eq, %jit3A_471, %eq3A_472 : i32
    %jit3A_474 = arith.constant 1 : i32
    %select_n3A_475 = arith.select %eq3A_473, %jit3A_474, %jit3A_471 : i32
    %rem3A_476 = arith.remsi %select_n3A_446, %select_n3A_475 : i32
    %ne3A_477 = arith.constant 0 : i32
    %ne3A_478 = arith.cmpi ne, %rem3A_476, %ne3A_477 : i32
    %lt3A_479 = arith.constant 0 : i32
    %lt3A_480 = arith.cmpi slt, %rem3A_476, %lt3A_479 : i32
    %lt3A_481 = arith.constant 0 : i32
    %lt3A_482 = arith.cmpi slt, %select_n3A_475, %lt3A_481 : i32
    %ne3A_483 = arith.xori %lt3A_480, %lt3A_482 : i1
    %and3A_484 = arith.andi %ne3A_483, %ne3A_478 : i1
    %add3A_485 = arith.addi %rem3A_476, %select_n3A_475 : i32
    %select_n3A_486 = arith.select %and3A_484, %add3A_485, %rem3A_476 : i32
    %mul3A_487 = arith.constant 8000 : i32
    %mul3A_488 = arith.muli %select_n3A_430, %mul3A_487 : i32
    %add3A_489 = arith.addi %mul3A_488, %select_n3A_486 : i32
    %mul3A_490 = arith.constant 32 : i32
    %mul3A_491 = arith.muli %select_n3A_470, %mul3A_490 : i32
    %dma_start3A_492 = arith.constant 0 : i32
    %dma_start3A_493 = arith.constant 0 : i32
    %dma_start3A_494 = tpu.memref_slice %arg16[%dma_start3A_492, %dma_start3A_493] : memref<128x32xf32, #tpu.memory_space<vmem>> -> memref<32x32xf32, #tpu.memory_space<vmem>>
    %dma_start3A_495 = tpu.memref_slice %arg4[%add3A_489, %mul3A_491] : memref<40000x128xf32, #tpu.memory_space<hbm>> -> memref<32x32xf32, #tpu.memory_space<hbm>>
    %dma_start3A_496 = arith.constant 0 : i32
    %dma_start3A_497 = arith.constant 0 : i32
    %dma_start3A_498 = tpu.memref_slice %arg16[%dma_start3A_496, %dma_start3A_497] : memref<128x32xf32, #tpu.memory_space<vmem>> -> memref<32x32xf32, #tpu.memory_space<vmem>>
    %dma_start3A_499 = tpu.memref_slice %arg4[%add3A_489, %mul3A_491] : memref<40000x128xf32, #tpu.memory_space<hbm>> -> memref<32x32xf32, #tpu.memory_space<hbm>>
    tpu.enqueue_dma source(%dma_start3A_499 : memref<32x32xf32, #tpu.memory_space<hbm>>) target(%dma_start3A_498 : memref<32x32xf32, #tpu.memory_space<vmem>>) target_semaphore(%arg28 : memref<!tpu.dma_semaphore, #tpu.memory_space<semaphore_mem>>)
    %add3A_500 = arith.constant 32 : i32
    %add3A_501 = arith.addi %mul3A_404, %add3A_500 : i32
    %jit3A_502 = arith.constant 32000 : i32
    %div3A_503 = arith.divsi %add3A_501, %jit3A_502 : i32
    %sign3A_504 = arith.constant 0 : i32
    %sign3A_505 = arith.cmpi sgt, %add3A_501, %sign3A_504 : i32
    %sign3A_506 = arith.extui %sign3A_505 : i1 to i32
    %sign3A_507 = arith.constant 0 : i32
    %sign3A_508 = arith.cmpi slt, %add3A_501, %sign3A_507 : i32
    %sign3A_509 = arith.extui %sign3A_508 : i1 to i32
    %sign3A_510 = arith.subi %sign3A_506, %sign3A_509 : i32
    %sign3A_511 = arith.constant 0 : i32
    %sign3A_512 = arith.cmpi sgt, %jit3A_502, %sign3A_511 : i32
    %sign3A_513 = arith.extui %sign3A_512 : i1 to i32
    %sign3A_514 = arith.constant 0 : i32
    %sign3A_515 = arith.cmpi slt, %jit3A_502, %sign3A_514 : i32
    %sign3A_516 = arith.extui %sign3A_515 : i1 to i32
    %sign3A_517 = arith.subi %sign3A_513, %sign3A_516 : i32
    %ne3A_518 = arith.cmpi ne, %sign3A_510, %sign3A_517 : i32
    %rem3A_519 = arith.remsi %add3A_501, %jit3A_502 : i32
    %ne3A_520 = arith.constant 0 : i32
    %ne3A_521 = arith.cmpi ne, %rem3A_519, %ne3A_520 : i32
    %and3A_522 = arith.andi %ne3A_518, %ne3A_521 : i1
    %sub3A_523 = arith.constant 1 : i32
    %sub3A_524 = arith.subi %div3A_503, %sub3A_523 : i32
    %select_n3A_525 = arith.select %and3A_522, %sub3A_524, %div3A_503 : i32
    %jit3A_526 = arith.constant 32000 : i32
    %eq3A_527 = arith.constant 0 : i32
    %eq3A_528 = arith.cmpi eq, %jit3A_526, %eq3A_527 : i32
    %jit3A_529 = arith.constant 1 : i32
    %select_n3A_530 = arith.select %eq3A_528, %jit3A_529, %jit3A_526 : i32
    %rem3A_531 = arith.remsi %add3A_501, %select_n3A_530 : i32
    %ne3A_532 = arith.constant 0 : i32
    %ne3A_533 = arith.cmpi ne, %rem3A_531, %ne3A_532 : i32
    %lt3A_534 = arith.constant 0 : i32
    %lt3A_535 = arith.cmpi slt, %rem3A_531, %lt3A_534 : i32
    %lt3A_536 = arith.constant 0 : i32
    %lt3A_537 = arith.cmpi slt, %select_n3A_530, %lt3A_536 : i32
    %ne3A_538 = arith.xori %lt3A_535, %lt3A_537 : i1
    %and3A_539 = arith.andi %ne3A_538, %ne3A_533 : i1
    %add3A_540 = arith.addi %rem3A_531, %select_n3A_530 : i32
    %select_n3A_541 = arith.select %and3A_539, %add3A_540, %rem3A_531 : i32
    %jit3A_542 = arith.constant 8000 : i32
    %div3A_543 = arith.divsi %select_n3A_541, %jit3A_542 : i32
    %sign3A_544 = arith.constant 0 : i32
    %sign3A_545 = arith.cmpi sgt, %select_n3A_541, %sign3A_544 : i32
    %sign3A_546 = arith.extui %sign3A_545 : i1 to i32
    %sign3A_547 = arith.constant 0 : i32
    %sign3A_548 = arith.cmpi slt, %select_n3A_541, %sign3A_547 : i32
    %sign3A_549 = arith.extui %sign3A_548 : i1 to i32
    %sign3A_550 = arith.subi %sign3A_546, %sign3A_549 : i32
    %sign3A_551 = arith.constant 0 : i32
    %sign3A_552 = arith.cmpi sgt, %jit3A_542, %sign3A_551 : i32
    %sign3A_553 = arith.extui %sign3A_552 : i1 to i32
    %sign3A_554 = arith.constant 0 : i32
    %sign3A_555 = arith.cmpi slt, %jit3A_542, %sign3A_554 : i32
    %sign3A_556 = arith.extui %sign3A_555 : i1 to i32
    %sign3A_557 = arith.subi %sign3A_553, %sign3A_556 : i32
    %ne3A_558 = arith.cmpi ne, %sign3A_550, %sign3A_557 : i32
    %rem3A_559 = arith.remsi %select_n3A_541, %jit3A_542 : i32
    %ne3A_560 = arith.constant 0 : i32
    %ne3A_561 = arith.cmpi ne, %rem3A_559, %ne3A_560 : i32
    %and3A_562 = arith.andi %ne3A_558, %ne3A_561 : i1
    %sub3A_563 = arith.constant 1 : i32
    %sub3A_564 = arith.subi %div3A_543, %sub3A_563 : i32
    %select_n3A_565 = arith.select %and3A_562, %sub3A_564, %div3A_543 : i32
    %jit3A_566 = arith.constant 8000 : i32
    %eq3A_567 = arith.constant 0 : i32
    %eq3A_568 = arith.cmpi eq, %jit3A_566, %eq3A_567 : i32
    %jit3A_569 = arith.constant 1 : i32
    %select_n3A_570 = arith.select %eq3A_568, %jit3A_569, %jit3A_566 : i32
    %rem3A_571 = arith.remsi %select_n3A_541, %select_n3A_570 : i32
    %ne3A_572 = arith.constant 0 : i32
    %ne3A_573 = arith.cmpi ne, %rem3A_571, %ne3A_572 : i32
    %lt3A_574 = arith.constant 0 : i32
    %lt3A_575 = arith.cmpi slt, %rem3A_571, %lt3A_574 : i32
    %lt3A_576 = arith.constant 0 : i32
    %lt3A_577 = arith.cmpi slt, %select_n3A_570, %lt3A_576 : i32
    %ne3A_578 = arith.xori %lt3A_575, %lt3A_577 : i1
    %and3A_579 = arith.andi %ne3A_578, %ne3A_573 : i1
    %add3A_580 = arith.addi %rem3A_571, %select_n3A_570 : i32
    %select_n3A_581 = arith.select %and3A_579, %add3A_580, %rem3A_571 : i32
    %mul3A_582 = arith.constant 8000 : i32
    %mul3A_583 = arith.muli %select_n3A_525, %mul3A_582 : i32
    %add3A_584 = arith.addi %mul3A_583, %select_n3A_581 : i32
    %mul3A_585 = arith.constant 32 : i32
    %mul3A_586 = arith.muli %select_n3A_565, %mul3A_585 : i32
    %dma_start3A_587 = arith.constant 32 : i32
    %dma_start3A_588 = arith.constant 0 : i32
    %dma_start3A_589 = tpu.memref_slice %arg16[%dma_start3A_587, %dma_start3A_588] : memref<128x32xf32, #tpu.memory_space<vmem>> -> memref<32x32xf32, #tpu.memory_space<vmem>>
    %dma_start3A_590 = tpu.memref_slice %arg4[%add3A_584, %mul3A_586] : memref<40000x128xf32, #tpu.memory_space<hbm>> -> memref<32x32xf32, #tpu.memory_space<hbm>>
    %dma_start3A_591 = arith.constant 32 : i32
    %dma_start3A_592 = arith.constant 0 : i32
    %dma_start3A_593 = tpu.memref_slice %arg16[%dma_start3A_591, %dma_start3A_592] : memref<128x32xf32, #tpu.memory_space<vmem>> -> memref<32x32xf32, #tpu.memory_space<vmem>>
    %dma_start3A_594 = tpu.memref_slice %arg4[%add3A_584, %mul3A_586] : memref<40000x128xf32, #tpu.memory_space<hbm>> -> memref<32x32xf32, #tpu.memory_space<hbm>>
    tpu.enqueue_dma source(%dma_start3A_594 : memref<32x32xf32, #tpu.memory_space<hbm>>) target(%dma_start3A_593 : memref<32x32xf32, #tpu.memory_space<vmem>>) target_semaphore(%arg28 : memref<!tpu.dma_semaphore, #tpu.memory_space<semaphore_mem>>)
    %add3A_595 = arith.constant 64 : i32
    %add3A_596 = arith.addi %mul3A_404, %add3A_595 : i32
    %jit3A_597 = arith.constant 32000 : i32
    %div3A_598 = arith.divsi %add3A_596, %jit3A_597 : i32
    %sign3A_599 = arith.constant 0 : i32
    %sign3A_600 = arith.cmpi sgt, %add3A_596, %sign3A_599 : i32
    %sign3A_601 = arith.extui %sign3A_600 : i1 to i32
    %sign3A_602 = arith.constant 0 : i32
    %sign3A_603 = arith.cmpi slt, %add3A_596, %sign3A_602 : i32
    %sign3A_604 = arith.extui %sign3A_603 : i1 to i32
    %sign3A_605 = arith.subi %sign3A_601, %sign3A_604 : i32
    %sign3A_606 = arith.constant 0 : i32
    %sign3A_607 = arith.cmpi sgt, %jit3A_597, %sign3A_606 : i32
    %sign3A_608 = arith.extui %sign3A_607 : i1 to i32
    %sign3A_609 = arith.constant 0 : i32
    %sign3A_610 = arith.cmpi slt, %jit3A_597, %sign3A_609 : i32
    %sign3A_611 = arith.extui %sign3A_610 : i1 to i32
    %sign3A_612 = arith.subi %sign3A_608, %sign3A_611 : i32
    %ne3A_613 = arith.cmpi ne, %sign3A_605, %sign3A_612 : i32
    %rem3A_614 = arith.remsi %add3A_596, %jit3A_597 : i32
    %ne3A_615 = arith.constant 0 : i32
    %ne3A_616 = arith.cmpi ne, %rem3A_614, %ne3A_615 : i32
    %and3A_617 = arith.andi %ne3A_613, %ne3A_616 : i1
    %sub3A_618 = arith.constant 1 : i32
    %sub3A_619 = arith.subi %div3A_598, %sub3A_618 : i32
    %select_n3A_620 = arith.select %and3A_617, %sub3A_619, %div3A_598 : i32
    %jit3A_621 = arith.constant 32000 : i32
    %eq3A_622 = arith.constant 0 : i32
    %eq3A_623 = arith.cmpi eq, %jit3A_621, %eq3A_622 : i32
    %jit3A_624 = arith.constant 1 : i32
    %select_n3A_625 = arith.select %eq3A_623, %jit3A_624, %jit3A_621 : i32
    %rem3A_626 = arith.remsi %add3A_596, %select_n3A_625 : i32
    %ne3A_627 = arith.constant 0 : i32
    %ne3A_628 = arith.cmpi ne, %rem3A_626, %ne3A_627 : i32
    %lt3A_629 = arith.constant 0 : i32
    %lt3A_630 = arith.cmpi slt, %rem3A_626, %lt3A_629 : i32
    %lt3A_631 = arith.constant 0 : i32
    %lt3A_632 = arith.cmpi slt, %select_n3A_625, %lt3A_631 : i32
    %ne3A_633 = arith.xori %lt3A_630, %lt3A_632 : i1
    %and3A_634 = arith.andi %ne3A_633, %ne3A_628 : i1
    %add3A_635 = arith.addi %rem3A_626, %select_n3A_625 : i32
    %select_n3A_636 = arith.select %and3A_634, %add3A_635, %rem3A_626 : i32
    %jit3A_637 = arith.constant 8000 : i32
    %div3A_638 = arith.divsi %select_n3A_636, %jit3A_637 : i32
    %sign3A_639 = arith.constant 0 : i32
    %sign3A_640 = arith.cmpi sgt, %select_n3A_636, %sign3A_639 : i32
    %sign3A_641 = arith.extui %sign3A_640 : i1 to i32
    %sign3A_642 = arith.constant 0 : i32
    %sign3A_643 = arith.cmpi slt, %select_n3A_636, %sign3A_642 : i32
    %sign3A_644 = arith.extui %sign3A_643 : i1 to i32
    %sign3A_645 = arith.subi %sign3A_641, %sign3A_644 : i32
    %sign3A_646 = arith.constant 0 : i32
    %sign3A_647 = arith.cmpi sgt, %jit3A_637, %sign3A_646 : i32
    %sign3A_648 = arith.extui %sign3A_647 : i1 to i32
    %sign3A_649 = arith.constant 0 : i32
    %sign3A_650 = arith.cmpi slt, %jit3A_637, %sign3A_649 : i32
    %sign3A_651 = arith.extui %sign3A_650 : i1 to i32
    %sign3A_652 = arith.subi %sign3A_648, %sign3A_651 : i32
    %ne3A_653 = arith.cmpi ne, %sign3A_645, %sign3A_652 : i32
    %rem3A_654 = arith.remsi %select_n3A_636, %jit3A_637 : i32
    %ne3A_655 = arith.constant 0 : i32
    %ne3A_656 = arith.cmpi ne, %rem3A_654, %ne3A_655 : i32
    %and3A_657 = arith.andi %ne3A_653, %ne3A_656 : i1
    %sub3A_658 = arith.constant 1 : i32
    %sub3A_659 = arith.subi %div3A_638, %sub3A_658 : i32
    %select_n3A_660 = arith.select %and3A_657, %sub3A_659, %div3A_638 : i32
    %jit3A_661 = arith.constant 8000 : i32
    %eq3A_662 = arith.constant 0 : i32
    %eq3A_663 = arith.cmpi eq, %jit3A_661, %eq3A_662 : i32
    %jit3A_664 = arith.constant 1 : i32
    %select_n3A_665 = arith.select %eq3A_663, %jit3A_664, %jit3A_661 : i32
    %rem3A_666 = arith.remsi %select_n3A_636, %select_n3A_665 : i32
    %ne3A_667 = arith.constant 0 : i32
    %ne3A_668 = arith.cmpi ne, %rem3A_666, %ne3A_667 : i32
    %lt3A_669 = arith.constant 0 : i32
    %lt3A_670 = arith.cmpi slt, %rem3A_666, %lt3A_669 : i32
    %lt3A_671 = arith.constant 0 : i32
    %lt3A_672 = arith.cmpi slt, %select_n3A_665, %lt3A_671 : i32
    %ne3A_673 = arith.xori %lt3A_670, %lt3A_672 : i1
    %and3A_674 = arith.andi %ne3A_673, %ne3A_668 : i1
    %add3A_675 = arith.addi %rem3A_666, %select_n3A_665 : i32
    %select_n3A_676 = arith.select %and3A_674, %add3A_675, %rem3A_666 : i32
    %mul3A_677 = arith.constant 8000 : i32
    %mul3A_678 = arith.muli %select_n3A_620, %mul3A_677 : i32
    %add3A_679 = arith.addi %mul3A_678, %select_n3A_676 : i32
    %mul3A_680 = arith.constant 32 : i32
    %mul3A_681 = arith.muli %select_n3A_660, %mul3A_680 : i32
    %dma_start3A_682 = arith.constant 64 : i32
    %dma_start3A_683 = arith.constant 0 : i32
    %dma_start3A_684 = tpu.memref_slice %arg16[%dma_start3A_682, %dma_start3A_683] : memref<128x32xf32, #tpu.memory_space<vmem>> -> memref<32x32xf32, #tpu.memory_space<vmem>>
    %dma_start3A_685 = tpu.memref_slice %arg4[%add3A_679, %mul3A_681] : memref<40000x128xf32, #tpu.memory_space<hbm>> -> memref<32x32xf32, #tpu.memory_space<hbm>>
    %dma_start3A_686 = arith.constant 64 : i32
    %dma_start3A_687 = arith.constant 0 : i32
    %dma_start3A_688 = tpu.memref_slice %arg16[%dma_start3A_686, %dma_start3A_687] : memref<128x32xf32, #tpu.memory_space<vmem>> -> memref<32x32xf32, #tpu.memory_space<vmem>>
    %dma_start3A_689 = tpu.memref_slice %arg4[%add3A_679, %mul3A_681] : memref<40000x128xf32, #tpu.memory_space<hbm>> -> memref<32x32xf32, #tpu.memory_space<hbm>>
    tpu.enqueue_dma source(%dma_start3A_689 : memref<32x32xf32, #tpu.memory_space<hbm>>) target(%dma_start3A_688 : memref<32x32xf32, #tpu.memory_space<vmem>>) target_semaphore(%arg28 : memref<!tpu.dma_semaphore, #tpu.memory_space<semaphore_mem>>)
    %add3A_690 = arith.constant 96 : i32
    %add3A_691 = arith.addi %mul3A_404, %add3A_690 : i32
    %jit3A_692 = arith.constant 32000 : i32
    %div3A_693 = arith.divsi %add3A_691, %jit3A_692 : i32
    %sign3A_694 = arith.constant 0 : i32
    %sign3A_695 = arith.cmpi sgt, %add3A_691, %sign3A_694 : i32
    %sign3A_696 = arith.extui %sign3A_695 : i1 to i32
    %sign3A_697 = arith.constant 0 : i32
    %sign3A_698 = arith.cmpi slt, %add3A_691, %sign3A_697 : i32
    %sign3A_699 = arith.extui %sign3A_698 : i1 to i32
    %sign3A_700 = arith.subi %sign3A_696, %sign3A_699 : i32
    %sign3A_701 = arith.constant 0 : i32
    %sign3A_702 = arith.cmpi sgt, %jit3A_692, %sign3A_701 : i32
    %sign3A_703 = arith.extui %sign3A_702 : i1 to i32
    %sign3A_704 = arith.constant 0 : i32
    %sign3A_705 = arith.cmpi slt, %jit3A_692, %sign3A_704 : i32
    %sign3A_706 = arith.extui %sign3A_705 : i1 to i32
    %sign3A_707 = arith.subi %sign3A_703, %sign3A_706 : i32
    %ne3A_708 = arith.cmpi ne, %sign3A_700, %sign3A_707 : i32
    %rem3A_709 = arith.remsi %add3A_691, %jit3A_692 : i32
    %ne3A_710 = arith.constant 0 : i32
    %ne3A_711 = arith.cmpi ne, %rem3A_709, %ne3A_710 : i32
    %and3A_712 = arith.andi %ne3A_708, %ne3A_711 : i1
    %sub3A_713 = arith.constant 1 : i32
    %sub3A_714 = arith.subi %div3A_693, %sub3A_713 : i32
    %select_n3A_715 = arith.select %and3A_712, %sub3A_714, %div3A_693 : i32
    %jit3A_716 = arith.constant 32000 : i32
    %eq3A_717 = arith.constant 0 : i32
    %eq3A_718 = arith.cmpi eq, %jit3A_716, %eq3A_717 : i32
    %jit3A_719 = arith.constant 1 : i32
    %select_n3A_720 = arith.select %eq3A_718, %jit3A_719, %jit3A_716 : i32
    %rem3A_721 = arith.remsi %add3A_691, %select_n3A_720 : i32
    %ne3A_722 = arith.constant 0 : i32
    %ne3A_723 = arith.cmpi ne, %rem3A_721, %ne3A_722 : i32
    %lt3A_724 = arith.constant 0 : i32
    %lt3A_725 = arith.cmpi slt, %rem3A_721, %lt3A_724 : i32
    %lt3A_726 = arith.constant 0 : i32
    %lt3A_727 = arith.cmpi slt, %select_n3A_720, %lt3A_726 : i32
    %ne3A_728 = arith.xori %lt3A_725, %lt3A_727 : i1
    %and3A_729 = arith.andi %ne3A_728, %ne3A_723 : i1
    %add3A_730 = arith.addi %rem3A_721, %select_n3A_720 : i32
    %select_n3A_731 = arith.select %and3A_729, %add3A_730, %rem3A_721 : i32
    %jit3A_732 = arith.constant 8000 : i32
    %div3A_733 = arith.divsi %select_n3A_731, %jit3A_732 : i32
    %sign3A_734 = arith.constant 0 : i32
    %sign3A_735 = arith.cmpi sgt, %select_n3A_731, %sign3A_734 : i32
    %sign3A_736 = arith.extui %sign3A_735 : i1 to i32
    %sign3A_737 = arith.constant 0 : i32
    %sign3A_738 = arith.cmpi slt, %select_n3A_731, %sign3A_737 : i32
    %sign3A_739 = arith.extui %sign3A_738 : i1 to i32
    %sign3A_740 = arith.subi %sign3A_736, %sign3A_739 : i32
    %sign3A_741 = arith.constant 0 : i32
    %sign3A_742 = arith.cmpi sgt, %jit3A_732, %sign3A_741 : i32
    %sign3A_743 = arith.extui %sign3A_742 : i1 to i32
    %sign3A_744 = arith.constant 0 : i32
    %sign3A_745 = arith.cmpi slt, %jit3A_732, %sign3A_744 : i32
    %sign3A_746 = arith.extui %sign3A_745 : i1 to i32
    %sign3A_747 = arith.subi %sign3A_743, %sign3A_746 : i32
    %ne3A_748 = arith.cmpi ne, %sign3A_740, %sign3A_747 : i32
    %rem3A_749 = arith.remsi %select_n3A_731, %jit3A_732 : i32
    %ne3A_750 = arith.constant 0 : i32
    %ne3A_751 = arith.cmpi ne, %rem3A_749, %ne3A_750 : i32
    %and3A_752 = arith.andi %ne3A_748, %ne3A_751 : i1
    %sub3A_753 = arith.constant 1 : i32
    %sub3A_754 = arith.subi %div3A_733, %sub3A_753 : i32
    %select_n3A_755 = arith.select %and3A_752, %sub3A_754, %div3A_733 : i32
    %jit3A_756 = arith.constant 8000 : i32
    %eq3A_757 = arith.constant 0 : i32
    %eq3A_758 = arith.cmpi eq, %jit3A_756, %eq3A_757 : i32
    %jit3A_759 = arith.constant 1 : i32
    %select_n3A_760 = arith.select %eq3A_758, %jit3A_759, %jit3A_756 : i32
    %rem3A_761 = arith.remsi %select_n3A_731, %select_n3A_760 : i32
    %ne3A_762 = arith.constant 0 : i32
    %ne3A_763 = arith.cmpi ne, %rem3A_761, %ne3A_762 : i32
    %lt3A_764 = arith.constant 0 : i32
    %lt3A_765 = arith.cmpi slt, %rem3A_761, %lt3A_764 : i32
    %lt3A_766 = arith.constant 0 : i32
    %lt3A_767 = arith.cmpi slt, %select_n3A_760, %lt3A_766 : i32
    %ne3A_768 = arith.xori %lt3A_765, %lt3A_767 : i1
    %and3A_769 = arith.andi %ne3A_768, %ne3A_763 : i1
    %add3A_770 = arith.addi %rem3A_761, %select_n3A_760 : i32
    %select_n3A_771 = arith.select %and3A_769, %add3A_770, %rem3A_761 : i32
    %mul3A_772 = arith.constant 8000 : i32
    %mul3A_773 = arith.muli %select_n3A_715, %mul3A_772 : i32
    %add3A_774 = arith.addi %mul3A_773, %select_n3A_771 : i32
    %mul3A_775 = arith.constant 32 : i32
    %mul3A_776 = arith.muli %select_n3A_755, %mul3A_775 : i32
    %dma_start3A_777 = arith.constant 96 : i32
    %dma_start3A_778 = arith.constant 0 : i32
    %dma_start3A_779 = tpu.memref_slice %arg16[%dma_start3A_777, %dma_start3A_778] : memref<128x32xf32, #tpu.memory_space<vmem>> -> memref<32x32xf32, #tpu.memory_space<vmem>>
    %dma_start3A_780 = tpu.memref_slice %arg4[%add3A_774, %mul3A_776] : memref<40000x128xf32, #tpu.memory_space<hbm>> -> memref<32x32xf32, #tpu.memory_space<hbm>>
    %dma_start3A_781 = arith.constant 96 : i32
    %dma_start3A_782 = arith.constant 0 : i32
    %dma_start3A_783 = tpu.memref_slice %arg16[%dma_start3A_781, %dma_start3A_782] : memref<128x32xf32, #tpu.memory_space<vmem>> -> memref<32x32xf32, #tpu.memory_space<vmem>>
    %dma_start3A_784 = tpu.memref_slice %arg4[%add3A_774, %mul3A_776] : memref<40000x128xf32, #tpu.memory_space<hbm>> -> memref<32x32xf32, #tpu.memory_space<hbm>>
    tpu.enqueue_dma source(%dma_start3A_784 : memref<32x32xf32, #tpu.memory_space<hbm>>) target(%dma_start3A_783 : memref<32x32xf32, #tpu.memory_space<vmem>>) target_semaphore(%arg28 : memref<!tpu.dma_semaphore, #tpu.memory_space<semaphore_mem>>)
    %broadcast_in_dim3A = arith.constant 0.000000e+00 : f32
    %broadcast_in_dim3A_785 = vector.broadcast %broadcast_in_dim3A : f32 to vector<16xf32>
    %scan3A = arith.constant 0 : i32
    %scan3A_786 = arith.constant 0 : i32
    %scan3A_787 = arith.constant 632 : i32
    %scan3A_788 = arith.addi %scan3A_786, %scan3A_787 : i32
    %scan3A_789 = arith.constant 1 : i32
    scf.for %scan3A_823 = %scan3A_786 to %scan3A_788 step %scan3A_789  : i32 {
      %swap3A = arith.index_cast %scan3A_823 : i32 to index
      %swap3A_824 = arith.constant 0 : index
      %swap3A_825 = tpu.vector_load %arg21[%swap3A, %swap3A_824] {strides = array<i32>} : memref<632x32xf32, #tpu.memory_space<vmem>>, vector<1x16xf32>,
      %swap3A_826 = vector.shape_cast %swap3A_825 : vector<1x16xf32> to vector<16xf32>
      %swap3A_827 = vector.shape_cast %broadcast_in_dim3A_785 : vector<16xf32> to vector<1x16xf32>
      tpu.vector_store %arg21[%swap3A, %swap3A_824], %swap3A_827 {strides = array<i32>} : memref<632x32xf32, #tpu.memory_space<vmem>>, vector<1x16xf32>,
      %swap3A_828 = arith.index_cast %scan3A_823 : i32 to index
      %swap3A_829 = arith.constant 16 : index
      %swap3A_830 = tpu.vector_load %arg21[%swap3A_828, %swap3A_829] {strides = array<i32>} : memref<632x32xf32, #tpu.memory_space<vmem>>, vector<1x16xf32>,
      %swap3A_831 = vector.shape_cast %swap3A_830 : vector<1x16xf32> to vector<16xf32>
      %swap3A_832 = vector.shape_cast %broadcast_in_dim3A_785 : vector<16xf32> to vector<1x16xf32>
      tpu.vector_store %arg21[%swap3A_828, %swap3A_829], %swap3A_832 {strides = array<i32>} : memref<632x32xf32, #tpu.memory_space<vmem>>, vector<1x16xf32>,
    }
    %scan3A_790 = arith.constant 632 : i32
    %mul3A_791 = arith.constant 632 : i32
    %mul3A_792 = arith.muli %arg1, %mul3A_791 : i32
    "tpu.region"() ({
      %run_scoped3A = tpu.sem_alloc : memref<!tpu.dma_semaphore, #tpu.memory_space<semaphore_mem>>
      %dma_start3A_823 = arith.constant 0 : i32
      %dma_start3A_824 = tpu.memref_slice %arg22[%mul3A_792, %dma_start3A_823] : memref<10112x32xf32, #tpu.memory_space<vmem_shared>> -> memref<632x32xf32, #tpu.memory_space<vmem_shared>>
      %dma_start3A_825 = arith.constant 0 : i32
      %dma_start3A_826 = tpu.memref_slice %arg22[%mul3A_792, %dma_start3A_825] : memref<10112x32xf32, #tpu.memory_space<vmem_shared>> -> memref<632x32xf32, #tpu.memory_space<vmem_shared>>
      tpu.enqueue_dma source(%arg21 : memref<632x32xf32, #tpu.memory_space<vmem>>) target(%dma_start3A_826 : memref<632x32xf32, #tpu.memory_space<vmem_shared>>) target_semaphore(%run_scoped3A : memref<!tpu.dma_semaphore, #tpu.memory_space<semaphore_mem>>)
      %dma_wait3A_827 = arith.constant 0 : i32
      %dma_wait3A_828 = tpu.memref_slice %arg22[%mul3A_792, %dma_wait3A_827] : memref<10112x32xf32, #tpu.memory_space<vmem_shared>> -> memref<632x32xf32, #tpu.memory_space<vmem_shared>>
      %dma_wait3A_829 = arith.constant 0 : i32
      %dma_wait3A_830 = tpu.memref_slice %arg22[%mul3A_792, %dma_wait3A_829] : memref<10112x32xf32, #tpu.memory_space<vmem_shared>> -> memref<632x32xf32, #tpu.memory_space<vmem_shared>>
      tpu.wait_dma2 semaphore(%run_scoped3A : memref<!tpu.dma_semaphore, #tpu.memory_space<semaphore_mem>>) src(%arg21 : memref<632x32xf32, #tpu.memory_space<vmem>>) dst(%dma_wait3A_830 : memref<632x32xf32, #tpu.memory_space<vmem_shared>>)
      tpu.yield
    }) : () -> ()
    %barrier3A = arith.constant 0 : index
    tpu.barrier barrier_id(%barrier3A)
    %dma_wait3A = arith.constant 0 : i32
    %dma_wait3A_793 = tpu.memref_slice %arg5[%dma_wait3A] : memref<320000xi32, #tpu.memory_space<hbm>> -> memref<128xi32, #tpu.memory_space<hbm>>
    %dma_wait3A_794 = arith.constant 0 : i32
    %dma_wait3A_795 = tpu.memref_slice %arg5[%dma_wait3A_794] : memref<320000xi32, #tpu.memory_space<hbm>> -> memref<128xi32, #tpu.memory_space<hbm>>
    tpu.wait_dma2 semaphore(%arg23 : memref<!tpu.dma_semaphore, #tpu.memory_space<semaphore_mem>>) src(%dma_wait3A_795 : memref<128xi32, #tpu.memory_space<hbm>>) dst(%arg7 : memref<128xi32, #tpu.memory_space<vmem>>)
    %dma_wait3A_796 = arith.constant 0 : i32
    %dma_wait3A_797 = tpu.memref_slice %arg5[%dma_wait3A_796] : memref<320000xi32, #tpu.memory_space<hbm>> -> memref<128xi32, #tpu.memory_space<hbm>>
    %dma_wait3A_798 = arith.constant 0 : i32
    %dma_wait3A_799 = tpu.memref_slice %arg5[%dma_wait3A_798] : memref<320000xi32, #tpu.memory_space<hbm>> -> memref<128xi32, #tpu.memory_space<hbm>>
    tpu.wait_dma2 semaphore(%arg25 : memref<!tpu.dma_semaphore, #tpu.memory_space<semaphore_mem>>) src(%dma_wait3A_799 : memref<128xi32, #tpu.memory_space<hbm>>) dst(%arg9 : memref<128xi32, #tpu.memory_space<vmem>>)
    %dma_start3A_800 = arith.constant 0 : i32
    %dma_start3A_801 = arith.constant 0 : i32
    %dma_start3A_802 = tpu.memref_slice %arg2[%dma_start3A_800, %dma_start3A_801] : memref<10000x32xf32, #tpu.memory_space<hbm>> -> memref<10000x32xf32, #tpu.memory_space<hbm>>
    tpu.enqueue_indirect_dma source(%dma_start3A_802 : memref<10000x32xf32, #tpu.memory_space<hbm>>) target(%arg11 : memref<128x32xf32, #tpu.memory_space<vmem>>) offsets(%arg7 : memref<128xi32, #tpu.memory_space<vmem>>) semaphore(%arg29 : memref<!tpu.dma_semaphore, #tpu.memory_space<semaphore_mem>>)
    %dma_start3A_803 = arith.constant 0 : i32
    %dma_start3A_804 = arith.constant 0 : i32
    %dma_start3A_805 = tpu.memref_slice %arg3[%dma_start3A_803, %dma_start3A_804] : memref<10000x32xf32, #tpu.memory_space<hbm>> -> memref<10000x32xf32, #tpu.memory_space<hbm>>
    tpu.enqueue_indirect_dma source(%dma_start3A_805 : memref<10000x32xf32, #tpu.memory_space<hbm>>) target(%arg13 : memref<128x32xf32, #tpu.memory_space<vmem>>) offsets(%arg9 : memref<128xi32, #tpu.memory_space<vmem>>) semaphore(%arg31 : memref<!tpu.dma_semaphore, #tpu.memory_space<semaphore_mem>>)
    %scan3A_806 = arith.constant 0 : i32
    %scan3A_807 = arith.constant 0 : i32
    %scan3A_808 = arith.constant 20 : i32
    %scan3A_809 = arith.addi %scan3A_807, %scan3A_808 : i32
    %scan3A_810 = arith.constant 1 : i32
    scf.for %scan3A_823 = %scan3A_807 to %scan3A_809 step %scan3A_810  : i32 {
      %mul3A_824 = arith.constant 2 : i32
      %mul3A_825 = arith.muli %scan3A_823, %mul3A_824 : i32
      %add3A_826 = arith.constant 0 : i32
      %add3A_827 = arith.addi %mul3A_825, %add3A_826 : i32
      %add3A_828 = arith.constant 1 : i32
      %add3A_829 = arith.addi %add3A_827, %add3A_828 : i32
      %lt3A_830 = arith.cmpi slt, %add3A_829, %add3A_4 : i32
      %convert_element_type3A = arith.extui %lt3A_830 : i1 to i32
      %cond3A = arith.constant 0 : i32
      %cond3A_831 = arith.cmpi ne, %convert_element_type3A, %cond3A : i32
      scf.if %cond3A_831 {
        %dma_wait3A_862 = arith.constant 0 : i32
        %dma_wait3A_863 = tpu.memref_slice %arg5[%dma_wait3A_862] : memref<320000xi32, #tpu.memory_space<hbm>> -> memref<128xi32, #tpu.memory_space<hbm>>
        %dma_wait3A_864 = arith.constant 0 : i32
        %dma_wait3A_865 = tpu.memref_slice %arg5[%dma_wait3A_864] : memref<320000xi32, #tpu.memory_space<hbm>> -> memref<128xi32, #tpu.memory_space<hbm>>
        tpu.wait_dma2 semaphore(%arg24 : memref<!tpu.dma_semaphore, #tpu.memory_space<semaphore_mem>>) src(%dma_wait3A_865 : memref<128xi32, #tpu.memory_space<hbm>>) dst(%arg8 : memref<128xi32, #tpu.memory_space<vmem>>)
        %dma_wait3A_866 = arith.constant 0 : i32
        %dma_wait3A_867 = tpu.memref_slice %arg5[%dma_wait3A_866] : memref<320000xi32, #tpu.memory_space<hbm>> -> memref<128xi32, #tpu.memory_space<hbm>>
        %dma_wait3A_868 = arith.constant 0 : i32
        %dma_wait3A_869 = tpu.memref_slice %arg5[%dma_wait3A_868] : memref<320000xi32, #tpu.memory_space<hbm>> -> memref<128xi32, #tpu.memory_space<hbm>>
        tpu.wait_dma2 semaphore(%arg26 : memref<!tpu.dma_semaphore, #tpu.memory_space<semaphore_mem>>) src(%dma_wait3A_869 : memref<128xi32, #tpu.memory_space<hbm>>) dst(%arg10 : memref<128xi32, #tpu.memory_space<vmem>>)
        %dma_start3A_870 = arith.constant 0 : i32
        %dma_start3A_871 = arith.constant 0 : i32
        %dma_start3A_872 = tpu.memref_slice %arg2[%dma_start3A_870, %dma_start3A_871] : memref<10000x32xf32, #tpu.memory_space<hbm>> -> memref<10000x32xf32, #tpu.memory_space<hbm>>
        tpu.enqueue_indirect_dma source(%dma_start3A_872 : memref<10000x32xf32, #tpu.memory_space<hbm>>) target(%arg12 : memref<128x32xf32, #tpu.memory_space<vmem>>) offsets(%arg8 : memref<128xi32, #tpu.memory_space<vmem>>) semaphore(%arg30 : memref<!tpu.dma_semaphore, #tpu.memory_space<semaphore_mem>>)
        %dma_start3A_873 = arith.constant 0 : i32
        %dma_start3A_874 = arith.constant 0 : i32
        %dma_start3A_875 = tpu.memref_slice %arg3[%dma_start3A_873, %dma_start3A_874] : memref<10000x32xf32, #tpu.memory_space<hbm>> -> memref<10000x32xf32, #tpu.memory_space<hbm>>
        tpu.enqueue_indirect_dma source(%dma_start3A_875 : memref<10000x32xf32, #tpu.memory_space<hbm>>) target(%arg14 : memref<128x32xf32, #tpu.memory_space<vmem>>) offsets(%arg10 : memref<128xi32, #tpu.memory_space<vmem>>) semaphore(%arg32 : memref<!tpu.dma_semaphore, #tpu.memory_space<semaphore_mem>>)
      } else {
      }
      %lt3A_832 = arith.cmpi slt, %add3A_827, %add3A_4 : i32
      %convert_element_type3A_833 = arith.extui %lt3A_832 : i1 to i32
      %cond3A_834 = arith.constant 0 : i32
      %cond3A_835 = arith.cmpi ne, %convert_element_type3A_833, %cond3A_834 : i32
      scf.if %cond3A_835 {
        %dma_wait3A_862 = arith.constant 0 : i32
        %dma_wait3A_863 = arith.constant 0 : i32
        %dma_wait3A_864 = tpu.memref_slice %arg2[%dma_wait3A_862, %dma_wait3A_863] : memref<10000x32xf32, #tpu.memory_space<hbm>> -> memref<10000x32xf32, #tpu.memory_space<hbm>>
        tpu.wait_indirect_dma semaphore(%arg29 : memref<!tpu.dma_semaphore, #tpu.memory_space<semaphore_mem>>) src(%dma_wait3A_864 : memref<10000x32xf32, #tpu.memory_space<hbm>>) dst(%arg11 : memref<128x32xf32, #tpu.memory_space<vmem>>)
        %dma_wait3A_865 = arith.constant 0 : i32
        %dma_wait3A_866 = arith.constant 0 : i32
        %dma_wait3A_867 = tpu.memref_slice %arg3[%dma_wait3A_865, %dma_wait3A_866] : memref<10000x32xf32, #tpu.memory_space<hbm>> -> memref<10000x32xf32, #tpu.memory_space<hbm>>
        tpu.wait_indirect_dma semaphore(%arg31 : memref<!tpu.dma_semaphore, #tpu.memory_space<semaphore_mem>>) src(%dma_wait3A_867 : memref<10000x32xf32, #tpu.memory_space<hbm>>) dst(%arg13 : memref<128x32xf32, #tpu.memory_space<vmem>>)
        %dma_wait3A_868 = arith.constant 0 : i32
        %dma_wait3A_869 = arith.constant 0 : i32
        %dma_wait3A_870 = tpu.memref_slice %arg15[%dma_wait3A_868, %dma_wait3A_869] : memref<128x32xf32, #tpu.memory_space<vmem>> -> memref<32x32xf32, #tpu.memory_space<vmem>>
        %dma_wait3A_871 = arith.constant 0 : i32
        %dma_wait3A_872 = arith.constant 0 : i32
        %dma_wait3A_873 = tpu.memref_slice %arg4[%dma_wait3A_871, %dma_wait3A_872] : memref<40000x128xf32, #tpu.memory_space<hbm>> -> memref<32x32xf32, #tpu.memory_space<hbm>>
        %dma_wait3A_874 = arith.constant 0 : i32
        %dma_wait3A_875 = arith.constant 0 : i32
        %dma_wait3A_876 = tpu.memref_slice %arg15[%dma_wait3A_874, %dma_wait3A_875] : memref<128x32xf32, #tpu.memory_space<vmem>> -> memref<32x32xf32, #tpu.memory_space<vmem>>
        %dma_wait3A_877 = arith.constant 0 : i32
        %dma_wait3A_878 = arith.constant 0 : i32
        %dma_wait3A_879 = tpu.memref_slice %arg4[%dma_wait3A_877, %dma_wait3A_878] : memref<40000x128xf32, #tpu.memory_space<hbm>> -> memref<32x32xf32, #tpu.memory_space<hbm>>
        tpu.wait_dma2 semaphore(%arg27 : memref<!tpu.dma_semaphore, #tpu.memory_space<semaphore_mem>>) src(%dma_wait3A_879 : memref<32x32xf32, #tpu.memory_space<hbm>>) dst(%dma_wait3A_876 : memref<32x32xf32, #tpu.memory_space<vmem>>)
        %dma_wait3A_880 = arith.constant 32 : i32
        %dma_wait3A_881 = arith.constant 0 : i32
        %dma_wait3A_882 = tpu.memref_slice %arg15[%dma_wait3A_880, %dma_wait3A_881] : memref<128x32xf32, #tpu.memory_space<vmem>> -> memref<32x32xf32, #tpu.memory_space<vmem>>
        %dma_wait3A_883 = arith.constant 0 : i32
        %dma_wait3A_884 = arith.constant 0 : i32
        %dma_wait3A_885 = tpu.memref_slice %arg4[%dma_wait3A_883, %dma_wait3A_884] : memref<40000x128xf32, #tpu.memory_space<hbm>> -> memref<32x32xf32, #tpu.memory_space<hbm>>
        %dma_wait3A_886 = arith.constant 32 : i32
        %dma_wait3A_887 = arith.constant 0 : i32
        %dma_wait3A_888 = tpu.memref_slice %arg15[%dma_wait3A_886, %dma_wait3A_887] : memref<128x32xf32, #tpu.memory_space<vmem>> -> memref<32x32xf32, #tpu.memory_space<vmem>>
        %dma_wait3A_889 = arith.constant 0 : i32
        %dma_wait3A_890 = arith.constant 0 : i32
        %dma_wait3A_891 = tpu.memref_slice %arg4[%dma_wait3A_889, %dma_wait3A_890] : memref<40000x128xf32, #tpu.memory_space<hbm>> -> memref<32x32xf32, #tpu.memory_space<hbm>>
        tpu.wait_dma2 semaphore(%arg27 : memref<!tpu.dma_semaphore, #tpu.memory_space<semaphore_mem>>) src(%dma_wait3A_891 : memref<32x32xf32, #tpu.memory_space<hbm>>) dst(%dma_wait3A_888 : memref<32x32xf32, #tpu.memory_space<vmem>>)
        %dma_wait3A_892 = arith.constant 64 : i32
        %dma_wait3A_893 = arith.constant 0 : i32
        %dma_wait3A_894 = tpu.memref_slice %arg15[%dma_wait3A_892, %dma_wait3A_893] : memref<128x32xf32, #tpu.memory_space<vmem>> -> memref<32x32xf32, #tpu.memory_space<vmem>>
        %dma_wait3A_895 = arith.constant 0 : i32
        %dma_wait3A_896 = arith.constant 0 : i32
        %dma_wait3A_897 = tpu.memref_slice %arg4[%dma_wait3A_895, %dma_wait3A_896] : memref<40000x128xf32, #tpu.memory_space<hbm>> -> memref<32x32xf32, #tpu.memory_space<hbm>>
        %dma_wait3A_898 = arith.constant 64 : i32
        %dma_wait3A_899 = arith.constant 0 : i32
        %dma_wait3A_900 = tpu.memref_slice %arg15[%dma_wait3A_898, %dma_wait3A_899] : memref<128x32xf32, #tpu.memory_space<vmem>> -> memref<32x32xf32, #tpu.memory_space<vmem>>
        %dma_wait3A_901 = arith.constant 0 : i32
        %dma_wait3A_902 = arith.constant 0 : i32
        %dma_wait3A_903 = tpu.memref_slice %arg4[%dma_wait3A_901, %dma_wait3A_902] : memref<40000x128xf32, #tpu.memory_space<hbm>> -> memref<32x32xf32, #tpu.memory_space<hbm>>
        tpu.wait_dma2 semaphore(%arg27 : memref<!tpu.dma_semaphore, #tpu.memory_space<semaphore_mem>>) src(%dma_wait3A_903 : memref<32x32xf32, #tpu.memory_space<hbm>>) dst(%dma_wait3A_900 : memref<32x32xf32, #tpu.memory_space<vmem>>)
        %dma_wait3A_904 = arith.constant 96 : i32
        %dma_wait3A_905 = arith.constant 0 : i32
        %dma_wait3A_906 = tpu.memref_slice %arg15[%dma_wait3A_904, %dma_wait3A_905] : memref<128x32xf32, #tpu.memory_space<vmem>> -> memref<32x32xf32, #tpu.memory_space<vmem>>
        %dma_wait3A_907 = arith.constant 0 : i32
        %dma_wait3A_908 = arith.constant 0 : i32
        %dma_wait3A_909 = tpu.memref_slice %arg4[%dma_wait3A_907, %dma_wait3A_908] : memref<40000x128xf32, #tpu.memory_space<hbm>> -> memref<32x32xf32, #tpu.memory_space<hbm>>
        %dma_wait3A_910 = arith.constant 96 : i32
        %dma_wait3A_911 = arith.constant 0 : i32
        %dma_wait3A_912 = tpu.memref_slice %arg15[%dma_wait3A_910, %dma_wait3A_911] : memref<128x32xf32, #tpu.memory_space<vmem>> -> memref<32x32xf32, #tpu.memory_space<vmem>>
        %dma_wait3A_913 = arith.constant 0 : i32
        %dma_wait3A_914 = arith.constant 0 : i32
        %dma_wait3A_915 = tpu.memref_slice %arg4[%dma_wait3A_913, %dma_wait3A_914] : memref<40000x128xf32, #tpu.memory_space<hbm>> -> memref<32x32xf32, #tpu.memory_space<hbm>>
        tpu.wait_dma2 semaphore(%arg27 : memref<!tpu.dma_semaphore, #tpu.memory_space<semaphore_mem>>) src(%dma_wait3A_915 : memref<32x32xf32, #tpu.memory_space<hbm>>) dst(%dma_wait3A_912 : memref<32x32xf32, #tpu.memory_space<vmem>>)
        %ge3A = arith.constant 2 : i32
        %ge3A_916 = arith.cmpi sge, %add3A_827, %ge3A : i32
        %convert_element_type3A_917 = arith.extui %ge3A_916 : i1 to i32
        %cond3A_918 = arith.constant 0 : i32
        %cond3A_919 = arith.cmpi ne, %convert_element_type3A_917, %cond3A_918 : i32
        scf.if %cond3A_919 {
          %dma_wait3A_983 = arith.constant 0 : i32
          %dma_wait3A_984 = arith.constant 0 : i32
          %dma_wait3A_985 = tpu.memref_slice %arg22[%dma_wait3A_983, %dma_wait3A_984] : memref<10112x32xf32, #tpu.memory_space<vmem_shared>> -> memref<10112x32xf32, #tpu.memory_space<vmem_shared>>
          tpu.wait_indirect_dma semaphore(%arg33 : memref<!tpu.dma_semaphore, #tpu.memory_space<semaphore_mem>>) src(%arg17 : memref<128x32xf32, #tpu.memory_space<vmem>>) dst(%dma_wait3A_985 : memref<10112x32xf32, #tpu.memory_space<vmem_shared>>)
        } else {
        }
        %scan3A_920 = arith.constant 0 : i32
        %scan3A_921 = arith.constant 0 : i32
        %scan3A_922 = arith.constant 128 : i32
        %scan3A_923 = arith.addi %scan3A_921, %scan3A_922 : i32
        %scan3A_924 = arith.constant 1 : i32
        scf.for %scan3A_983 = %scan3A_921 to %scan3A_923 step %scan3A_924  : i32 {
          %get3A_984 = arith.index_cast %scan3A_983 : i32 to index
          %get3A_985 = arith.constant 0 : index
          %get3A_986 = tpu.vector_load %arg11[%get3A_984, %get3A_985] {strides = array<i32>} : memref<128x32xf32, #tpu.memory_space<vmem>>, vector<1x16xf32>,
          %get3A_987 = vector.shape_cast %get3A_986 : vector<1x16xf32> to vector<16xf32>
          %get3A_988 = arith.index_cast %scan3A_983 : i32 to index
          %get3A_989 = arith.constant 0 : index
          %get3A_990 = tpu.vector_load %arg13[%get3A_988, %get3A_989] {strides = array<i32>} : memref<128x32xf32, #tpu.memory_space<vmem>>, vector<1x16xf32>,
          %get3A_991 = vector.shape_cast %get3A_990 : vector<1x16xf32> to vector<16xf32>
          %add3A_992 = arith.addf %get3A_987, %get3A_991 : vector<16xf32>
          %get3A_993 = arith.index_cast %scan3A_983 : i32 to index
          %get3A_994 = arith.constant 0 : index
          %get3A_995 = tpu.vector_load %arg15[%get3A_993, %get3A_994] {strides = array<i32>} : memref<128x32xf32, #tpu.memory_space<vmem>>, vector<1x16xf32>,
          %get3A_996 = vector.shape_cast %get3A_995 : vector<1x16xf32> to vector<16xf32>
          %add3A_997 = arith.addf %add3A_992, %get3A_996 : vector<16xf32>
          %max3A = arith.constant 0.000000e+00 : f32
          %max3A_998 = vector.broadcast %max3A : f32 to vector<16xf32>
          %max3A_999 = arith.maximumf %add3A_997, %max3A_998 : vector<16xf32>
          %swap3A_1000 = arith.index_cast %scan3A_983 : i32 to index
          %swap3A_1001 = arith.constant 0 : index
          %swap3A_1002 = tpu.vector_load %arg17[%swap3A_1000, %swap3A_1001] {strides = array<i32>} : memref<128x32xf32, #tpu.memory_space<vmem>>, vector<1x16xf32>,
          %swap3A_1003 = vector.shape_cast %swap3A_1002 : vector<1x16xf32> to vector<16xf32>
          %swap3A_1004 = vector.shape_cast %max3A_999 : vector<16xf32> to vector<1x16xf32>
          tpu.vector_store %arg17[%swap3A_1000, %swap3A_1001], %swap3A_1004 {strides = array<i32>} : memref<128x32xf32, #tpu.memory_space<vmem>>, vector<1x16xf32>,
          %get3A_1005 = arith.index_cast %scan3A_983 : i32 to index
          %get3A_1006 = arith.constant 16 : index
          %get3A_1007 = tpu.vector_load %arg11[%get3A_1005, %get3A_1006] {strides = array<i32>} : memref<128x32xf32, #tpu.memory_space<vmem>>, vector<1x16xf32>,
          %get3A_1008 = vector.shape_cast %get3A_1007 : vector<1x16xf32> to vector<16xf32>
          %get3A_1009 = arith.index_cast %scan3A_983 : i32 to index
          %get3A_1010 = arith.constant 16 : index
          %get3A_1011 = tpu.vector_load %arg13[%get3A_1009, %get3A_1010] {strides = array<i32>} : memref<128x32xf32, #tpu.memory_space<vmem>>, vector<1x16xf32>,
          %get3A_1012 = vector.shape_cast %get3A_1011 : vector<1x16xf32> to vector<16xf32>
          %add3A_1013 = arith.addf %get3A_1008, %get3A_1012 : vector<16xf32>
          %get3A_1014 = arith.index_cast %scan3A_983 : i32 to index
          %get3A_1015 = arith.constant 16 : index
          %get3A_1016 = tpu.vector_load %arg15[%get3A_1014, %get3A_1015] {strides = array<i32>} : memref<128x32xf32, #tpu.memory_space<vmem>>, vector<1x16xf32>,
          %get3A_1017 = vector.shape_cast %get3A_1016 : vector<1x16xf32> to vector<16xf32>
          %add3A_1018 = arith.addf %add3A_1013, %get3A_1017 : vector<16xf32>
          %max3A_1019 = arith.constant 0.000000e+00 : f32
          %max3A_1020 = vector.broadcast %max3A_1019 : f32 to vector<16xf32>
          %max3A_1021 = arith.maximumf %add3A_1018, %max3A_1020 : vector<16xf32>
          %swap3A_1022 = arith.index_cast %scan3A_983 : i32 to index
          %swap3A_1023 = arith.constant 16 : index
          %swap3A_1024 = tpu.vector_load %arg17[%swap3A_1022, %swap3A_1023] {strides = array<i32>} : memref<128x32xf32, #tpu.memory_space<vmem>>, vector<1x16xf32>,
          %swap3A_1025 = vector.shape_cast %swap3A_1024 : vector<1x16xf32> to vector<16xf32>
          %swap3A_1026 = vector.shape_cast %max3A_1021 : vector<16xf32> to vector<1x16xf32>
          tpu.vector_store %arg17[%swap3A_1022, %swap3A_1023], %swap3A_1026 {strides = array<i32>} : memref<128x32xf32, #tpu.memory_space<vmem>>, vector<1x16xf32>,
        }
        %scan3A_925 = arith.constant 128 : i32
        %get3A = arith.constant 0 : index
        %get3A_926 = tpu.vector_load %arg7[%get3A] {strides = array<i32>} : memref<128xi32, #tpu.memory_space<vmem>>, vector<16xi32>,
        %get3A_927 = vector.shape_cast %get3A_926 : vector<16xi32> to vector<16xi32>
        %swap3A = arith.constant 0 : index
        %swap3A_928 = tpu.vector_load %arg19[%swap3A] {strides = array<i32>} : memref<128xi32, #tpu.memory_space<vmem>>, vector<16xi32>,
        %swap3A_929 = vector.shape_cast %swap3A_928 : vector<16xi32> to vector<16xi32>
        %swap3A_930 = vector.shape_cast %get3A_927 : vector<16xi32> to vector<16xi32>
        tpu.vector_store %arg19[%swap3A], %swap3A_930 {strides = array<i32>} : memref<128xi32, #tpu.memory_space<vmem>>, vector<16xi32>,
        %get3A_931 = arith.constant 16 : index
        %get3A_932 = tpu.vector_load %arg7[%get3A_931] {strides = array<i32>} : memref<128xi32, #tpu.memory_space<vmem>>, vector<16xi32>,
        %get3A_933 = vector.shape_cast %get3A_932 : vector<16xi32> to vector<16xi32>
        %swap3A_934 = arith.constant 16 : index
        %swap3A_935 = tpu.vector_load %arg19[%swap3A_934] {strides = array<i32>} : memref<128xi32, #tpu.memory_space<vmem>>, vector<16xi32>,
        %swap3A_936 = vector.shape_cast %swap3A_935 : vector<16xi32> to vector<16xi32>
        %swap3A_937 = vector.shape_cast %get3A_933 : vector<16xi32> to vector<16xi32>
        tpu.vector_store %arg19[%swap3A_934], %swap3A_937 {strides = array<i32>} : memref<128xi32, #tpu.memory_space<vmem>>, vector<16xi32>,
        %get3A_938 = arith.constant 32 : index
        %get3A_939 = tpu.vector_load %arg7[%get3A_938] {strides = array<i32>} : memref<128xi32, #tpu.memory_space<vmem>>, vector<16xi32>,
        %get3A_940 = vector.shape_cast %get3A_939 : vector<16xi32> to vector<16xi32>
        %swap3A_941 = arith.constant 32 : index
        %swap3A_942 = tpu.vector_load %arg19[%swap3A_941] {strides = array<i32>} : memref<128xi32, #tpu.memory_space<vmem>>, vector<16xi32>,
        %swap3A_943 = vector.shape_cast %swap3A_942 : vector<16xi32> to vector<16xi32>
        %swap3A_944 = vector.shape_cast %get3A_940 : vector<16xi32> to vector<16xi32>
        tpu.vector_store %arg19[%swap3A_941], %swap3A_944 {strides = array<i32>} : memref<128xi32, #tpu.memory_space<vmem>>, vector<16xi32>,
        %get3A_945 = arith.constant 48 : index
        %get3A_946 = tpu.vector_load %arg7[%get3A_945] {strides = array<i32>} : memref<128xi32, #tpu.memory_space<vmem>>, vector<16xi32>,
        %get3A_947 = vector.shape_cast %get3A_946 : vector<16xi32> to vector<16xi32>
        %swap3A_948 = arith.constant 48 : index
        %swap3A_949 = tpu.vector_load %arg19[%swap3A_948] {strides = array<i32>} : memref<128xi32, #tpu.memory_space<vmem>>, vector<16xi32>,
        %swap3A_950 = vector.shape_cast %swap3A_949 : vector<16xi32> to vector<16xi32>
        %swap3A_951 = vector.shape_cast %get3A_947 : vector<16xi32> to vector<16xi32>
        tpu.vector_store %arg19[%swap3A_948], %swap3A_951 {strides = array<i32>} : memref<128xi32, #tpu.memory_space<vmem>>, vector<16xi32>,
        %get3A_952 = arith.constant 64 : index
        %get3A_953 = tpu.vector_load %arg7[%get3A_952] {strides = array<i32>} : memref<128xi32, #tpu.memory_space<vmem>>, vector<16xi32>,
        %get3A_954 = vector.shape_cast %get3A_953 : vector<16xi32> to vector<16xi32>
        %swap3A_955 = arith.constant 64 : index
        %swap3A_956 = tpu.vector_load %arg19[%swap3A_955] {strides = array<i32>} : memref<128xi32, #tpu.memory_space<vmem>>, vector<16xi32>,
        %swap3A_957 = vector.shape_cast %swap3A_956 : vector<16xi32> to vector<16xi32>
        %swap3A_958 = vector.shape_cast %get3A_954 : vector<16xi32> to vector<16xi32>
        tpu.vector_store %arg19[%swap3A_955], %swap3A_958 {strides = array<i32>} : memref<128xi32, #tpu.memory_space<vmem>>, vector<16xi32>,
        %get3A_959 = arith.constant 80 : index
        %get3A_960 = tpu.vector_load %arg7[%get3A_959] {strides = array<i32>} : memref<128xi32, #tpu.memory_space<vmem>>, vector<16xi32>,
        %get3A_961 = vector.shape_cast %get3A_960 : vector<16xi32> to vector<16xi32>
        %swap3A_962 = arith.constant 80 : index
        %swap3A_963 = tpu.vector_load %arg19[%swap3A_962] {strides = array<i32>} : memref<128xi32, #tpu.memory_space<vmem>>, vector<16xi32>,
        %swap3A_964 = vector.shape_cast %swap3A_963 : vector<16xi32> to vector<16xi32>
        %swap3A_965 = vector.shape_cast %get3A_961 : vector<16xi32> to vector<16xi32>
        tpu.vector_store %arg19[%swap3A_962], %swap3A_965 {strides = array<i32>} : memref<128xi32, #tpu.memory_space<vmem>>, vector<16xi32>,
        %get3A_966 = arith.constant 96 : index
        %get3A_967 = tpu.vector_load %arg7[%get3A_966] {strides = array<i32>} : memref<128xi32, #tpu.memory_space<vmem>>, vector<16xi32>,
        %get3A_968 = vector.shape_cast %get3A_967 : vector<16xi32> to vector<16xi32>
        %swap3A_969 = arith.constant 96 : index
        %swap3A_970 = tpu.vector_load %arg19[%swap3A_969] {strides = array<i32>} : memref<128xi32, #tpu.memory_space<vmem>>, vector<16xi32>,
        %swap3A_971 = vector.shape_cast %swap3A_970 : vector<16xi32> to vector<16xi32>
        %swap3A_972 = vector.shape_cast %get3A_968 : vector<16xi32> to vector<16xi32>
        tpu.vector_store %arg19[%swap3A_969], %swap3A_972 {strides = array<i32>} : memref<128xi32, #tpu.memory_space<vmem>>, vector<16xi32>,
        %get3A_973 = arith.constant 112 : index
        %get3A_974 = tpu.vector_load %arg7[%get3A_973] {strides = array<i32>} : memref<128xi32, #tpu.memory_space<vmem>>, vector<16xi32>,
        %get3A_975 = vector.shape_cast %get3A_974 : vector<16xi32> to vector<16xi32>
        %swap3A_976 = arith.constant 112 : index
        %swap3A_977 = tpu.vector_load %arg19[%swap3A_976] {strides = array<i32>} : memref<128xi32, #tpu.memory_space<vmem>>, vector<16xi32>,
        %swap3A_978 = vector.shape_cast %swap3A_977 : vector<16xi32> to vector<16xi32>
        %swap3A_979 = vector.shape_cast %get3A_975 : vector<16xi32> to vector<16xi32>
        tpu.vector_store %arg19[%swap3A_976], %swap3A_979 {strides = array<i32>} : memref<128xi32, #tpu.memory_space<vmem>>, vector<16xi32>,
        %dma_start3A_980 = arith.constant 0 : i32
        %dma_start3A_981 = arith.constant 0 : i32
        %dma_start3A_982 = tpu.memref_slice %arg22[%dma_start3A_980, %dma_start3A_981] : memref<10112x32xf32, #tpu.memory_space<vmem_shared>> -> memref<10112x32xf32, #tpu.memory_space<vmem_shared>>
        tpu.enqueue_indirect_dma source(%arg17 : memref<128x32xf32, #tpu.memory_space<vmem>>) target(%dma_start3A_982 : memref<10112x32xf32, #tpu.memory_space<vmem_shared>>) offsets(%arg19 : memref<128xi32, #tpu.memory_space<vmem>>) semaphore(%arg33 : memref<!tpu.dma_semaphore, #tpu.memory_space<semaphore_mem>>) {add = true}
      } else {
      }
      %add3A_836 = arith.constant 2 : i32
      %add3A_837 = arith.addi %add3A_827, %add3A_836 : i32
      %lt3A_838 = arith.cmpi slt, %add3A_837, %add3A_4 : i32
      %convert_element_type3A_839 = arith.extui %lt3A_838 : i1 to i32
      %cond3A_840 = arith.constant 0 : i32
      %cond3A_841 = arith.cmpi ne, %convert_element_type3A_839, %cond3A_840 : i32
      scf.if %cond3A_841 {
        %add3A_862 = arith.constant 2 : i32
        %add3A_863 = arith.addi %add3A_827, %add3A_862 : i32
        %mul3A_864 = arith.constant 32 : i32
        %mul3A_865 = arith.muli %mul3A_864, %add3A_863 : i32
        %add3A_866 = arith.addi %add3A, %mul3A_865 : i32
        %mul3A_867 = arith.constant 128 : i32
        %mul3A_868 = arith.muli %add3A_866, %mul3A_867 : i32
        %dma_start3A_869 = tpu.memref_slice %arg5[%mul3A_868] : memref<320000xi32, #tpu.memory_space<hbm>> -> memref<128xi32, #tpu.memory_space<hbm>>
        %dma_start3A_870 = tpu.memref_slice %arg5[%mul3A_868] : memref<320000xi32, #tpu.memory_space<hbm>> -> memref<128xi32, #tpu.memory_space<hbm>>
        tpu.enqueue_dma source(%dma_start3A_870 : memref<128xi32, #tpu.memory_space<hbm>>) target(%arg7 : memref<128xi32, #tpu.memory_space<vmem>>) target_semaphore(%arg23 : memref<!tpu.dma_semaphore, #tpu.memory_space<semaphore_mem>>)
        %add3A_871 = arith.constant 160000 : i32
        %add3A_872 = arith.addi %add3A_871, %mul3A_868 : i32
        %dma_start3A_873 = tpu.memref_slice %arg5[%add3A_872] : memref<320000xi32, #tpu.memory_space<hbm>> -> memref<128xi32, #tpu.memory_space<hbm>>
        %dma_start3A_874 = tpu.memref_slice %arg5[%add3A_872] : memref<320000xi32, #tpu.memory_space<hbm>> -> memref<128xi32, #tpu.memory_space<hbm>>
        tpu.enqueue_dma source(%dma_start3A_874 : memref<128xi32, #tpu.memory_space<hbm>>) target(%arg9 : memref<128xi32, #tpu.memory_space<vmem>>) target_semaphore(%arg25 : memref<!tpu.dma_semaphore, #tpu.memory_space<semaphore_mem>>)
        %add3A_875 = arith.constant 2 : i32
        %add3A_876 = arith.addi %add3A_827, %add3A_875 : i32
        %mul3A_877 = arith.constant 32 : i32
        %mul3A_878 = arith.muli %mul3A_877, %add3A_876 : i32
        %add3A_879 = arith.addi %add3A, %mul3A_878 : i32
        %mul3A_880 = arith.constant 128 : i32
        %mul3A_881 = arith.muli %add3A_879, %mul3A_880 : i32
        %add3A_882 = arith.constant 0 : i32
        %add3A_883 = arith.addi %mul3A_881, %add3A_882 : i32
        %jit3A_884 = arith.constant 32000 : i32
        %div3A_885 = arith.divsi %add3A_883, %jit3A_884 : i32
        %sign3A_886 = arith.constant 0 : i32
        %sign3A_887 = arith.cmpi sgt, %add3A_883, %sign3A_886 : i32
        %sign3A_888 = arith.extui %sign3A_887 : i1 to i32
        %sign3A_889 = arith.constant 0 : i32
        %sign3A_890 = arith.cmpi slt, %add3A_883, %sign3A_889 : i32
        %sign3A_891 = arith.extui %sign3A_890 : i1 to i32
        %sign3A_892 = arith.subi %sign3A_888, %sign3A_891 : i32
        %sign3A_893 = arith.constant 0 : i32
        %sign3A_894 = arith.cmpi sgt, %jit3A_884, %sign3A_893 : i32
        %sign3A_895 = arith.extui %sign3A_894 : i1 to i32
        %sign3A_896 = arith.constant 0 : i32
        %sign3A_897 = arith.cmpi slt, %jit3A_884, %sign3A_896 : i32
        %sign3A_898 = arith.extui %sign3A_897 : i1 to i32
        %sign3A_899 = arith.subi %sign3A_895, %sign3A_898 : i32
        %ne3A_900 = arith.cmpi ne, %sign3A_892, %sign3A_899 : i32
        %rem3A_901 = arith.remsi %add3A_883, %jit3A_884 : i32
        %ne3A_902 = arith.constant 0 : i32
        %ne3A_903 = arith.cmpi ne, %rem3A_901, %ne3A_902 : i32
        %and3A_904 = arith.andi %ne3A_900, %ne3A_903 : i1
        %sub3A_905 = arith.constant 1 : i32
        %sub3A_906 = arith.subi %div3A_885, %sub3A_905 : i32
        %select_n3A_907 = arith.select %and3A_904, %sub3A_906, %div3A_885 : i32
        %jit3A_908 = arith.constant 32000 : i32
        %eq3A_909 = arith.constant 0 : i32
        %eq3A_910 = arith.cmpi eq, %jit3A_908, %eq3A_909 : i32
        %jit3A_911 = arith.constant 1 : i32
        %select_n3A_912 = arith.select %eq3A_910, %jit3A_911, %jit3A_908 : i32
        %rem3A_913 = arith.remsi %add3A_883, %select_n3A_912 : i32
        %ne3A_914 = arith.constant 0 : i32
        %ne3A_915 = arith.cmpi ne, %rem3A_913, %ne3A_914 : i32
        %lt3A_916 = arith.constant 0 : i32
        %lt3A_917 = arith.cmpi slt, %rem3A_913, %lt3A_916 : i32
        %lt3A_918 = arith.constant 0 : i32
        %lt3A_919 = arith.cmpi slt, %select_n3A_912, %lt3A_918 : i32
        %ne3A_920 = arith.xori %lt3A_917, %lt3A_919 : i1
        %and3A_921 = arith.andi %ne3A_920, %ne3A_915 : i1
        %add3A_922 = arith.addi %rem3A_913, %select_n3A_912 : i32
        %select_n3A_923 = arith.select %and3A_921, %add3A_922, %rem3A_913 : i32
        %jit3A_924 = arith.constant 8000 : i32
        %div3A_925 = arith.divsi %select_n3A_923, %jit3A_924 : i32
        %sign3A_926 = arith.constant 0 : i32
        %sign3A_927 = arith.cmpi sgt, %select_n3A_923, %sign3A_926 : i32
        %sign3A_928 = arith.extui %sign3A_927 : i1 to i32
        %sign3A_929 = arith.constant 0 : i32
        %sign3A_930 = arith.cmpi slt, %select_n3A_923, %sign3A_929 : i32
        %sign3A_931 = arith.extui %sign3A_930 : i1 to i32
        %sign3A_932 = arith.subi %sign3A_928, %sign3A_931 : i32
        %sign3A_933 = arith.constant 0 : i32
        %sign3A_934 = arith.cmpi sgt, %jit3A_924, %sign3A_933 : i32
        %sign3A_935 = arith.extui %sign3A_934 : i1 to i32
        %sign3A_936 = arith.constant 0 : i32
        %sign3A_937 = arith.cmpi slt, %jit3A_924, %sign3A_936 : i32
        %sign3A_938 = arith.extui %sign3A_937 : i1 to i32
        %sign3A_939 = arith.subi %sign3A_935, %sign3A_938 : i32
        %ne3A_940 = arith.cmpi ne, %sign3A_932, %sign3A_939 : i32
        %rem3A_941 = arith.remsi %select_n3A_923, %jit3A_924 : i32
        %ne3A_942 = arith.constant 0 : i32
        %ne3A_943 = arith.cmpi ne, %rem3A_941, %ne3A_942 : i32
        %and3A_944 = arith.andi %ne3A_940, %ne3A_943 : i1
        %sub3A_945 = arith.constant 1 : i32
        %sub3A_946 = arith.subi %div3A_925, %sub3A_945 : i32
        %select_n3A_947 = arith.select %and3A_944, %sub3A_946, %div3A_925 : i32
        %jit3A_948 = arith.constant 8000 : i32
        %eq3A_949 = arith.constant 0 : i32
        %eq3A_950 = arith.cmpi eq, %jit3A_948, %eq3A_949 : i32
        %jit3A_951 = arith.constant 1 : i32
        %select_n3A_952 = arith.select %eq3A_950, %jit3A_951, %jit3A_948 : i32
        %rem3A_953 = arith.remsi %select_n3A_923, %select_n3A_952 : i32
        %ne3A_954 = arith.constant 0 : i32
        %ne3A_955 = arith.cmpi ne, %rem3A_953, %ne3A_954 : i32
        %lt3A_956 = arith.constant 0 : i32
        %lt3A_957 = arith.cmpi slt, %rem3A_953, %lt3A_956 : i32
        %lt3A_958 = arith.constant 0 : i32
        %lt3A_959 = arith.cmpi slt, %select_n3A_952, %lt3A_958 : i32
        %ne3A_960 = arith.xori %lt3A_957, %lt3A_959 : i1
        %and3A_961 = arith.andi %ne3A_960, %ne3A_955 : i1
        %add3A_962 = arith.addi %rem3A_953, %select_n3A_952 : i32
        %select_n3A_963 = arith.select %and3A_961, %add3A_962, %rem3A_953 : i32
        %mul3A_964 = arith.constant 8000 : i32
        %mul3A_965 = arith.muli %select_n3A_907, %mul3A_964 : i32
        %add3A_966 = arith.addi %mul3A_965, %select_n3A_963 : i32
        %mul3A_967 = arith.constant 32 : i32
        %mul3A_968 = arith.muli %select_n3A_947, %mul3A_967 : i32
        %dma_start3A_969 = arith.constant 0 : i32
        %dma_start3A_970 = arith.constant 0 : i32
        %dma_start3A_971 = tpu.memref_slice %arg15[%dma_start3A_969, %dma_start3A_970] : memref<128x32xf32, #tpu.memory_space<vmem>> -> memref<32x32xf32, #tpu.memory_space<vmem>>
        %dma_start3A_972 = tpu.memref_slice %arg4[%add3A_966, %mul3A_968] : memref<40000x128xf32, #tpu.memory_space<hbm>> -> memref<32x32xf32, #tpu.memory_space<hbm>>
        %dma_start3A_973 = arith.constant 0 : i32
        %dma_start3A_974 = arith.constant 0 : i32
        %dma_start3A_975 = tpu.memref_slice %arg15[%dma_start3A_973, %dma_start3A_974] : memref<128x32xf32, #tpu.memory_space<vmem>> -> memref<32x32xf32, #tpu.memory_space<vmem>>
        %dma_start3A_976 = tpu.memref_slice %arg4[%add3A_966, %mul3A_968] : memref<40000x128xf32, #tpu.memory_space<hbm>> -> memref<32x32xf32, #tpu.memory_space<hbm>>
        tpu.enqueue_dma source(%dma_start3A_976 : memref<32x32xf32, #tpu.memory_space<hbm>>) target(%dma_start3A_975 : memref<32x32xf32, #tpu.memory_space<vmem>>) target_semaphore(%arg27 : memref<!tpu.dma_semaphore, #tpu.memory_space<semaphore_mem>>)
        %add3A_977 = arith.constant 32 : i32
        %add3A_978 = arith.addi %mul3A_881, %add3A_977 : i32
        %jit3A_979 = arith.constant 32000 : i32
        %div3A_980 = arith.divsi %add3A_978, %jit3A_979 : i32
        %sign3A_981 = arith.constant 0 : i32
        %sign3A_982 = arith.cmpi sgt, %add3A_978, %sign3A_981 : i32
        %sign3A_983 = arith.extui %sign3A_982 : i1 to i32
        %sign3A_984 = arith.constant 0 : i32
        %sign3A_985 = arith.cmpi slt, %add3A_978, %sign3A_984 : i32
        %sign3A_986 = arith.extui %sign3A_985 : i1 to i32
        %sign3A_987 = arith.subi %sign3A_983, %sign3A_986 : i32
        %sign3A_988 = arith.constant 0 : i32
        %sign3A_989 = arith.cmpi sgt, %jit3A_979, %sign3A_988 : i32
        %sign3A_990 = arith.extui %sign3A_989 : i1 to i32
        %sign3A_991 = arith.constant 0 : i32
        %sign3A_992 = arith.cmpi slt, %jit3A_979, %sign3A_991 : i32
        %sign3A_993 = arith.extui %sign3A_992 : i1 to i32
        %sign3A_994 = arith.subi %sign3A_990, %sign3A_993 : i32
        %ne3A_995 = arith.cmpi ne, %sign3A_987, %sign3A_994 : i32
        %rem3A_996 = arith.remsi %add3A_978, %jit3A_979 : i32
        %ne3A_997 = arith.constant 0 : i32
        %ne3A_998 = arith.cmpi ne, %rem3A_996, %ne3A_997 : i32
        %and3A_999 = arith.andi %ne3A_995, %ne3A_998 : i1
        %sub3A_1000 = arith.constant 1 : i32
        %sub3A_1001 = arith.subi %div3A_980, %sub3A_1000 : i32
        %select_n3A_1002 = arith.select %and3A_999, %sub3A_1001, %div3A_980 : i32
        %jit3A_1003 = arith.constant 32000 : i32
        %eq3A_1004 = arith.constant 0 : i32
        %eq3A_1005 = arith.cmpi eq, %jit3A_1003, %eq3A_1004 : i32
        %jit3A_1006 = arith.constant 1 : i32
        %select_n3A_1007 = arith.select %eq3A_1005, %jit3A_1006, %jit3A_1003 : i32
        %rem3A_1008 = arith.remsi %add3A_978, %select_n3A_1007 : i32
        %ne3A_1009 = arith.constant 0 : i32
        %ne3A_1010 = arith.cmpi ne, %rem3A_1008, %ne3A_1009 : i32
        %lt3A_1011 = arith.constant 0 : i32
        %lt3A_1012 = arith.cmpi slt, %rem3A_1008, %lt3A_1011 : i32
        %lt3A_1013 = arith.constant 0 : i32
        %lt3A_1014 = arith.cmpi slt, %select_n3A_1007, %lt3A_1013 : i32
        %ne3A_1015 = arith.xori %lt3A_1012, %lt3A_1014 : i1
        %and3A_1016 = arith.andi %ne3A_1015, %ne3A_1010 : i1
        %add3A_1017 = arith.addi %rem3A_1008, %select_n3A_1007 : i32
        %select_n3A_1018 = arith.select %and3A_1016, %add3A_1017, %rem3A_1008 : i32
        %jit3A_1019 = arith.constant 8000 : i32
        %div3A_1020 = arith.divsi %select_n3A_1018, %jit3A_1019 : i32
        %sign3A_1021 = arith.constant 0 : i32
        %sign3A_1022 = arith.cmpi sgt, %select_n3A_1018, %sign3A_1021 : i32
        %sign3A_1023 = arith.extui %sign3A_1022 : i1 to i32
        %sign3A_1024 = arith.constant 0 : i32
        %sign3A_1025 = arith.cmpi slt, %select_n3A_1018, %sign3A_1024 : i32
        %sign3A_1026 = arith.extui %sign3A_1025 : i1 to i32
        %sign3A_1027 = arith.subi %sign3A_1023, %sign3A_1026 : i32
        %sign3A_1028 = arith.constant 0 : i32
        %sign3A_1029 = arith.cmpi sgt, %jit3A_1019, %sign3A_1028 : i32
        %sign3A_1030 = arith.extui %sign3A_1029 : i1 to i32
        %sign3A_1031 = arith.constant 0 : i32
        %sign3A_1032 = arith.cmpi slt, %jit3A_1019, %sign3A_1031 : i32
        %sign3A_1033 = arith.extui %sign3A_1032 : i1 to i32
        %sign3A_1034 = arith.subi %sign3A_1030, %sign3A_1033 : i32
        %ne3A_1035 = arith.cmpi ne, %sign3A_1027, %sign3A_1034 : i32
        %rem3A_1036 = arith.remsi %select_n3A_1018, %jit3A_1019 : i32
        %ne3A_1037 = arith.constant 0 : i32
        %ne3A_1038 = arith.cmpi ne, %rem3A_1036, %ne3A_1037 : i32
        %and3A_1039 = arith.andi %ne3A_1035, %ne3A_1038 : i1
        %sub3A_1040 = arith.constant 1 : i32
        %sub3A_1041 = arith.subi %div3A_1020, %sub3A_1040 : i32
        %select_n3A_1042 = arith.select %and3A_1039, %sub3A_1041, %div3A_1020 : i32
        %jit3A_1043 = arith.constant 8000 : i32
        %eq3A_1044 = arith.constant 0 : i32
        %eq3A_1045 = arith.cmpi eq, %jit3A_1043, %eq3A_1044 : i32
        %jit3A_1046 = arith.constant 1 : i32
        %select_n3A_1047 = arith.select %eq3A_1045, %jit3A_1046, %jit3A_1043 : i32
        %rem3A_1048 = arith.remsi %select_n3A_1018, %select_n3A_1047 : i32
        %ne3A_1049 = arith.constant 0 : i32
        %ne3A_1050 = arith.cmpi ne, %rem3A_1048, %ne3A_1049 : i32
        %lt3A_1051 = arith.constant 0 : i32
        %lt3A_1052 = arith.cmpi slt, %rem3A_1048, %lt3A_1051 : i32
        %lt3A_1053 = arith.constant 0 : i32
        %lt3A_1054 = arith.cmpi slt, %select_n3A_1047, %lt3A_1053 : i32
        %ne3A_1055 = arith.xori %lt3A_1052, %lt3A_1054 : i1
        %and3A_1056 = arith.andi %ne3A_1055, %ne3A_1050 : i1
        %add3A_1057 = arith.addi %rem3A_1048, %select_n3A_1047 : i32
        %select_n3A_1058 = arith.select %and3A_1056, %add3A_1057, %rem3A_1048 : i32
        %mul3A_1059 = arith.constant 8000 : i32
        %mul3A_1060 = arith.muli %select_n3A_1002, %mul3A_1059 : i32
        %add3A_1061 = arith.addi %mul3A_1060, %select_n3A_1058 : i32
        %mul3A_1062 = arith.constant 32 : i32
        %mul3A_1063 = arith.muli %select_n3A_1042, %mul3A_1062 : i32
        %dma_start3A_1064 = arith.constant 32 : i32
        %dma_start3A_1065 = arith.constant 0 : i32
        %dma_start3A_1066 = tpu.memref_slice %arg15[%dma_start3A_1064, %dma_start3A_1065] : memref<128x32xf32, #tpu.memory_space<vmem>> -> memref<32x32xf32, #tpu.memory_space<vmem>>
        %dma_start3A_1067 = tpu.memref_slice %arg4[%add3A_1061, %mul3A_1063] : memref<40000x128xf32, #tpu.memory_space<hbm>> -> memref<32x32xf32, #tpu.memory_space<hbm>>
        %dma_start3A_1068 = arith.constant 32 : i32
        %dma_start3A_1069 = arith.constant 0 : i32
        %dma_start3A_1070 = tpu.memref_slice %arg15[%dma_start3A_1068, %dma_start3A_1069] : memref<128x32xf32, #tpu.memory_space<vmem>> -> memref<32x32xf32, #tpu.memory_space<vmem>>
        %dma_start3A_1071 = tpu.memref_slice %arg4[%add3A_1061, %mul3A_1063] : memref<40000x128xf32, #tpu.memory_space<hbm>> -> memref<32x32xf32, #tpu.memory_space<hbm>>
        tpu.enqueue_dma source(%dma_start3A_1071 : memref<32x32xf32, #tpu.memory_space<hbm>>) target(%dma_start3A_1070 : memref<32x32xf32, #tpu.memory_space<vmem>>) target_semaphore(%arg27 : memref<!tpu.dma_semaphore, #tpu.memory_space<semaphore_mem>>)
        %add3A_1072 = arith.constant 64 : i32
        %add3A_1073 = arith.addi %mul3A_881, %add3A_1072 : i32
        %jit3A_1074 = arith.constant 32000 : i32
        %div3A_1075 = arith.divsi %add3A_1073, %jit3A_1074 : i32
        %sign3A_1076 = arith.constant 0 : i32
        %sign3A_1077 = arith.cmpi sgt, %add3A_1073, %sign3A_1076 : i32
        %sign3A_1078 = arith.extui %sign3A_1077 : i1 to i32
        %sign3A_1079 = arith.constant 0 : i32
        %sign3A_1080 = arith.cmpi slt, %add3A_1073, %sign3A_1079 : i32
        %sign3A_1081 = arith.extui %sign3A_1080 : i1 to i32
        %sign3A_1082 = arith.subi %sign3A_1078, %sign3A_1081 : i32
        %sign3A_1083 = arith.constant 0 : i32
        %sign3A_1084 = arith.cmpi sgt, %jit3A_1074, %sign3A_1083 : i32
        %sign3A_1085 = arith.extui %sign3A_1084 : i1 to i32
        %sign3A_1086 = arith.constant 0 : i32
        %sign3A_1087 = arith.cmpi slt, %jit3A_1074, %sign3A_1086 : i32
        %sign3A_1088 = arith.extui %sign3A_1087 : i1 to i32
        %sign3A_1089 = arith.subi %sign3A_1085, %sign3A_1088 : i32
        %ne3A_1090 = arith.cmpi ne, %sign3A_1082, %sign3A_1089 : i32
        %rem3A_1091 = arith.remsi %add3A_1073, %jit3A_1074 : i32
        %ne3A_1092 = arith.constant 0 : i32
        %ne3A_1093 = arith.cmpi ne, %rem3A_1091, %ne3A_1092 : i32
        %and3A_1094 = arith.andi %ne3A_1090, %ne3A_1093 : i1
        %sub3A_1095 = arith.constant 1 : i32
        %sub3A_1096 = arith.subi %div3A_1075, %sub3A_1095 : i32
        %select_n3A_1097 = arith.select %and3A_1094, %sub3A_1096, %div3A_1075 : i32
        %jit3A_1098 = arith.constant 32000 : i32
        %eq3A_1099 = arith.constant 0 : i32
        %eq3A_1100 = arith.cmpi eq, %jit3A_1098, %eq3A_1099 : i32
        %jit3A_1101 = arith.constant 1 : i32
        %select_n3A_1102 = arith.select %eq3A_1100, %jit3A_1101, %jit3A_1098 : i32
        %rem3A_1103 = arith.remsi %add3A_1073, %select_n3A_1102 : i32
        %ne3A_1104 = arith.constant 0 : i32
        %ne3A_1105 = arith.cmpi ne, %rem3A_1103, %ne3A_1104 : i32
        %lt3A_1106 = arith.constant 0 : i32
        %lt3A_1107 = arith.cmpi slt, %rem3A_1103, %lt3A_1106 : i32
        %lt3A_1108 = arith.constant 0 : i32
        %lt3A_1109 = arith.cmpi slt, %select_n3A_1102, %lt3A_1108 : i32
        %ne3A_1110 = arith.xori %lt3A_1107, %lt3A_1109 : i1
        %and3A_1111 = arith.andi %ne3A_1110, %ne3A_1105 : i1
        %add3A_1112 = arith.addi %rem3A_1103, %select_n3A_1102 : i32
        %select_n3A_1113 = arith.select %and3A_1111, %add3A_1112, %rem3A_1103 : i32
        %jit3A_1114 = arith.constant 8000 : i32
        %div3A_1115 = arith.divsi %select_n3A_1113, %jit3A_1114 : i32
        %sign3A_1116 = arith.constant 0 : i32
        %sign3A_1117 = arith.cmpi sgt, %select_n3A_1113, %sign3A_1116 : i32
        %sign3A_1118 = arith.extui %sign3A_1117 : i1 to i32
        %sign3A_1119 = arith.constant 0 : i32
        %sign3A_1120 = arith.cmpi slt, %select_n3A_1113, %sign3A_1119 : i32
        %sign3A_1121 = arith.extui %sign3A_1120 : i1 to i32
        %sign3A_1122 = arith.subi %sign3A_1118, %sign3A_1121 : i32
        %sign3A_1123 = arith.constant 0 : i32
        %sign3A_1124 = arith.cmpi sgt, %jit3A_1114, %sign3A_1123 : i32
        %sign3A_1125 = arith.extui %sign3A_1124 : i1 to i32
        %sign3A_1126 = arith.constant 0 : i32
        %sign3A_1127 = arith.cmpi slt, %jit3A_1114, %sign3A_1126 : i32
        %sign3A_1128 = arith.extui %sign3A_1127 : i1 to i32
        %sign3A_1129 = arith.subi %sign3A_1125, %sign3A_1128 : i32
        %ne3A_1130 = arith.cmpi ne, %sign3A_1122, %sign3A_1129 : i32
        %rem3A_1131 = arith.remsi %select_n3A_1113, %jit3A_1114 : i32
        %ne3A_1132 = arith.constant 0 : i32
        %ne3A_1133 = arith.cmpi ne, %rem3A_1131, %ne3A_1132 : i32
        %and3A_1134 = arith.andi %ne3A_1130, %ne3A_1133 : i1
        %sub3A_1135 = arith.constant 1 : i32
        %sub3A_1136 = arith.subi %div3A_1115, %sub3A_1135 : i32
        %select_n3A_1137 = arith.select %and3A_1134, %sub3A_1136, %div3A_1115 : i32
        %jit3A_1138 = arith.constant 8000 : i32
        %eq3A_1139 = arith.constant 0 : i32
        %eq3A_1140 = arith.cmpi eq, %jit3A_1138, %eq3A_1139 : i32
        %jit3A_1141 = arith.constant 1 : i32
        %select_n3A_1142 = arith.select %eq3A_1140, %jit3A_1141, %jit3A_1138 : i32
        %rem3A_1143 = arith.remsi %select_n3A_1113, %select_n3A_1142 : i32
        %ne3A_1144 = arith.constant 0 : i32
        %ne3A_1145 = arith.cmpi ne, %rem3A_1143, %ne3A_1144 : i32
        %lt3A_1146 = arith.constant 0 : i32
        %lt3A_1147 = arith.cmpi slt, %rem3A_1143, %lt3A_1146 : i32
        %lt3A_1148 = arith.constant 0 : i32
        %lt3A_1149 = arith.cmpi slt, %select_n3A_1142, %lt3A_1148 : i32
        %ne3A_1150 = arith.xori %lt3A_1147, %lt3A_1149 : i1
        %and3A_1151 = arith.andi %ne3A_1150, %ne3A_1145 : i1
        %add3A_1152 = arith.addi %rem3A_1143, %select_n3A_1142 : i32
        %select_n3A_1153 = arith.select %and3A_1151, %add3A_1152, %rem3A_1143 : i32
        %mul3A_1154 = arith.constant 8000 : i32
        %mul3A_1155 = arith.muli %select_n3A_1097, %mul3A_1154 : i32
        %add3A_1156 = arith.addi %mul3A_1155, %select_n3A_1153 : i32
        %mul3A_1157 = arith.constant 32 : i32
        %mul3A_1158 = arith.muli %select_n3A_1137, %mul3A_1157 : i32
        %dma_start3A_1159 = arith.constant 64 : i32
        %dma_start3A_1160 = arith.constant 0 : i32
        %dma_start3A_1161 = tpu.memref_slice %arg15[%dma_start3A_1159, %dma_start3A_1160] : memref<128x32xf32, #tpu.memory_space<vmem>> -> memref<32x32xf32, #tpu.memory_space<vmem>>
        %dma_start3A_1162 = tpu.memref_slice %arg4[%add3A_1156, %mul3A_1158] : memref<40000x128xf32, #tpu.memory_space<hbm>> -> memref<32x32xf32, #tpu.memory_space<hbm>>
        %dma_start3A_1163 = arith.constant 64 : i32
        %dma_start3A_1164 = arith.constant 0 : i32
        %dma_start3A_1165 = tpu.memref_slice %arg15[%dma_start3A_1163, %dma_start3A_1164] : memref<128x32xf32, #tpu.memory_space<vmem>> -> memref<32x32xf32, #tpu.memory_space<vmem>>
        %dma_start3A_1166 = tpu.memref_slice %arg4[%add3A_1156, %mul3A_1158] : memref<40000x128xf32, #tpu.memory_space<hbm>> -> memref<32x32xf32, #tpu.memory_space<hbm>>
        tpu.enqueue_dma source(%dma_start3A_1166 : memref<32x32xf32, #tpu.memory_space<hbm>>) target(%dma_start3A_1165 : memref<32x32xf32, #tpu.memory_space<vmem>>) target_semaphore(%arg27 : memref<!tpu.dma_semaphore, #tpu.memory_space<semaphore_mem>>)
        %add3A_1167 = arith.constant 96 : i32
        %add3A_1168 = arith.addi %mul3A_881, %add3A_1167 : i32
        %jit3A_1169 = arith.constant 32000 : i32
        %div3A_1170 = arith.divsi %add3A_1168, %jit3A_1169 : i32
        %sign3A_1171 = arith.constant 0 : i32
        %sign3A_1172 = arith.cmpi sgt, %add3A_1168, %sign3A_1171 : i32
        %sign3A_1173 = arith.extui %sign3A_1172 : i1 to i32
        %sign3A_1174 = arith.constant 0 : i32
        %sign3A_1175 = arith.cmpi slt, %add3A_1168, %sign3A_1174 : i32
        %sign3A_1176 = arith.extui %sign3A_1175 : i1 to i32
        %sign3A_1177 = arith.subi %sign3A_1173, %sign3A_1176 : i32
        %sign3A_1178 = arith.constant 0 : i32
        %sign3A_1179 = arith.cmpi sgt, %jit3A_1169, %sign3A_1178 : i32
        %sign3A_1180 = arith.extui %sign3A_1179 : i1 to i32
        %sign3A_1181 = arith.constant 0 : i32
        %sign3A_1182 = arith.cmpi slt, %jit3A_1169, %sign3A_1181 : i32
        %sign3A_1183 = arith.extui %sign3A_1182 : i1 to i32
        %sign3A_1184 = arith.subi %sign3A_1180, %sign3A_1183 : i32
        %ne3A_1185 = arith.cmpi ne, %sign3A_1177, %sign3A_1184 : i32
        %rem3A_1186 = arith.remsi %add3A_1168, %jit3A_1169 : i32
        %ne3A_1187 = arith.constant 0 : i32
        %ne3A_1188 = arith.cmpi ne, %rem3A_1186, %ne3A_1187 : i32
        %and3A_1189 = arith.andi %ne3A_1185, %ne3A_1188 : i1
        %sub3A_1190 = arith.constant 1 : i32
        %sub3A_1191 = arith.subi %div3A_1170, %sub3A_1190 : i32
        %select_n3A_1192 = arith.select %and3A_1189, %sub3A_1191, %div3A_1170 : i32
        %jit3A_1193 = arith.constant 32000 : i32
        %eq3A_1194 = arith.constant 0 : i32
        %eq3A_1195 = arith.cmpi eq, %jit3A_1193, %eq3A_1194 : i32
        %jit3A_1196 = arith.constant 1 : i32
        %select_n3A_1197 = arith.select %eq3A_1195, %jit3A_1196, %jit3A_1193 : i32
        %rem3A_1198 = arith.remsi %add3A_1168, %select_n3A_1197 : i32
        %ne3A_1199 = arith.constant 0 : i32
        %ne3A_1200 = arith.cmpi ne, %rem3A_1198, %ne3A_1199 : i32
        %lt3A_1201 = arith.constant 0 : i32
        %lt3A_1202 = arith.cmpi slt, %rem3A_1198, %lt3A_1201 : i32
        %lt3A_1203 = arith.constant 0 : i32
        %lt3A_1204 = arith.cmpi slt, %select_n3A_1197, %lt3A_1203 : i32
        %ne3A_1205 = arith.xori %lt3A_1202, %lt3A_1204 : i1
        %and3A_1206 = arith.andi %ne3A_1205, %ne3A_1200 : i1
        %add3A_1207 = arith.addi %rem3A_1198, %select_n3A_1197 : i32
        %select_n3A_1208 = arith.select %and3A_1206, %add3A_1207, %rem3A_1198 : i32
        %jit3A_1209 = arith.constant 8000 : i32
        %div3A_1210 = arith.divsi %select_n3A_1208, %jit3A_1209 : i32
        %sign3A_1211 = arith.constant 0 : i32
        %sign3A_1212 = arith.cmpi sgt, %select_n3A_1208, %sign3A_1211 : i32
        %sign3A_1213 = arith.extui %sign3A_1212 : i1 to i32
        %sign3A_1214 = arith.constant 0 : i32
        %sign3A_1215 = arith.cmpi slt, %select_n3A_1208, %sign3A_1214 : i32
        %sign3A_1216 = arith.extui %sign3A_1215 : i1 to i32
        %sign3A_1217 = arith.subi %sign3A_1213, %sign3A_1216 : i32
        %sign3A_1218 = arith.constant 0 : i32
        %sign3A_1219 = arith.cmpi sgt, %jit3A_1209, %sign3A_1218 : i32
        %sign3A_1220 = arith.extui %sign3A_1219 : i1 to i32
        %sign3A_1221 = arith.constant 0 : i32
        %sign3A_1222 = arith.cmpi slt, %jit3A_1209, %sign3A_1221 : i32
        %sign3A_1223 = arith.extui %sign3A_1222 : i1 to i32
        %sign3A_1224 = arith.subi %sign3A_1220, %sign3A_1223 : i32
        %ne3A_1225 = arith.cmpi ne, %sign3A_1217, %sign3A_1224 : i32
        %rem3A_1226 = arith.remsi %select_n3A_1208, %jit3A_1209 : i32
        %ne3A_1227 = arith.constant 0 : i32
        %ne3A_1228 = arith.cmpi ne, %rem3A_1226, %ne3A_1227 : i32
        %and3A_1229 = arith.andi %ne3A_1225, %ne3A_1228 : i1
        %sub3A_1230 = arith.constant 1 : i32
        %sub3A_1231 = arith.subi %div3A_1210, %sub3A_1230 : i32
        %select_n3A_1232 = arith.select %and3A_1229, %sub3A_1231, %div3A_1210 : i32
        %jit3A_1233 = arith.constant 8000 : i32
        %eq3A_1234 = arith.constant 0 : i32
        %eq3A_1235 = arith.cmpi eq, %jit3A_1233, %eq3A_1234 : i32
        %jit3A_1236 = arith.constant 1 : i32
        %select_n3A_1237 = arith.select %eq3A_1235, %jit3A_1236, %jit3A_1233 : i32
        %rem3A_1238 = arith.remsi %select_n3A_1208, %select_n3A_1237 : i32
        %ne3A_1239 = arith.constant 0 : i32
        %ne3A_1240 = arith.cmpi ne, %rem3A_1238, %ne3A_1239 : i32
        %lt3A_1241 = arith.constant 0 : i32
        %lt3A_1242 = arith.cmpi slt, %rem3A_1238, %lt3A_1241 : i32
        %lt3A_1243 = arith.constant 0 : i32
        %lt3A_1244 = arith.cmpi slt, %select_n3A_1237, %lt3A_1243 : i32
        %ne3A_1245 = arith.xori %lt3A_1242, %lt3A_1244 : i1
        %and3A_1246 = arith.andi %ne3A_1245, %ne3A_1240 : i1
        %add3A_1247 = arith.addi %rem3A_1238, %select_n3A_1237 : i32
        %select_n3A_1248 = arith.select %and3A_1246, %add3A_1247, %rem3A_1238 : i32
        %mul3A_1249 = arith.constant 8000 : i32
        %mul3A_1250 = arith.muli %select_n3A_1192, %mul3A_1249 : i32
        %add3A_1251 = arith.addi %mul3A_1250, %select_n3A_1248 : i32
        %mul3A_1252 = arith.constant 32 : i32
        %mul3A_1253 = arith.muli %select_n3A_1232, %mul3A_1252 : i32
        %dma_start3A_1254 = arith.constant 96 : i32
        %dma_start3A_1255 = arith.constant 0 : i32
        %dma_start3A_1256 = tpu.memref_slice %arg15[%dma_start3A_1254, %dma_start3A_1255] : memref<128x32xf32, #tpu.memory_space<vmem>> -> memref<32x32xf32, #tpu.memory_space<vmem>>
        %dma_start3A_1257 = tpu.memref_slice %arg4[%add3A_1251, %mul3A_1253] : memref<40000x128xf32, #tpu.memory_space<hbm>> -> memref<32x32xf32, #tpu.memory_space<hbm>>
        %dma_start3A_1258 = arith.constant 96 : i32
        %dma_start3A_1259 = arith.constant 0 : i32
        %dma_start3A_1260 = tpu.memref_slice %arg15[%dma_start3A_1258, %dma_start3A_1259] : memref<128x32xf32, #tpu.memory_space<vmem>> -> memref<32x32xf32, #tpu.memory_space<vmem>>
        %dma_start3A_1261 = tpu.memref_slice %arg4[%add3A_1251, %mul3A_1253] : memref<40000x128xf32, #tpu.memory_space<hbm>> -> memref<32x32xf32, #tpu.memory_space<hbm>>
        tpu.enqueue_dma source(%dma_start3A_1261 : memref<32x32xf32, #tpu.memory_space<hbm>>) target(%dma_start3A_1260 : memref<32x32xf32, #tpu.memory_space<vmem>>) target_semaphore(%arg27 : memref<!tpu.dma_semaphore, #tpu.memory_space<semaphore_mem>>)
      } else {
      }
      %mul3A_842 = arith.constant 2 : i32
      %mul3A_843 = arith.muli %scan3A_823, %mul3A_842 : i32
      %add3A_844 = arith.constant 1 : i32
      %add3A_845 = arith.addi %mul3A_843, %add3A_844 : i32
      %add3A_846 = arith.constant 1 : i32
      %add3A_847 = arith.addi %add3A_845, %add3A_846 : i32
      %lt3A_848 = arith.cmpi slt, %add3A_847, %add3A_4 : i32
      %convert_element_type3A_849 = arith.extui %lt3A_848 : i1 to i32
      %cond3A_850 = arith.constant 0 : i32
      %cond3A_851 = arith.cmpi ne, %convert_element_type3A_849, %cond3A_850 : i32
      scf.if %cond3A_851 {
        %dma_wait3A_862 = arith.constant 0 : i32
        %dma_wait3A_863 = tpu.memref_slice %arg5[%dma_wait3A_862] : memref<320000xi32, #tpu.memory_space<hbm>> -> memref<128xi32, #tpu.memory_space<hbm>>
        %dma_wait3A_864 = arith.constant 0 : i32
        %dma_wait3A_865 = tpu.memref_slice %arg5[%dma_wait3A_864] : memref<320000xi32, #tpu.memory_space<hbm>> -> memref<128xi32, #tpu.memory_space<hbm>>
        tpu.wait_dma2 semaphore(%arg23 : memref<!tpu.dma_semaphore, #tpu.memory_space<semaphore_mem>>) src(%dma_wait3A_865 : memref<128xi32, #tpu.memory_space<hbm>>) dst(%arg7 : memref<128xi32, #tpu.memory_space<vmem>>)
        %dma_wait3A_866 = arith.constant 0 : i32
        %dma_wait3A_867 = tpu.memref_slice %arg5[%dma_wait3A_866] : memref<320000xi32, #tpu.memory_space<hbm>> -> memref<128xi32, #tpu.memory_space<hbm>>
        %dma_wait3A_868 = arith.constant 0 : i32
        %dma_wait3A_869 = tpu.memref_slice %arg5[%dma_wait3A_868] : memref<320000xi32, #tpu.memory_space<hbm>> -> memref<128xi32, #tpu.memory_space<hbm>>
        tpu.wait_dma2 semaphore(%arg25 : memref<!tpu.dma_semaphore, #tpu.memory_space<semaphore_mem>>) src(%dma_wait3A_869 : memref<128xi32, #tpu.memory_space<hbm>>) dst(%arg9 : memref<128xi32, #tpu.memory_space<vmem>>)
        %dma_start3A_870 = arith.constant 0 : i32
        %dma_start3A_871 = arith.constant 0 : i32
        %dma_start3A_872 = tpu.memref_slice %arg2[%dma_start3A_870, %dma_start3A_871] : memref<10000x32xf32, #tpu.memory_space<hbm>> -> memref<10000x32xf32, #tpu.memory_space<hbm>>
        tpu.enqueue_indirect_dma source(%dma_start3A_872 : memref<10000x32xf32, #tpu.memory_space<hbm>>) target(%arg11 : memref<128x32xf32, #tpu.memory_space<vmem>>) offsets(%arg7 : memref<128xi32, #tpu.memory_space<vmem>>) semaphore(%arg29 : memref<!tpu.dma_semaphore, #tpu.memory_space<semaphore_mem>>)
        %dma_start3A_873 = arith.constant 0 : i32
        %dma_start3A_874 = arith.constant 0 : i32
        %dma_start3A_875 = tpu.memref_slice %arg3[%dma_start3A_873, %dma_start3A_874] : memref<10000x32xf32, #tpu.memory_space<hbm>> -> memref<10000x32xf32, #tpu.memory_space<hbm>>
        tpu.enqueue_indirect_dma source(%dma_start3A_875 : memref<10000x32xf32, #tpu.memory_space<hbm>>) target(%arg13 : memref<128x32xf32, #tpu.memory_space<vmem>>) offsets(%arg9 : memref<128xi32, #tpu.memory_space<vmem>>) semaphore(%arg31 : memref<!tpu.dma_semaphore, #tpu.memory_space<semaphore_mem>>)
      } else {
      }
      %lt3A_852 = arith.cmpi slt, %add3A_845, %add3A_4 : i32
      %convert_element_type3A_853 = arith.extui %lt3A_852 : i1 to i32
      %cond3A_854 = arith.constant 0 : i32
      %cond3A_855 = arith.cmpi ne, %convert_element_type3A_853, %cond3A_854 : i32
      scf.if %cond3A_855 {
        %dma_wait3A_862 = arith.constant 0 : i32
        %dma_wait3A_863 = arith.constant 0 : i32
        %dma_wait3A_864 = tpu.memref_slice %arg2[%dma_wait3A_862, %dma_wait3A_863] : memref<10000x32xf32, #tpu.memory_space<hbm>> -> memref<10000x32xf32, #tpu.memory_space<hbm>>
        tpu.wait_indirect_dma semaphore(%arg30 : memref<!tpu.dma_semaphore, #tpu.memory_space<semaphore_mem>>) src(%dma_wait3A_864 : memref<10000x32xf32, #tpu.memory_space<hbm>>) dst(%arg12 : memref<128x32xf32, #tpu.memory_space<vmem>>)
        %dma_wait3A_865 = arith.constant 0 : i32
        %dma_wait3A_866 = arith.constant 0 : i32
        %dma_wait3A_867 = tpu.memref_slice %arg3[%dma_wait3A_865, %dma_wait3A_866] : memref<10000x32xf32, #tpu.memory_space<hbm>> -> memref<10000x32xf32, #tpu.memory_space<hbm>>
        tpu.wait_indirect_dma semaphore(%arg32 : memref<!tpu.dma_semaphore, #tpu.memory_space<semaphore_mem>>) src(%dma_wait3A_867 : memref<10000x32xf32, #tpu.memory_space<hbm>>) dst(%arg14 : memref<128x32xf32, #tpu.memory_space<vmem>>)
        %dma_wait3A_868 = arith.constant 0 : i32
        %dma_wait3A_869 = arith.constant 0 : i32
        %dma_wait3A_870 = tpu.memref_slice %arg16[%dma_wait3A_868, %dma_wait3A_869] : memref<128x32xf32, #tpu.memory_space<vmem>> -> memref<32x32xf32, #tpu.memory_space<vmem>>
        %dma_wait3A_871 = arith.constant 0 : i32
        %dma_wait3A_872 = arith.constant 0 : i32
        %dma_wait3A_873 = tpu.memref_slice %arg4[%dma_wait3A_871, %dma_wait3A_872] : memref<40000x128xf32, #tpu.memory_space<hbm>> -> memref<32x32xf32, #tpu.memory_space<hbm>>
        %dma_wait3A_874 = arith.constant 0 : i32
        %dma_wait3A_875 = arith.constant 0 : i32
        %dma_wait3A_876 = tpu.memref_slice %arg16[%dma_wait3A_874, %dma_wait3A_875] : memref<128x32xf32, #tpu.memory_space<vmem>> -> memref<32x32xf32, #tpu.memory_space<vmem>>
        %dma_wait3A_877 = arith.constant 0 : i32
        %dma_wait3A_878 = arith.constant 0 : i32
        %dma_wait3A_879 = tpu.memref_slice %arg4[%dma_wait3A_877, %dma_wait3A_878] : memref<40000x128xf32, #tpu.memory_space<hbm>> -> memref<32x32xf32, #tpu.memory_space<hbm>>
        tpu.wait_dma2 semaphore(%arg28 : memref<!tpu.dma_semaphore, #tpu.memory_space<semaphore_mem>>) src(%dma_wait3A_879 : memref<32x32xf32, #tpu.memory_space<hbm>>) dst(%dma_wait3A_876 : memref<32x32xf32, #tpu.memory_space<vmem>>)
        %dma_wait3A_880 = arith.constant 32 : i32
        %dma_wait3A_881 = arith.constant 0 : i32
        %dma_wait3A_882 = tpu.memref_slice %arg16[%dma_wait3A_880, %dma_wait3A_881] : memref<128x32xf32, #tpu.memory_space<vmem>> -> memref<32x32xf32, #tpu.memory_space<vmem>>
        %dma_wait3A_883 = arith.constant 0 : i32
        %dma_wait3A_884 = arith.constant 0 : i32
        %dma_wait3A_885 = tpu.memref_slice %arg4[%dma_wait3A_883, %dma_wait3A_884] : memref<40000x128xf32, #tpu.memory_space<hbm>> -> memref<32x32xf32, #tpu.memory_space<hbm>>
        %dma_wait3A_886 = arith.constant 32 : i32
        %dma_wait3A_887 = arith.constant 0 : i32
        %dma_wait3A_888 = tpu.memref_slice %arg16[%dma_wait3A_886, %dma_wait3A_887] : memref<128x32xf32, #tpu.memory_space<vmem>> -> memref<32x32xf32, #tpu.memory_space<vmem>>
        %dma_wait3A_889 = arith.constant 0 : i32
        %dma_wait3A_890 = arith.constant 0 : i32
        %dma_wait3A_891 = tpu.memref_slice %arg4[%dma_wait3A_889, %dma_wait3A_890] : memref<40000x128xf32, #tpu.memory_space<hbm>> -> memref<32x32xf32, #tpu.memory_space<hbm>>
        tpu.wait_dma2 semaphore(%arg28 : memref<!tpu.dma_semaphore, #tpu.memory_space<semaphore_mem>>) src(%dma_wait3A_891 : memref<32x32xf32, #tpu.memory_space<hbm>>) dst(%dma_wait3A_888 : memref<32x32xf32, #tpu.memory_space<vmem>>)
        %dma_wait3A_892 = arith.constant 64 : i32
        %dma_wait3A_893 = arith.constant 0 : i32
        %dma_wait3A_894 = tpu.memref_slice %arg16[%dma_wait3A_892, %dma_wait3A_893] : memref<128x32xf32, #tpu.memory_space<vmem>> -> memref<32x32xf32, #tpu.memory_space<vmem>>
        %dma_wait3A_895 = arith.constant 0 : i32
        %dma_wait3A_896 = arith.constant 0 : i32
        %dma_wait3A_897 = tpu.memref_slice %arg4[%dma_wait3A_895, %dma_wait3A_896] : memref<40000x128xf32, #tpu.memory_space<hbm>> -> memref<32x32xf32, #tpu.memory_space<hbm>>
        %dma_wait3A_898 = arith.constant 64 : i32
        %dma_wait3A_899 = arith.constant 0 : i32
        %dma_wait3A_900 = tpu.memref_slice %arg16[%dma_wait3A_898, %dma_wait3A_899] : memref<128x32xf32, #tpu.memory_space<vmem>> -> memref<32x32xf32, #tpu.memory_space<vmem>>
        %dma_wait3A_901 = arith.constant 0 : i32
        %dma_wait3A_902 = arith.constant 0 : i32
        %dma_wait3A_903 = tpu.memref_slice %arg4[%dma_wait3A_901, %dma_wait3A_902] : memref<40000x128xf32, #tpu.memory_space<hbm>> -> memref<32x32xf32, #tpu.memory_space<hbm>>
        tpu.wait_dma2 semaphore(%arg28 : memref<!tpu.dma_semaphore, #tpu.memory_space<semaphore_mem>>) src(%dma_wait3A_903 : memref<32x32xf32, #tpu.memory_space<hbm>>) dst(%dma_wait3A_900 : memref<32x32xf32, #tpu.memory_space<vmem>>)
        %dma_wait3A_904 = arith.constant 96 : i32
        %dma_wait3A_905 = arith.constant 0 : i32
        %dma_wait3A_906 = tpu.memref_slice %arg16[%dma_wait3A_904, %dma_wait3A_905] : memref<128x32xf32, #tpu.memory_space<vmem>> -> memref<32x32xf32, #tpu.memory_space<vmem>>
        %dma_wait3A_907 = arith.constant 0 : i32
        %dma_wait3A_908 = arith.constant 0 : i32
        %dma_wait3A_909 = tpu.memref_slice %arg4[%dma_wait3A_907, %dma_wait3A_908] : memref<40000x128xf32, #tpu.memory_space<hbm>> -> memref<32x32xf32, #tpu.memory_space<hbm>>
        %dma_wait3A_910 = arith.constant 96 : i32
        %dma_wait3A_911 = arith.constant 0 : i32
        %dma_wait3A_912 = tpu.memref_slice %arg16[%dma_wait3A_910, %dma_wait3A_911] : memref<128x32xf32, #tpu.memory_space<vmem>> -> memref<32x32xf32, #tpu.memory_space<vmem>>
        %dma_wait3A_913 = arith.constant 0 : i32
        %dma_wait3A_914 = arith.constant 0 : i32
        %dma_wait3A_915 = tpu.memref_slice %arg4[%dma_wait3A_913, %dma_wait3A_914] : memref<40000x128xf32, #tpu.memory_space<hbm>> -> memref<32x32xf32, #tpu.memory_space<hbm>>
        tpu.wait_dma2 semaphore(%arg28 : memref<!tpu.dma_semaphore, #tpu.memory_space<semaphore_mem>>) src(%dma_wait3A_915 : memref<32x32xf32, #tpu.memory_space<hbm>>) dst(%dma_wait3A_912 : memref<32x32xf32, #tpu.memory_space<vmem>>)
        %ge3A = arith.constant 2 : i32
        %ge3A_916 = arith.cmpi sge, %add3A_845, %ge3A : i32
        %convert_element_type3A_917 = arith.extui %ge3A_916 : i1 to i32
        %cond3A_918 = arith.constant 0 : i32
        %cond3A_919 = arith.cmpi ne, %convert_element_type3A_917, %cond3A_918 : i32
        scf.if %cond3A_919 {
          %dma_wait3A_983 = arith.constant 0 : i32
          %dma_wait3A_984 = arith.constant 0 : i32
          %dma_wait3A_985 = tpu.memref_slice %arg22[%dma_wait3A_983, %dma_wait3A_984] : memref<10112x32xf32, #tpu.memory_space<vmem_shared>> -> memref<10112x32xf32, #tpu.memory_space<vmem_shared>>
          tpu.wait_indirect_dma semaphore(%arg34 : memref<!tpu.dma_semaphore, #tpu.memory_space<semaphore_mem>>) src(%arg18 : memref<128x32xf32, #tpu.memory_space<vmem>>) dst(%dma_wait3A_985 : memref<10112x32xf32, #tpu.memory_space<vmem_shared>>)
        } else {
        }
        %scan3A_920 = arith.constant 0 : i32
        %scan3A_921 = arith.constant 0 : i32
        %scan3A_922 = arith.constant 128 : i32
        %scan3A_923 = arith.addi %scan3A_921, %scan3A_922 : i32
        %scan3A_924 = arith.constant 1 : i32
        scf.for %scan3A_983 = %scan3A_921 to %scan3A_923 step %scan3A_924  : i32 {
          %get3A_984 = arith.index_cast %scan3A_983 : i32 to index
          %get3A_985 = arith.constant 0 : index
          %get3A_986 = tpu.vector_load %arg12[%get3A_984, %get3A_985] {strides = array<i32>} : memref<128x32xf32, #tpu.memory_space<vmem>>, vector<1x16xf32>,
          %get3A_987 = vector.shape_cast %get3A_986 : vector<1x16xf32> to vector<16xf32>
          %get3A_988 = arith.index_cast %scan3A_983 : i32 to index
          %get3A_989 = arith.constant 0 : index
          %get3A_990 = tpu.vector_load %arg14[%get3A_988, %get3A_989] {strides = array<i32>} : memref<128x32xf32, #tpu.memory_space<vmem>>, vector<1x16xf32>,
          %get3A_991 = vector.shape_cast %get3A_990 : vector<1x16xf32> to vector<16xf32>
          %add3A_992 = arith.addf %get3A_987, %get3A_991 : vector<16xf32>
          %get3A_993 = arith.index_cast %scan3A_983 : i32 to index
          %get3A_994 = arith.constant 0 : index
          %get3A_995 = tpu.vector_load %arg16[%get3A_993, %get3A_994] {strides = array<i32>} : memref<128x32xf32, #tpu.memory_space<vmem>>, vector<1x16xf32>,
          %get3A_996 = vector.shape_cast %get3A_995 : vector<1x16xf32> to vector<16xf32>
          %add3A_997 = arith.addf %add3A_992, %get3A_996 : vector<16xf32>
          %max3A = arith.constant 0.000000e+00 : f32
          %max3A_998 = vector.broadcast %max3A : f32 to vector<16xf32>
          %max3A_999 = arith.maximumf %add3A_997, %max3A_998 : vector<16xf32>
          %swap3A_1000 = arith.index_cast %scan3A_983 : i32 to index
          %swap3A_1001 = arith.constant 0 : index
          %swap3A_1002 = tpu.vector_load %arg18[%swap3A_1000, %swap3A_1001] {strides = array<i32>} : memref<128x32xf32, #tpu.memory_space<vmem>>, vector<1x16xf32>,
          %swap3A_1003 = vector.shape_cast %swap3A_1002 : vector<1x16xf32> to vector<16xf32>
          %swap3A_1004 = vector.shape_cast %max3A_999 : vector<16xf32> to vector<1x16xf32>
          tpu.vector_store %arg18[%swap3A_1000, %swap3A_1001], %swap3A_1004 {strides = array<i32>} : memref<128x32xf32, #tpu.memory_space<vmem>>, vector<1x16xf32>,
          %get3A_1005 = arith.index_cast %scan3A_983 : i32 to index
          %get3A_1006 = arith.constant 16 : index
          %get3A_1007 = tpu.vector_load %arg12[%get3A_1005, %get3A_1006] {strides = array<i32>} : memref<128x32xf32, #tpu.memory_space<vmem>>, vector<1x16xf32>,
          %get3A_1008 = vector.shape_cast %get3A_1007 : vector<1x16xf32> to vector<16xf32>
          %get3A_1009 = arith.index_cast %scan3A_983 : i32 to index
          %get3A_1010 = arith.constant 16 : index
          %get3A_1011 = tpu.vector_load %arg14[%get3A_1009, %get3A_1010] {strides = array<i32>} : memref<128x32xf32, #tpu.memory_space<vmem>>, vector<1x16xf32>,
          %get3A_1012 = vector.shape_cast %get3A_1011 : vector<1x16xf32> to vector<16xf32>
          %add3A_1013 = arith.addf %get3A_1008, %get3A_1012 : vector<16xf32>
          %get3A_1014 = arith.index_cast %scan3A_983 : i32 to index
          %get3A_1015 = arith.constant 16 : index
          %get3A_1016 = tpu.vector_load %arg16[%get3A_1014, %get3A_1015] {strides = array<i32>} : memref<128x32xf32, #tpu.memory_space<vmem>>, vector<1x16xf32>,
          %get3A_1017 = vector.shape_cast %get3A_1016 : vector<1x16xf32> to vector<16xf32>
          %add3A_1018 = arith.addf %add3A_1013, %get3A_1017 : vector<16xf32>
          %max3A_1019 = arith.constant 0.000000e+00 : f32
          %max3A_1020 = vector.broadcast %max3A_1019 : f32 to vector<16xf32>
          %max3A_1021 = arith.maximumf %add3A_1018, %max3A_1020 : vector<16xf32>
          %swap3A_1022 = arith.index_cast %scan3A_983 : i32 to index
          %swap3A_1023 = arith.constant 16 : index
          %swap3A_1024 = tpu.vector_load %arg18[%swap3A_1022, %swap3A_1023] {strides = array<i32>} : memref<128x32xf32, #tpu.memory_space<vmem>>, vector<1x16xf32>,
          %swap3A_1025 = vector.shape_cast %swap3A_1024 : vector<1x16xf32> to vector<16xf32>
          %swap3A_1026 = vector.shape_cast %max3A_1021 : vector<16xf32> to vector<1x16xf32>
          tpu.vector_store %arg18[%swap3A_1022, %swap3A_1023], %swap3A_1026 {strides = array<i32>} : memref<128x32xf32, #tpu.memory_space<vmem>>, vector<1x16xf32>,
        }
        %scan3A_925 = arith.constant 128 : i32
        %get3A = arith.constant 0 : index
        %get3A_926 = tpu.vector_load %arg8[%get3A] {strides = array<i32>} : memref<128xi32, #tpu.memory_space<vmem>>, vector<16xi32>,
        %get3A_927 = vector.shape_cast %get3A_926 : vector<16xi32> to vector<16xi32>
        %swap3A = arith.constant 0 : index
        %swap3A_928 = tpu.vector_load %arg20[%swap3A] {strides = array<i32>} : memref<128xi32, #tpu.memory_space<vmem>>, vector<16xi32>,
        %swap3A_929 = vector.shape_cast %swap3A_928 : vector<16xi32> to vector<16xi32>
        %swap3A_930 = vector.shape_cast %get3A_927 : vector<16xi32> to vector<16xi32>
        tpu.vector_store %arg20[%swap3A], %swap3A_930 {strides = array<i32>} : memref<128xi32, #tpu.memory_space<vmem>>, vector<16xi32>,
        %get3A_931 = arith.constant 16 : index
        %get3A_932 = tpu.vector_load %arg8[%get3A_931] {strides = array<i32>} : memref<128xi32, #tpu.memory_space<vmem>>, vector<16xi32>,
        %get3A_933 = vector.shape_cast %get3A_932 : vector<16xi32> to vector<16xi32>
        %swap3A_934 = arith.constant 16 : index
        %swap3A_935 = tpu.vector_load %arg20[%swap3A_934] {strides = array<i32>} : memref<128xi32, #tpu.memory_space<vmem>>, vector<16xi32>,
        %swap3A_936 = vector.shape_cast %swap3A_935 : vector<16xi32> to vector<16xi32>
        %swap3A_937 = vector.shape_cast %get3A_933 : vector<16xi32> to vector<16xi32>
        tpu.vector_store %arg20[%swap3A_934], %swap3A_937 {strides = array<i32>} : memref<128xi32, #tpu.memory_space<vmem>>, vector<16xi32>,
        %get3A_938 = arith.constant 32 : index
        %get3A_939 = tpu.vector_load %arg8[%get3A_938] {strides = array<i32>} : memref<128xi32, #tpu.memory_space<vmem>>, vector<16xi32>,
        %get3A_940 = vector.shape_cast %get3A_939 : vector<16xi32> to vector<16xi32>
        %swap3A_941 = arith.constant 32 : index
        %swap3A_942 = tpu.vector_load %arg20[%swap3A_941] {strides = array<i32>} : memref<128xi32, #tpu.memory_space<vmem>>, vector<16xi32>,
        %swap3A_943 = vector.shape_cast %swap3A_942 : vector<16xi32> to vector<16xi32>
        %swap3A_944 = vector.shape_cast %get3A_940 : vector<16xi32> to vector<16xi32>
        tpu.vector_store %arg20[%swap3A_941], %swap3A_944 {strides = array<i32>} : memref<128xi32, #tpu.memory_space<vmem>>, vector<16xi32>,
        %get3A_945 = arith.constant 48 : index
        %get3A_946 = tpu.vector_load %arg8[%get3A_945] {strides = array<i32>} : memref<128xi32, #tpu.memory_space<vmem>>, vector<16xi32>,
        %get3A_947 = vector.shape_cast %get3A_946 : vector<16xi32> to vector<16xi32>
        %swap3A_948 = arith.constant 48 : index
        %swap3A_949 = tpu.vector_load %arg20[%swap3A_948] {strides = array<i32>} : memref<128xi32, #tpu.memory_space<vmem>>, vector<16xi32>,
        %swap3A_950 = vector.shape_cast %swap3A_949 : vector<16xi32> to vector<16xi32>
        %swap3A_951 = vector.shape_cast %get3A_947 : vector<16xi32> to vector<16xi32>
        tpu.vector_store %arg20[%swap3A_948], %swap3A_951 {strides = array<i32>} : memref<128xi32, #tpu.memory_space<vmem>>, vector<16xi32>,
        %get3A_952 = arith.constant 64 : index
        %get3A_953 = tpu.vector_load %arg8[%get3A_952] {strides = array<i32>} : memref<128xi32, #tpu.memory_space<vmem>>, vector<16xi32>,
        %get3A_954 = vector.shape_cast %get3A_953 : vector<16xi32> to vector<16xi32>
        %swap3A_955 = arith.constant 64 : index
        %swap3A_956 = tpu.vector_load %arg20[%swap3A_955] {strides = array<i32>} : memref<128xi32, #tpu.memory_space<vmem>>, vector<16xi32>,
        %swap3A_957 = vector.shape_cast %swap3A_956 : vector<16xi32> to vector<16xi32>
        %swap3A_958 = vector.shape_cast %get3A_954 : vector<16xi32> to vector<16xi32>
        tpu.vector_store %arg20[%swap3A_955], %swap3A_958 {strides = array<i32>} : memref<128xi32, #tpu.memory_space<vmem>>, vector<16xi32>,
        %get3A_959 = arith.constant 80 : index
        %get3A_960 = tpu.vector_load %arg8[%get3A_959] {strides = array<i32>} : memref<128xi32, #tpu.memory_space<vmem>>, vector<16xi32>,
        %get3A_961 = vector.shape_cast %get3A_960 : vector<16xi32> to vector<16xi32>
        %swap3A_962 = arith.constant 80 : index
        %swap3A_963 = tpu.vector_load %arg20[%swap3A_962] {strides = array<i32>} : memref<128xi32, #tpu.memory_space<vmem>>, vector<16xi32>,
        %swap3A_964 = vector.shape_cast %swap3A_963 : vector<16xi32> to vector<16xi32>
        %swap3A_965 = vector.shape_cast %get3A_961 : vector<16xi32> to vector<16xi32>
        tpu.vector_store %arg20[%swap3A_962], %swap3A_965 {strides = array<i32>} : memref<128xi32, #tpu.memory_space<vmem>>, vector<16xi32>,
        %get3A_966 = arith.constant 96 : index
        %get3A_967 = tpu.vector_load %arg8[%get3A_966] {strides = array<i32>} : memref<128xi32, #tpu.memory_space<vmem>>, vector<16xi32>,
        %get3A_968 = vector.shape_cast %get3A_967 : vector<16xi32> to vector<16xi32>
        %swap3A_969 = arith.constant 96 : index
        %swap3A_970 = tpu.vector_load %arg20[%swap3A_969] {strides = array<i32>} : memref<128xi32, #tpu.memory_space<vmem>>, vector<16xi32>,
        %swap3A_971 = vector.shape_cast %swap3A_970 : vector<16xi32> to vector<16xi32>
        %swap3A_972 = vector.shape_cast %get3A_968 : vector<16xi32> to vector<16xi32>
        tpu.vector_store %arg20[%swap3A_969], %swap3A_972 {strides = array<i32>} : memref<128xi32, #tpu.memory_space<vmem>>, vector<16xi32>,
        %get3A_973 = arith.constant 112 : index
        %get3A_974 = tpu.vector_load %arg8[%get3A_973] {strides = array<i32>} : memref<128xi32, #tpu.memory_space<vmem>>, vector<16xi32>,
        %get3A_975 = vector.shape_cast %get3A_974 : vector<16xi32> to vector<16xi32>
        %swap3A_976 = arith.constant 112 : index
        %swap3A_977 = tpu.vector_load %arg20[%swap3A_976] {strides = array<i32>} : memref<128xi32, #tpu.memory_space<vmem>>, vector<16xi32>,
        %swap3A_978 = vector.shape_cast %swap3A_977 : vector<16xi32> to vector<16xi32>
        %swap3A_979 = vector.shape_cast %get3A_975 : vector<16xi32> to vector<16xi32>
        tpu.vector_store %arg20[%swap3A_976], %swap3A_979 {strides = array<i32>} : memref<128xi32, #tpu.memory_space<vmem>>, vector<16xi32>,
        %dma_start3A_980 = arith.constant 0 : i32
        %dma_start3A_981 = arith.constant 0 : i32
        %dma_start3A_982 = tpu.memref_slice %arg22[%dma_start3A_980, %dma_start3A_981] : memref<10112x32xf32, #tpu.memory_space<vmem_shared>> -> memref<10112x32xf32, #tpu.memory_space<vmem_shared>>
        tpu.enqueue_indirect_dma source(%arg18 : memref<128x32xf32, #tpu.memory_space<vmem>>) target(%dma_start3A_982 : memref<10112x32xf32, #tpu.memory_space<vmem_shared>>) offsets(%arg20 : memref<128xi32, #tpu.memory_space<vmem>>) semaphore(%arg34 : memref<!tpu.dma_semaphore, #tpu.memory_space<semaphore_mem>>) {add = true}
      } else {
      }
      %add3A_856 = arith.constant 2 : i32
      %add3A_857 = arith.addi %add3A_845, %add3A_856 : i32
      %lt3A_858 = arith.cmpi slt, %add3A_857, %add3A_4 : i32
      %convert_element_type3A_859 = arith.extui %lt3A_858 : i1 to i32
      %cond3A_860 = arith.constant 0 : i32
      %cond3A_861 = arith.cmpi ne, %convert_element_type3A_859, %cond3A_860 : i32
      scf.if %cond3A_861 {
        %add3A_862 = arith.constant 2 : i32
        %add3A_863 = arith.addi %add3A_845, %add3A_862 : i32
        %mul3A_864 = arith.constant 32 : i32
        %mul3A_865 = arith.muli %mul3A_864, %add3A_863 : i32
        %add3A_866 = arith.addi %add3A, %mul3A_865 : i32
        %mul3A_867 = arith.constant 128 : i32
        %mul3A_868 = arith.muli %add3A_866, %mul3A_867 : i32
        %dma_start3A_869 = tpu.memref_slice %arg5[%mul3A_868] : memref<320000xi32, #tpu.memory_space<hbm>> -> memref<128xi32, #tpu.memory_space<hbm>>
        %dma_start3A_870 = tpu.memref_slice %arg5[%mul3A_868] : memref<320000xi32, #tpu.memory_space<hbm>> -> memref<128xi32, #tpu.memory_space<hbm>>
        tpu.enqueue_dma source(%dma_start3A_870 : memref<128xi32, #tpu.memory_space<hbm>>) target(%arg8 : memref<128xi32, #tpu.memory_space<vmem>>) target_semaphore(%arg24 : memref<!tpu.dma_semaphore, #tpu.memory_space<semaphore_mem>>)
        %add3A_871 = arith.constant 160000 : i32
        %add3A_872 = arith.addi %add3A_871, %mul3A_868 : i32
        %dma_start3A_873 = tpu.memref_slice %arg5[%add3A_872] : memref<320000xi32, #tpu.memory_space<hbm>> -> memref<128xi32, #tpu.memory_space<hbm>>
        %dma_start3A_874 = tpu.memref_slice %arg5[%add3A_872] : memref<320000xi32, #tpu.memory_space<hbm>> -> memref<128xi32, #tpu.memory_space<hbm>>
        tpu.enqueue_dma source(%dma_start3A_874 : memref<128xi32, #tpu.memory_space<hbm>>) target(%arg10 : memref<128xi32, #tpu.memory_space<vmem>>) target_semaphore(%arg26 : memref<!tpu.dma_semaphore, #tpu.memory_space<semaphore_mem>>)
        %add3A_875 = arith.constant 2 : i32
        %add3A_876 = arith.addi %add3A_845, %add3A_875 : i32
        %mul3A_877 = arith.constant 32 : i32
        %mul3A_878 = arith.muli %mul3A_877, %add3A_876 : i32
        %add3A_879 = arith.addi %add3A, %mul3A_878 : i32
        %mul3A_880 = arith.constant 128 : i32
        %mul3A_881 = arith.muli %add3A_879, %mul3A_880 : i32
        %add3A_882 = arith.constant 0 : i32
        %add3A_883 = arith.addi %mul3A_881, %add3A_882 : i32
        %jit3A_884 = arith.constant 32000 : i32
        %div3A_885 = arith.divsi %add3A_883, %jit3A_884 : i32
        %sign3A_886 = arith.constant 0 : i32
        %sign3A_887 = arith.cmpi sgt, %add3A_883, %sign3A_886 : i32
        %sign3A_888 = arith.extui %sign3A_887 : i1 to i32
        %sign3A_889 = arith.constant 0 : i32
        %sign3A_890 = arith.cmpi slt, %add3A_883, %sign3A_889 : i32
        %sign3A_891 = arith.extui %sign3A_890 : i1 to i32
        %sign3A_892 = arith.subi %sign3A_888, %sign3A_891 : i32
        %sign3A_893 = arith.constant 0 : i32
        %sign3A_894 = arith.cmpi sgt, %jit3A_884, %sign3A_893 : i32
        %sign3A_895 = arith.extui %sign3A_894 : i1 to i32
        %sign3A_896 = arith.constant 0 : i32
        %sign3A_897 = arith.cmpi slt, %jit3A_884, %sign3A_896 : i32
        %sign3A_898 = arith.extui %sign3A_897 : i1 to i32
        %sign3A_899 = arith.subi %sign3A_895, %sign3A_898 : i32
        %ne3A_900 = arith.cmpi ne, %sign3A_892, %sign3A_899 : i32
        %rem3A_901 = arith.remsi %add3A_883, %jit3A_884 : i32
        %ne3A_902 = arith.constant 0 : i32
        %ne3A_903 = arith.cmpi ne, %rem3A_901, %ne3A_902 : i32
        %and3A_904 = arith.andi %ne3A_900, %ne3A_903 : i1
        %sub3A_905 = arith.constant 1 : i32
        %sub3A_906 = arith.subi %div3A_885, %sub3A_905 : i32
        %select_n3A_907 = arith.select %and3A_904, %sub3A_906, %div3A_885 : i32
        %jit3A_908 = arith.constant 32000 : i32
        %eq3A_909 = arith.constant 0 : i32
        %eq3A_910 = arith.cmpi eq, %jit3A_908, %eq3A_909 : i32
        %jit3A_911 = arith.constant 1 : i32
        %select_n3A_912 = arith.select %eq3A_910, %jit3A_911, %jit3A_908 : i32
        %rem3A_913 = arith.remsi %add3A_883, %select_n3A_912 : i32
        %ne3A_914 = arith.constant 0 : i32
        %ne3A_915 = arith.cmpi ne, %rem3A_913, %ne3A_914 : i32
        %lt3A_916 = arith.constant 0 : i32
        %lt3A_917 = arith.cmpi slt, %rem3A_913, %lt3A_916 : i32
        %lt3A_918 = arith.constant 0 : i32
        %lt3A_919 = arith.cmpi slt, %select_n3A_912, %lt3A_918 : i32
        %ne3A_920 = arith.xori %lt3A_917, %lt3A_919 : i1
        %and3A_921 = arith.andi %ne3A_920, %ne3A_915 : i1
        %add3A_922 = arith.addi %rem3A_913, %select_n3A_912 : i32
        %select_n3A_923 = arith.select %and3A_921, %add3A_922, %rem3A_913 : i32
        %jit3A_924 = arith.constant 8000 : i32
        %div3A_925 = arith.divsi %select_n3A_923, %jit3A_924 : i32
        %sign3A_926 = arith.constant 0 : i32
        %sign3A_927 = arith.cmpi sgt, %select_n3A_923, %sign3A_926 : i32
        %sign3A_928 = arith.extui %sign3A_927 : i1 to i32
        %sign3A_929 = arith.constant 0 : i32
        %sign3A_930 = arith.cmpi slt, %select_n3A_923, %sign3A_929 : i32
        %sign3A_931 = arith.extui %sign3A_930 : i1 to i32
        %sign3A_932 = arith.subi %sign3A_928, %sign3A_931 : i32
        %sign3A_933 = arith.constant 0 : i32
        %sign3A_934 = arith.cmpi sgt, %jit3A_924, %sign3A_933 : i32
        %sign3A_935 = arith.extui %sign3A_934 : i1 to i32
        %sign3A_936 = arith.constant 0 : i32
        %sign3A_937 = arith.cmpi slt, %jit3A_924, %sign3A_936 : i32
        %sign3A_938 = arith.extui %sign3A_937 : i1 to i32
        %sign3A_939 = arith.subi %sign3A_935, %sign3A_938 : i32
        %ne3A_940 = arith.cmpi ne, %sign3A_932, %sign3A_939 : i32
        %rem3A_941 = arith.remsi %select_n3A_923, %jit3A_924 : i32
        %ne3A_942 = arith.constant 0 : i32
        %ne3A_943 = arith.cmpi ne, %rem3A_941, %ne3A_942 : i32
        %and3A_944 = arith.andi %ne3A_940, %ne3A_943 : i1
        %sub3A_945 = arith.constant 1 : i32
        %sub3A_946 = arith.subi %div3A_925, %sub3A_945 : i32
        %select_n3A_947 = arith.select %and3A_944, %sub3A_946, %div3A_925 : i32
        %jit3A_948 = arith.constant 8000 : i32
        %eq3A_949 = arith.constant 0 : i32
        %eq3A_950 = arith.cmpi eq, %jit3A_948, %eq3A_949 : i32
        %jit3A_951 = arith.constant 1 : i32
        %select_n3A_952 = arith.select %eq3A_950, %jit3A_951, %jit3A_948 : i32
        %rem3A_953 = arith.remsi %select_n3A_923, %select_n3A_952 : i32
        %ne3A_954 = arith.constant 0 : i32
        %ne3A_955 = arith.cmpi ne, %rem3A_953, %ne3A_954 : i32
        %lt3A_956 = arith.constant 0 : i32
        %lt3A_957 = arith.cmpi slt, %rem3A_953, %lt3A_956 : i32
        %lt3A_958 = arith.constant 0 : i32
        %lt3A_959 = arith.cmpi slt, %select_n3A_952, %lt3A_958 : i32
        %ne3A_960 = arith.xori %lt3A_957, %lt3A_959 : i1
        %and3A_961 = arith.andi %ne3A_960, %ne3A_955 : i1
        %add3A_962 = arith.addi %rem3A_953, %select_n3A_952 : i32
        %select_n3A_963 = arith.select %and3A_961, %add3A_962, %rem3A_953 : i32
        %mul3A_964 = arith.constant 8000 : i32
        %mul3A_965 = arith.muli %select_n3A_907, %mul3A_964 : i32
        %add3A_966 = arith.addi %mul3A_965, %select_n3A_963 : i32
        %mul3A_967 = arith.constant 32 : i32
        %mul3A_968 = arith.muli %select_n3A_947, %mul3A_967 : i32
        %dma_start3A_969 = arith.constant 0 : i32
        %dma_start3A_970 = arith.constant 0 : i32
        %dma_start3A_971 = tpu.memref_slice %arg16[%dma_start3A_969, %dma_start3A_970] : memref<128x32xf32, #tpu.memory_space<vmem>> -> memref<32x32xf32, #tpu.memory_space<vmem>>
        %dma_start3A_972 = tpu.memref_slice %arg4[%add3A_966, %mul3A_968] : memref<40000x128xf32, #tpu.memory_space<hbm>> -> memref<32x32xf32, #tpu.memory_space<hbm>>
        %dma_start3A_973 = arith.constant 0 : i32
        %dma_start3A_974 = arith.constant 0 : i32
        %dma_start3A_975 = tpu.memref_slice %arg16[%dma_start3A_973, %dma_start3A_974] : memref<128x32xf32, #tpu.memory_space<vmem>> -> memref<32x32xf32, #tpu.memory_space<vmem>>
        %dma_start3A_976 = tpu.memref_slice %arg4[%add3A_966, %mul3A_968] : memref<40000x128xf32, #tpu.memory_space<hbm>> -> memref<32x32xf32, #tpu.memory_space<hbm>>
        tpu.enqueue_dma source(%dma_start3A_976 : memref<32x32xf32, #tpu.memory_space<hbm>>) target(%dma_start3A_975 : memref<32x32xf32, #tpu.memory_space<vmem>>) target_semaphore(%arg28 : memref<!tpu.dma_semaphore, #tpu.memory_space<semaphore_mem>>)
        %add3A_977 = arith.constant 32 : i32
        %add3A_978 = arith.addi %mul3A_881, %add3A_977 : i32
        %jit3A_979 = arith.constant 32000 : i32
        %div3A_980 = arith.divsi %add3A_978, %jit3A_979 : i32
        %sign3A_981 = arith.constant 0 : i32
        %sign3A_982 = arith.cmpi sgt, %add3A_978, %sign3A_981 : i32
        %sign3A_983 = arith.extui %sign3A_982 : i1 to i32
        %sign3A_984 = arith.constant 0 : i32
        %sign3A_985 = arith.cmpi slt, %add3A_978, %sign3A_984 : i32
        %sign3A_986 = arith.extui %sign3A_985 : i1 to i32
        %sign3A_987 = arith.subi %sign3A_983, %sign3A_986 : i32
        %sign3A_988 = arith.constant 0 : i32
        %sign3A_989 = arith.cmpi sgt, %jit3A_979, %sign3A_988 : i32
        %sign3A_990 = arith.extui %sign3A_989 : i1 to i32
        %sign3A_991 = arith.constant 0 : i32
        %sign3A_992 = arith.cmpi slt, %jit3A_979, %sign3A_991 : i32
        %sign3A_993 = arith.extui %sign3A_992 : i1 to i32
        %sign3A_994 = arith.subi %sign3A_990, %sign3A_993 : i32
        %ne3A_995 = arith.cmpi ne, %sign3A_987, %sign3A_994 : i32
        %rem3A_996 = arith.remsi %add3A_978, %jit3A_979 : i32
        %ne3A_997 = arith.constant 0 : i32
        %ne3A_998 = arith.cmpi ne, %rem3A_996, %ne3A_997 : i32
        %and3A_999 = arith.andi %ne3A_995, %ne3A_998 : i1
        %sub3A_1000 = arith.constant 1 : i32
        %sub3A_1001 = arith.subi %div3A_980, %sub3A_1000 : i32
        %select_n3A_1002 = arith.select %and3A_999, %sub3A_1001, %div3A_980 : i32
        %jit3A_1003 = arith.constant 32000 : i32
        %eq3A_1004 = arith.constant 0 : i32
        %eq3A_1005 = arith.cmpi eq, %jit3A_1003, %eq3A_1004 : i32
        %jit3A_1006 = arith.constant 1 : i32
        %select_n3A_1007 = arith.select %eq3A_1005, %jit3A_1006, %jit3A_1003 : i32
        %rem3A_1008 = arith.remsi %add3A_978, %select_n3A_1007 : i32
        %ne3A_1009 = arith.constant 0 : i32
        %ne3A_1010 = arith.cmpi ne, %rem3A_1008, %ne3A_1009 : i32
        %lt3A_1011 = arith.constant 0 : i32
        %lt3A_1012 = arith.cmpi slt, %rem3A_1008, %lt3A_1011 : i32
        %lt3A_1013 = arith.constant 0 : i32
        %lt3A_1014 = arith.cmpi slt, %select_n3A_1007, %lt3A_1013 : i32
        %ne3A_1015 = arith.xori %lt3A_1012, %lt3A_1014 : i1
        %and3A_1016 = arith.andi %ne3A_1015, %ne3A_1010 : i1
        %add3A_1017 = arith.addi %rem3A_1008, %select_n3A_1007 : i32
        %select_n3A_1018 = arith.select %and3A_1016, %add3A_1017, %rem3A_1008 : i32
        %jit3A_1019 = arith.constant 8000 : i32
        %div3A_1020 = arith.divsi %select_n3A_1018, %jit3A_1019 : i32
        %sign3A_1021 = arith.constant 0 : i32
        %sign3A_1022 = arith.cmpi sgt, %select_n3A_1018, %sign3A_1021 : i32
        %sign3A_1023 = arith.extui %sign3A_1022 : i1 to i32
        %sign3A_1024 = arith.constant 0 : i32
        %sign3A_1025 = arith.cmpi slt, %select_n3A_1018, %sign3A_1024 : i32
        %sign3A_1026 = arith.extui %sign3A_1025 : i1 to i32
        %sign3A_1027 = arith.subi %sign3A_1023, %sign3A_1026 : i32
        %sign3A_1028 = arith.constant 0 : i32
        %sign3A_1029 = arith.cmpi sgt, %jit3A_1019, %sign3A_1028 : i32
        %sign3A_1030 = arith.extui %sign3A_1029 : i1 to i32
        %sign3A_1031 = arith.constant 0 : i32
        %sign3A_1032 = arith.cmpi slt, %jit3A_1019, %sign3A_1031 : i32
        %sign3A_1033 = arith.extui %sign3A_1032 : i1 to i32
        %sign3A_1034 = arith.subi %sign3A_1030, %sign3A_1033 : i32
        %ne3A_1035 = arith.cmpi ne, %sign3A_1027, %sign3A_1034 : i32
        %rem3A_1036 = arith.remsi %select_n3A_1018, %jit3A_1019 : i32
        %ne3A_1037 = arith.constant 0 : i32
        %ne3A_1038 = arith.cmpi ne, %rem3A_1036, %ne3A_1037 : i32
        %and3A_1039 = arith.andi %ne3A_1035, %ne3A_1038 : i1
        %sub3A_1040 = arith.constant 1 : i32
        %sub3A_1041 = arith.subi %div3A_1020, %sub3A_1040 : i32
        %select_n3A_1042 = arith.select %and3A_1039, %sub3A_1041, %div3A_1020 : i32
        %jit3A_1043 = arith.constant 8000 : i32
        %eq3A_1044 = arith.constant 0 : i32
        %eq3A_1045 = arith.cmpi eq, %jit3A_1043, %eq3A_1044 : i32
        %jit3A_1046 = arith.constant 1 : i32
        %select_n3A_1047 = arith.select %eq3A_1045, %jit3A_1046, %jit3A_1043 : i32
        %rem3A_1048 = arith.remsi %select_n3A_1018, %select_n3A_1047 : i32
        %ne3A_1049 = arith.constant 0 : i32
        %ne3A_1050 = arith.cmpi ne, %rem3A_1048, %ne3A_1049 : i32
        %lt3A_1051 = arith.constant 0 : i32
        %lt3A_1052 = arith.cmpi slt, %rem3A_1048, %lt3A_1051 : i32
        %lt3A_1053 = arith.constant 0 : i32
        %lt3A_1054 = arith.cmpi slt, %select_n3A_1047, %lt3A_1053 : i32
        %ne3A_1055 = arith.xori %lt3A_1052, %lt3A_1054 : i1
        %and3A_1056 = arith.andi %ne3A_1055, %ne3A_1050 : i1
        %add3A_1057 = arith.addi %rem3A_1048, %select_n3A_1047 : i32
        %select_n3A_1058 = arith.select %and3A_1056, %add3A_1057, %rem3A_1048 : i32
        %mul3A_1059 = arith.constant 8000 : i32
        %mul3A_1060 = arith.muli %select_n3A_1002, %mul3A_1059 : i32
        %add3A_1061 = arith.addi %mul3A_1060, %select_n3A_1058 : i32
        %mul3A_1062 = arith.constant 32 : i32
        %mul3A_1063 = arith.muli %select_n3A_1042, %mul3A_1062 : i32
        %dma_start3A_1064 = arith.constant 32 : i32
        %dma_start3A_1065 = arith.constant 0 : i32
        %dma_start3A_1066 = tpu.memref_slice %arg16[%dma_start3A_1064, %dma_start3A_1065] : memref<128x32xf32, #tpu.memory_space<vmem>> -> memref<32x32xf32, #tpu.memory_space<vmem>>
        %dma_start3A_1067 = tpu.memref_slice %arg4[%add3A_1061, %mul3A_1063] : memref<40000x128xf32, #tpu.memory_space<hbm>> -> memref<32x32xf32, #tpu.memory_space<hbm>>
        %dma_start3A_1068 = arith.constant 32 : i32
        %dma_start3A_1069 = arith.constant 0 : i32
        %dma_start3A_1070 = tpu.memref_slice %arg16[%dma_start3A_1068, %dma_start3A_1069] : memref<128x32xf32, #tpu.memory_space<vmem>> -> memref<32x32xf32, #tpu.memory_space<vmem>>
        %dma_start3A_1071 = tpu.memref_slice %arg4[%add3A_1061, %mul3A_1063] : memref<40000x128xf32, #tpu.memory_space<hbm>> -> memref<32x32xf32, #tpu.memory_space<hbm>>
        tpu.enqueue_dma source(%dma_start3A_1071 : memref<32x32xf32, #tpu.memory_space<hbm>>) target(%dma_start3A_1070 : memref<32x32xf32, #tpu.memory_space<vmem>>) target_semaphore(%arg28 : memref<!tpu.dma_semaphore, #tpu.memory_space<semaphore_mem>>)
        %add3A_1072 = arith.constant 64 : i32
        %add3A_1073 = arith.addi %mul3A_881, %add3A_1072 : i32
        %jit3A_1074 = arith.constant 32000 : i32
        %div3A_1075 = arith.divsi %add3A_1073, %jit3A_1074 : i32
        %sign3A_1076 = arith.constant 0 : i32
        %sign3A_1077 = arith.cmpi sgt, %add3A_1073, %sign3A_1076 : i32
        %sign3A_1078 = arith.extui %sign3A_1077 : i1 to i32
        %sign3A_1079 = arith.constant 0 : i32
        %sign3A_1080 = arith.cmpi slt, %add3A_1073, %sign3A_1079 : i32
        %sign3A_1081 = arith.extui %sign3A_1080 : i1 to i32
        %sign3A_1082 = arith.subi %sign3A_1078, %sign3A_1081 : i32
        %sign3A_1083 = arith.constant 0 : i32
        %sign3A_1084 = arith.cmpi sgt, %jit3A_1074, %sign3A_1083 : i32
        %sign3A_1085 = arith.extui %sign3A_1084 : i1 to i32
        %sign3A_1086 = arith.constant 0 : i32
        %sign3A_1087 = arith.cmpi slt, %jit3A_1074, %sign3A_1086 : i32
        %sign3A_1088 = arith.extui %sign3A_1087 : i1 to i32
        %sign3A_1089 = arith.subi %sign3A_1085, %sign3A_1088 : i32
        %ne3A_1090 = arith.cmpi ne, %sign3A_1082, %sign3A_1089 : i32
        %rem3A_1091 = arith.remsi %add3A_1073, %jit3A_1074 : i32
        %ne3A_1092 = arith.constant 0 : i32
        %ne3A_1093 = arith.cmpi ne, %rem3A_1091, %ne3A_1092 : i32
        %and3A_1094 = arith.andi %ne3A_1090, %ne3A_1093 : i1
        %sub3A_1095 = arith.constant 1 : i32
        %sub3A_1096 = arith.subi %div3A_1075, %sub3A_1095 : i32
        %select_n3A_1097 = arith.select %and3A_1094, %sub3A_1096, %div3A_1075 : i32
        %jit3A_1098 = arith.constant 32000 : i32
        %eq3A_1099 = arith.constant 0 : i32
        %eq3A_1100 = arith.cmpi eq, %jit3A_1098, %eq3A_1099 : i32
        %jit3A_1101 = arith.constant 1 : i32
        %select_n3A_1102 = arith.select %eq3A_1100, %jit3A_1101, %jit3A_1098 : i32
        %rem3A_1103 = arith.remsi %add3A_1073, %select_n3A_1102 : i32
        %ne3A_1104 = arith.constant 0 : i32
        %ne3A_1105 = arith.cmpi ne, %rem3A_1103, %ne3A_1104 : i32
        %lt3A_1106 = arith.constant 0 : i32
        %lt3A_1107 = arith.cmpi slt, %rem3A_1103, %lt3A_1106 : i32
        %lt3A_1108 = arith.constant 0 : i32
        %lt3A_1109 = arith.cmpi slt, %select_n3A_1102, %lt3A_1108 : i32
        %ne3A_1110 = arith.xori %lt3A_1107, %lt3A_1109 : i1
        %and3A_1111 = arith.andi %ne3A_1110, %ne3A_1105 : i1
        %add3A_1112 = arith.addi %rem3A_1103, %select_n3A_1102 : i32
        %select_n3A_1113 = arith.select %and3A_1111, %add3A_1112, %rem3A_1103 : i32
        %jit3A_1114 = arith.constant 8000 : i32
        %div3A_1115 = arith.divsi %select_n3A_1113, %jit3A_1114 : i32
        %sign3A_1116 = arith.constant 0 : i32
        %sign3A_1117 = arith.cmpi sgt, %select_n3A_1113, %sign3A_1116 : i32
        %sign3A_1118 = arith.extui %sign3A_1117 : i1 to i32
        %sign3A_1119 = arith.constant 0 : i32
        %sign3A_1120 = arith.cmpi slt, %select_n3A_1113, %sign3A_1119 : i32
        %sign3A_1121 = arith.extui %sign3A_1120 : i1 to i32
        %sign3A_1122 = arith.subi %sign3A_1118, %sign3A_1121 : i32
        %sign3A_1123 = arith.constant 0 : i32
        %sign3A_1124 = arith.cmpi sgt, %jit3A_1114, %sign3A_1123 : i32
        %sign3A_1125 = arith.extui %sign3A_1124 : i1 to i32
        %sign3A_1126 = arith.constant 0 : i32
        %sign3A_1127 = arith.cmpi slt, %jit3A_1114, %sign3A_1126 : i32
        %sign3A_1128 = arith.extui %sign3A_1127 : i1 to i32
        %sign3A_1129 = arith.subi %sign3A_1125, %sign3A_1128 : i32
        %ne3A_1130 = arith.cmpi ne, %sign3A_1122, %sign3A_1129 : i32
        %rem3A_1131 = arith.remsi %select_n3A_1113, %jit3A_1114 : i32
        %ne3A_1132 = arith.constant 0 : i32
        %ne3A_1133 = arith.cmpi ne, %rem3A_1131, %ne3A_1132 : i32
        %and3A_1134 = arith.andi %ne3A_1130, %ne3A_1133 : i1
        %sub3A_1135 = arith.constant 1 : i32
        %sub3A_1136 = arith.subi %div3A_1115, %sub3A_1135 : i32
        %select_n3A_1137 = arith.select %and3A_1134, %sub3A_1136, %div3A_1115 : i32
        %jit3A_1138 = arith.constant 8000 : i32
        %eq3A_1139 = arith.constant 0 : i32
        %eq3A_1140 = arith.cmpi eq, %jit3A_1138, %eq3A_1139 : i32
        %jit3A_1141 = arith.constant 1 : i32
        %select_n3A_1142 = arith.select %eq3A_1140, %jit3A_1141, %jit3A_1138 : i32
        %rem3A_1143 = arith.remsi %select_n3A_1113, %select_n3A_1142 : i32
        %ne3A_1144 = arith.constant 0 : i32
        %ne3A_1145 = arith.cmpi ne, %rem3A_1143, %ne3A_1144 : i32
        %lt3A_1146 = arith.constant 0 : i32
        %lt3A_1147 = arith.cmpi slt, %rem3A_1143, %lt3A_1146 : i32
        %lt3A_1148 = arith.constant 0 : i32
        %lt3A_1149 = arith.cmpi slt, %select_n3A_1142, %lt3A_1148 : i32
        %ne3A_1150 = arith.xori %lt3A_1147, %lt3A_1149 : i1
        %and3A_1151 = arith.andi %ne3A_1150, %ne3A_1145 : i1
        %add3A_1152 = arith.addi %rem3A_1143, %select_n3A_1142 : i32
        %select_n3A_1153 = arith.select %and3A_1151, %add3A_1152, %rem3A_1143 : i32
        %mul3A_1154 = arith.constant 8000 : i32
        %mul3A_1155 = arith.muli %select_n3A_1097, %mul3A_1154 : i32
        %add3A_1156 = arith.addi %mul3A_1155, %select_n3A_1153 : i32
        %mul3A_1157 = arith.constant 32 : i32
        %mul3A_1158 = arith.muli %select_n3A_1137, %mul3A_1157 : i32
        %dma_start3A_1159 = arith.constant 64 : i32
        %dma_start3A_1160 = arith.constant 0 : i32
        %dma_start3A_1161 = tpu.memref_slice %arg16[%dma_start3A_1159, %dma_start3A_1160] : memref<128x32xf32, #tpu.memory_space<vmem>> -> memref<32x32xf32, #tpu.memory_space<vmem>>
        %dma_start3A_1162 = tpu.memref_slice %arg4[%add3A_1156, %mul3A_1158] : memref<40000x128xf32, #tpu.memory_space<hbm>> -> memref<32x32xf32, #tpu.memory_space<hbm>>
        %dma_start3A_1163 = arith.constant 64 : i32
        %dma_start3A_1164 = arith.constant 0 : i32
        %dma_start3A_1165 = tpu.memref_slice %arg16[%dma_start3A_1163, %dma_start3A_1164] : memref<128x32xf32, #tpu.memory_space<vmem>> -> memref<32x32xf32, #tpu.memory_space<vmem>>
        %dma_start3A_1166 = tpu.memref_slice %arg4[%add3A_1156, %mul3A_1158] : memref<40000x128xf32, #tpu.memory_space<hbm>> -> memref<32x32xf32, #tpu.memory_space<hbm>>
        tpu.enqueue_dma source(%dma_start3A_1166 : memref<32x32xf32, #tpu.memory_space<hbm>>) target(%dma_start3A_1165 : memref<32x32xf32, #tpu.memory_space<vmem>>) target_semaphore(%arg28 : memref<!tpu.dma_semaphore, #tpu.memory_space<semaphore_mem>>)
        %add3A_1167 = arith.constant 96 : i32
        %add3A_1168 = arith.addi %mul3A_881, %add3A_1167 : i32
        %jit3A_1169 = arith.constant 32000 : i32
        %div3A_1170 = arith.divsi %add3A_1168, %jit3A_1169 : i32
        %sign3A_1171 = arith.constant 0 : i32
        %sign3A_1172 = arith.cmpi sgt, %add3A_1168, %sign3A_1171 : i32
        %sign3A_1173 = arith.extui %sign3A_1172 : i1 to i32
        %sign3A_1174 = arith.constant 0 : i32
        %sign3A_1175 = arith.cmpi slt, %add3A_1168, %sign3A_1174 : i32
        %sign3A_1176 = arith.extui %sign3A_1175 : i1 to i32
        %sign3A_1177 = arith.subi %sign3A_1173, %sign3A_1176 : i32
        %sign3A_1178 = arith.constant 0 : i32
        %sign3A_1179 = arith.cmpi sgt, %jit3A_1169, %sign3A_1178 : i32
        %sign3A_1180 = arith.extui %sign3A_1179 : i1 to i32
        %sign3A_1181 = arith.constant 0 : i32
        %sign3A_1182 = arith.cmpi slt, %jit3A_1169, %sign3A_1181 : i32
        %sign3A_1183 = arith.extui %sign3A_1182 : i1 to i32
        %sign3A_1184 = arith.subi %sign3A_1180, %sign3A_1183 : i32
        %ne3A_1185 = arith.cmpi ne, %sign3A_1177, %sign3A_1184 : i32
        %rem3A_1186 = arith.remsi %add3A_1168, %jit3A_1169 : i32
        %ne3A_1187 = arith.constant 0 : i32
        %ne3A_1188 = arith.cmpi ne, %rem3A_1186, %ne3A_1187 : i32
        %and3A_1189 = arith.andi %ne3A_1185, %ne3A_1188 : i1
        %sub3A_1190 = arith.constant 1 : i32
        %sub3A_1191 = arith.subi %div3A_1170, %sub3A_1190 : i32
        %select_n3A_1192 = arith.select %and3A_1189, %sub3A_1191, %div3A_1170 : i32
        %jit3A_1193 = arith.constant 32000 : i32
        %eq3A_1194 = arith.constant 0 : i32
        %eq3A_1195 = arith.cmpi eq, %jit3A_1193, %eq3A_1194 : i32
        %jit3A_1196 = arith.constant 1 : i32
        %select_n3A_1197 = arith.select %eq3A_1195, %jit3A_1196, %jit3A_1193 : i32
        %rem3A_1198 = arith.remsi %add3A_1168, %select_n3A_1197 : i32
        %ne3A_1199 = arith.constant 0 : i32
        %ne3A_1200 = arith.cmpi ne, %rem3A_1198, %ne3A_1199 : i32
        %lt3A_1201 = arith.constant 0 : i32
        %lt3A_1202 = arith.cmpi slt, %rem3A_1198, %lt3A_1201 : i32
        %lt3A_1203 = arith.constant 0 : i32
        %lt3A_1204 = arith.cmpi slt, %select_n3A_1197, %lt3A_1203 : i32
        %ne3A_1205 = arith.xori %lt3A_1202, %lt3A_1204 : i1
        %and3A_1206 = arith.andi %ne3A_1205, %ne3A_1200 : i1
        %add3A_1207 = arith.addi %rem3A_1198, %select_n3A_1197 : i32
        %select_n3A_1208 = arith.select %and3A_1206, %add3A_1207, %rem3A_1198 : i32
        %jit3A_1209 = arith.constant 8000 : i32
        %div3A_1210 = arith.divsi %select_n3A_1208, %jit3A_1209 : i32
        %sign3A_1211 = arith.constant 0 : i32
        %sign3A_1212 = arith.cmpi sgt, %select_n3A_1208, %sign3A_1211 : i32
        %sign3A_1213 = arith.extui %sign3A_1212 : i1 to i32
        %sign3A_1214 = arith.constant 0 : i32
        %sign3A_1215 = arith.cmpi slt, %select_n3A_1208, %sign3A_1214 : i32
        %sign3A_1216 = arith.extui %sign3A_1215 : i1 to i32
        %sign3A_1217 = arith.subi %sign3A_1213, %sign3A_1216 : i32
        %sign3A_1218 = arith.constant 0 : i32
        %sign3A_1219 = arith.cmpi sgt, %jit3A_1209, %sign3A_1218 : i32
        %sign3A_1220 = arith.extui %sign3A_1219 : i1 to i32
        %sign3A_1221 = arith.constant 0 : i32
        %sign3A_1222 = arith.cmpi slt, %jit3A_1209, %sign3A_1221 : i32
        %sign3A_1223 = arith.extui %sign3A_1222 : i1 to i32
        %sign3A_1224 = arith.subi %sign3A_1220, %sign3A_1223 : i32
        %ne3A_1225 = arith.cmpi ne, %sign3A_1217, %sign3A_1224 : i32
        %rem3A_1226 = arith.remsi %select_n3A_1208, %jit3A_1209 : i32
        %ne3A_1227 = arith.constant 0 : i32
        %ne3A_1228 = arith.cmpi ne, %rem3A_1226, %ne3A_1227 : i32
        %and3A_1229 = arith.andi %ne3A_1225, %ne3A_1228 : i1
        %sub3A_1230 = arith.constant 1 : i32
        %sub3A_1231 = arith.subi %div3A_1210, %sub3A_1230 : i32
        %select_n3A_1232 = arith.select %and3A_1229, %sub3A_1231, %div3A_1210 : i32
        %jit3A_1233 = arith.constant 8000 : i32
        %eq3A_1234 = arith.constant 0 : i32
        %eq3A_1235 = arith.cmpi eq, %jit3A_1233, %eq3A_1234 : i32
        %jit3A_1236 = arith.constant 1 : i32
        %select_n3A_1237 = arith.select %eq3A_1235, %jit3A_1236, %jit3A_1233 : i32
        %rem3A_1238 = arith.remsi %select_n3A_1208, %select_n3A_1237 : i32
        %ne3A_1239 = arith.constant 0 : i32
        %ne3A_1240 = arith.cmpi ne, %rem3A_1238, %ne3A_1239 : i32
        %lt3A_1241 = arith.constant 0 : i32
        %lt3A_1242 = arith.cmpi slt, %rem3A_1238, %lt3A_1241 : i32
        %lt3A_1243 = arith.constant 0 : i32
        %lt3A_1244 = arith.cmpi slt, %select_n3A_1237, %lt3A_1243 : i32
        %ne3A_1245 = arith.xori %lt3A_1242, %lt3A_1244 : i1
        %and3A_1246 = arith.andi %ne3A_1245, %ne3A_1240 : i1
        %add3A_1247 = arith.addi %rem3A_1238, %select_n3A_1237 : i32
        %select_n3A_1248 = arith.select %and3A_1246, %add3A_1247, %rem3A_1238 : i32
        %mul3A_1249 = arith.constant 8000 : i32
        %mul3A_1250 = arith.muli %select_n3A_1192, %mul3A_1249 : i32
        %add3A_1251 = arith.addi %mul3A_1250, %select_n3A_1248 : i32
        %mul3A_1252 = arith.constant 32 : i32
        %mul3A_1253 = arith.muli %select_n3A_1232, %mul3A_1252 : i32
        %dma_start3A_1254 = arith.constant 96 : i32
        %dma_start3A_1255 = arith.constant 0 : i32
        %dma_start3A_1256 = tpu.memref_slice %arg16[%dma_start3A_1254, %dma_start3A_1255] : memref<128x32xf32, #tpu.memory_space<vmem>> -> memref<32x32xf32, #tpu.memory_space<vmem>>
        %dma_start3A_1257 = tpu.memref_slice %arg4[%add3A_1251, %mul3A_1253] : memref<40000x128xf32, #tpu.memory_space<hbm>> -> memref<32x32xf32, #tpu.memory_space<hbm>>
        %dma_start3A_1258 = arith.constant 96 : i32
        %dma_start3A_1259 = arith.constant 0 : i32
        %dma_start3A_1260 = tpu.memref_slice %arg16[%dma_start3A_1258, %dma_start3A_1259] : memref<128x32xf32, #tpu.memory_space<vmem>> -> memref<32x32xf32, #tpu.memory_space<vmem>>
        %dma_start3A_1261 = tpu.memref_slice %arg4[%add3A_1251, %mul3A_1253] : memref<40000x128xf32, #tpu.memory_space<hbm>> -> memref<32x32xf32, #tpu.memory_space<hbm>>
        tpu.enqueue_dma source(%dma_start3A_1261 : memref<32x32xf32, #tpu.memory_space<hbm>>) target(%dma_start3A_1260 : memref<32x32xf32, #tpu.memory_space<vmem>>) target_semaphore(%arg28 : memref<!tpu.dma_semaphore, #tpu.memory_space<semaphore_mem>>)
      } else {
      }
    }
    %scan3A_811 = arith.constant 20 : i32
    %dma_wait3A_812 = arith.constant 0 : i32
    %dma_wait3A_813 = arith.constant 0 : i32
    %dma_wait3A_814 = tpu.memref_slice %arg22[%dma_wait3A_812, %dma_wait3A_813] : memref<10112x32xf32, #tpu.memory_space<vmem_shared>> -> memref<10112x32xf32, #tpu.memory_space<vmem_shared>>
    tpu.wait_indirect_dma semaphore(%arg33 : memref<!tpu.dma_semaphore, #tpu.memory_space<semaphore_mem>>) src(%arg17 : memref<128x32xf32, #tpu.memory_space<vmem>>) dst(%dma_wait3A_814 : memref<10112x32xf32, #tpu.memory_space<vmem_shared>>)
    %dma_wait3A_815 = arith.constant 0 : i32
    %dma_wait3A_816 = arith.constant 0 : i32
    %dma_wait3A_817 = tpu.memref_slice %arg22[%dma_wait3A_815, %dma_wait3A_816] : memref<10112x32xf32, #tpu.memory_space<vmem_shared>> -> memref<10112x32xf32, #tpu.memory_space<vmem_shared>>
    tpu.wait_indirect_dma semaphore(%arg34 : memref<!tpu.dma_semaphore, #tpu.memory_space<semaphore_mem>>) src(%arg18 : memref<128x32xf32, #tpu.memory_space<vmem>>) dst(%dma_wait3A_817 : memref<10112x32xf32, #tpu.memory_space<vmem_shared>>)
    %barrier3A_818 = arith.constant 0 : index
    tpu.barrier barrier_id(%barrier3A_818)
    %mul3A_819 = arith.constant 632 : i32
    %mul3A_820 = arith.muli %arg1, %mul3A_819 : i32
    %mul3A_821 = arith.constant 632 : i32
    %mul3A_822 = arith.muli %arg1, %mul3A_821 : i32
    "tpu.region"() ({
      %run_scoped3A = tpu.sem_alloc : memref<!tpu.dma_semaphore, #tpu.memory_space<semaphore_mem>>
      %dma_start3A_823 = arith.constant 0 : i32
      %dma_start3A_824 = tpu.memref_slice %arg6[%arg0, %mul3A_822, %dma_start3A_823] : memref<2x10112x32xf32, #tpu.memory_space<hbm>> -> memref<1x632x32xf32, #tpu.memory_space<hbm>>
      %dma_start3A_825 = tpu.memref_squeeze %dma_start3A_824 : memref<1x632x32xf32, #tpu.memory_space<hbm>> -> memref<632x32xf32, #tpu.memory_space<hbm>>
      %dma_start3A_826 = arith.constant 0 : i32
      %dma_start3A_827 = tpu.memref_slice %arg22[%mul3A_820, %dma_start3A_826] : memref<10112x32xf32, #tpu.memory_space<vmem_shared>> -> memref<632x32xf32, #tpu.memory_space<vmem_shared>>
      tpu.enqueue_dma source(%dma_start3A_827 : memref<632x32xf32, #tpu.memory_space<vmem_shared>>) target(%dma_start3A_825 : memref<632x32xf32, #tpu.memory_space<hbm>>) target_semaphore(%run_scoped3A : memref<!tpu.dma_semaphore, #tpu.memory_space<semaphore_mem>>)
      %dma_wait3A_828 = arith.constant 0 : i32
      %dma_wait3A_829 = tpu.memref_slice %arg6[%arg0, %mul3A_822, %dma_wait3A_828] : memref<2x10112x32xf32, #tpu.memory_space<hbm>> -> memref<1x632x32xf32, #tpu.memory_space<hbm>>
      %dma_wait3A_830 = tpu.memref_squeeze %dma_wait3A_829 : memref<1x632x32xf32, #tpu.memory_space<hbm>> -> memref<632x32xf32, #tpu.memory_space<hbm>>
      %dma_wait3A_831 = arith.constant 0 : i32
      %dma_wait3A_832 = tpu.memref_slice %arg22[%mul3A_820, %dma_wait3A_831] : memref<10112x32xf32, #tpu.memory_space<vmem_shared>> -> memref<632x32xf32, #tpu.memory_space<vmem_shared>>
      tpu.wait_dma2 semaphore(%run_scoped3A : memref<!tpu.dma_semaphore, #tpu.memory_space<semaphore_mem>>) src(%dma_wait3A_832 : memref<632x32xf32, #tpu.memory_space<vmem_shared>>) dst(%dma_wait3A_830 : memref<632x32xf32, #tpu.memory_space<hbm>>)
      tpu.yield
    }) : () -> ()
    return
  }
}

module attributes {stable_mosaic.version = 14 : i64} {
  func.func @_tc_pre_body(%arg0: i32, %arg1: memref<2000x256xf32, #tpu.memory_space<vmem>>, %arg2: memref<16x32000xf32, #tpu.memory_space<vmem>>, %arg3: memref<256x32xf32, #tpu.memory_space<vmem>>, %arg4: memref<256x32xf32, #tpu.memory_space<vmem>>, %arg5: memref<64x128xf32, #tpu.memory_space<vmem>>, %arg6: memref<1x128xf32, #tpu.memory_space<vmem>>, %arg7: memref<2000x32xf32, #tpu.memory_space<vmem>>, %arg8: memref<2000x32xf32, #tpu.memory_space<vmem>>, %arg9: memref<8000x128xf32, #tpu.memory_space<vmem>>) attributes {dimension_semantics = [#tpu.dimension_semantics<arbitrary>], iteration_bounds = array<i64: 5>, scalar_prefetch = 0 : i64, scratch_operands = 0 : i64, tpu.core_type = #tpu.core_type<tc>, window_params = [{transform_indices = @transform_0, window_bounds = array<i64: 2000, 256>}, {transform_indices = @transform_1, window_bounds = array<i64: 16, 32000>}, {pipeline_mode = #tpu.pipeline_mode<synchronous>, transform_indices = @transform_2, window_bounds = array<i64: 256, 32>}, {pipeline_mode = #tpu.pipeline_mode<synchronous>, transform_indices = @transform_3, window_bounds = array<i64: 256, 32>}, {pipeline_mode = #tpu.pipeline_mode<synchronous>, transform_indices = @transform_4, window_bounds = array<i64: 64, 128>}, {pipeline_mode = #tpu.pipeline_mode<synchronous>, transform_indices = @transform_5, window_bounds = array<i64: 1, 128>}, {transform_indices = @transform_6, window_bounds = array<i64: 2000, 32>}, {transform_indices = @transform_7, window_bounds = array<i64: 2000, 32>}, {transform_indices = @transform_8, window_bounds = array<i64: 8000, 128>}]} {
    %get3A = arith.constant 0 : index
    %get3A_0 = arith.constant 0 : index
    %get3A_1 = vector.load %arg1[%get3A, %get3A_0] : memref<2000x256xf32, #tpu.memory_space<vmem>>, vector<2000x256xf32>
    %get3A_2 = arith.constant 0 : index
    %get3A_3 = arith.constant 0 : index
    %get3A_4 = vector.load %arg3[%get3A_2, %get3A_3] : memref<256x32xf32, #tpu.memory_space<vmem>>, vector<256x32xf32>
    %dot_general3A = arith.constant dense<0.000000e+00> : vector<2000x32xf32>
    %dot_general3A_5 = tpu.matmul %get3A_1, %get3A_4, %dot_general3A {dimension_numbers = #tpu.dot_dimension_numbers<[1], [0], [0], [1], [0, 0, 1, 1], [], []>, transpose_lhs_hint = false} : vector<2000x256xf32>, vector<256x32xf32>, vector<2000x32xf32> -> vector<2000x32xf32>
    %swap3A = arith.constant 0 : index
    %swap3A_6 = arith.constant 0 : index
    %swap3A_7 = vector.load %arg7[%swap3A, %swap3A_6] : memref<2000x32xf32, #tpu.memory_space<vmem>>, vector<2000x32xf32>
    tpu.vector_store %arg7[%swap3A, %swap3A_6], %dot_general3A_5 {strides = array<i32>} : memref<2000x32xf32, #tpu.memory_space<vmem>>, vector<2000x32xf32>,
    %get3A_8 = arith.constant 0 : index
    %get3A_9 = arith.constant 0 : index
    %get3A_10 = vector.load %arg4[%get3A_8, %get3A_9] : memref<256x32xf32, #tpu.memory_space<vmem>>, vector<256x32xf32>
    %dot_general3A_11 = arith.constant dense<0.000000e+00> : vector<2000x32xf32>
    %dot_general3A_12 = tpu.matmul %get3A_1, %get3A_10, %dot_general3A_11 {dimension_numbers = #tpu.dot_dimension_numbers<[1], [0], [0], [1], [0, 0, 1, 1], [], []>, transpose_lhs_hint = false} : vector<2000x256xf32>, vector<256x32xf32>, vector<2000x32xf32> -> vector<2000x32xf32>
    %swap3A_13 = arith.constant 0 : index
    %swap3A_14 = arith.constant 0 : index
    %swap3A_15 = vector.load %arg8[%swap3A_13, %swap3A_14] : memref<2000x32xf32, #tpu.memory_space<vmem>>, vector<2000x32xf32>
    tpu.vector_store %arg8[%swap3A_13, %swap3A_14], %dot_general3A_12 {strides = array<i32>} : memref<2000x32xf32, #tpu.memory_space<vmem>>, vector<2000x32xf32>,
    %get3A_16 = arith.constant 0 : index
    %get3A_17 = arith.constant 0 : index
    %get3A_18 = vector.load %arg2[%get3A_16, %get3A_17] : memref<16x32000xf32, #tpu.memory_space<vmem>>, vector<16x32000xf32>
    %slice3A = vector.extract_strided_slice %get3A_18 {offsets = [0, 0], sizes = [16, 8000], strides = [1, 1]} : vector<16x32000xf32> to vector<16x8000xf32>
    %slice3A_19 = vector.extract_strided_slice %get3A_18 {offsets = [0, 8000], sizes = [16, 8000], strides = [1, 1]} : vector<16x32000xf32> to vector<16x8000xf32>
    %slice3A_20 = vector.extract_strided_slice %get3A_18 {offsets = [0, 16000], sizes = [16, 8000], strides = [1, 1]} : vector<16x32000xf32> to vector<16x8000xf32>
    %slice3A_21 = vector.extract_strided_slice %get3A_18 {offsets = [0, 24000], sizes = [16, 8000], strides = [1, 1]} : vector<16x32000xf32> to vector<16x8000xf32>
    %concatenate3A = tpu.concatenate %slice3A, %slice3A_19, %slice3A_20, %slice3A_21 in 0 : vector<16x8000xf32>, vector<16x8000xf32>, vector<16x8000xf32>, vector<16x8000xf32> -> vector<64x8000xf32>
    %get3A_22 = arith.constant 0 : index
    %get3A_23 = arith.constant 0 : index
    %get3A_24 = vector.load %arg5[%get3A_22, %get3A_23] : memref<64x128xf32, #tpu.memory_space<vmem>>, vector<64x128xf32>
    %dot_general3A_25 = arith.constant dense<0.000000e+00> : vector<8000x128xf32>
    %dot_general3A_26 = tpu.matmul %concatenate3A, %get3A_24, %dot_general3A_25 {dimension_numbers = #tpu.dot_dimension_numbers<[0], [0], [1], [1], [0, 1, 1, 1], [], []>, transpose_lhs_hint = false} : vector<64x8000xf32>, vector<64x128xf32>, vector<8000x128xf32> -> vector<8000x128xf32>
    %get3A_27 = arith.constant 0 : index
    %get3A_28 = arith.constant 0 : index
    %get3A_29 = vector.load %arg6[%get3A_27, %get3A_28] : memref<1x128xf32, #tpu.memory_space<vmem>>, vector<1x128xf32>
    %add3A = vector.broadcast %get3A_29 : vector<1x128xf32> to vector<8000x128xf32>
    %add3A_30 = arith.addf %dot_general3A_26, %add3A : vector<8000x128xf32>
    %swap3A_31 = arith.constant 0 : index
    %swap3A_32 = arith.constant 0 : index
    %swap3A_33 = vector.load %arg9[%swap3A_31, %swap3A_32] : memref<8000x128xf32, #tpu.memory_space<vmem>>, vector<8000x128xf32>
    tpu.vector_store %arg9[%swap3A_31, %swap3A_32], %add3A_30 {strides = array<i32>} : memref<8000x128xf32, #tpu.memory_space<vmem>>, vector<8000x128xf32>,
    return
  }
  func.func @transform_0(%arg0: i32) -> (i32, i32) {
    %c0_i32 = arith.constant 0 : i32
    %c0_i32_0 = arith.constant 0 : i32
    return %arg0, %c0_i32 : i32, i32
  }
  func.func @transform_1(%arg0: i32) -> (i32, i32) {
    %c0_i32 = arith.constant 0 : i32
    %c0_i32_0 = arith.constant 0 : i32
    return %c0_i32, %arg0 : i32, i32
  }
  func.func @transform_2(%arg0: i32) -> (i32, i32) {
    %c0_i32 = arith.constant 0 : i32
    %c0_i32_0 = arith.constant 0 : i32
    %c0_i32_1 = arith.constant 0 : i32
    return %c0_i32, %c0_i32_0 : i32, i32
  }
  func.func @transform_3(%arg0: i32) -> (i32, i32) {
    %c0_i32 = arith.constant 0 : i32
    %c0_i32_0 = arith.constant 0 : i32
    %c0_i32_1 = arith.constant 0 : i32
    return %c0_i32, %c0_i32_0 : i32, i32
  }
  func.func @transform_4(%arg0: i32) -> (i32, i32) {
    %c0_i32 = arith.constant 0 : i32
    %c0_i32_0 = arith.constant 0 : i32
    %c0_i32_1 = arith.constant 0 : i32
    return %c0_i32, %c0_i32_0 : i32, i32
  }
  func.func @transform_5(%arg0: i32) -> (i32, i32) {
    %c0_i32 = arith.constant 0 : i32
    %c0_i32_0 = arith.constant 0 : i32
    %c0_i32_1 = arith.constant 0 : i32
    return %c0_i32, %c0_i32_0 : i32, i32
  }
  func.func @transform_6(%arg0: i32) -> (i32, i32) {
    %c0_i32 = arith.constant 0 : i32
    %c0_i32_0 = arith.constant 0 : i32
    return %arg0, %c0_i32 : i32, i32
  }
  func.func @transform_7(%arg0: i32) -> (i32, i32) {
    %c0_i32 = arith.constant 0 : i32
    %c0_i32_0 = arith.constant 0 : i32
    return %arg0, %c0_i32 : i32, i32
  }
  func.func @transform_8(%arg0: i32) -> (i32, i32) {
    %c0_i32 = arith.constant 0 : i32
    %c0_i32_0 = arith.constant 0 : i32
    return %arg0, %c0_i32 : i32, i32
  }
}

module attributes {stable_mosaic.version = 14 : i64} {
  func.func @_tc_posta_body(%arg0: i32, %arg1: memref<1000x256xf32, #tpu.memory_space<vmem>>, %arg2: memref<256x256xf32, #tpu.memory_space<vmem>>, %arg3: memref<1x256xf32, #tpu.memory_space<vmem>>, %arg4: memref<1000x256xf32, #tpu.memory_space<vmem>>) attributes {dimension_semantics = [#tpu.dimension_semantics<arbitrary>], iteration_bounds = array<i64: 10>, scalar_prefetch = 0 : i64, scratch_operands = 0 : i64, tpu.core_type = #tpu.core_type<tc>, window_params = [{transform_indices = @transform_0, window_bounds = array<i64: 1000, 256>}, {pipeline_mode = #tpu.pipeline_mode<synchronous>, transform_indices = @transform_1, window_bounds = array<i64: 256, 256>}, {pipeline_mode = #tpu.pipeline_mode<synchronous>, transform_indices = @transform_2, window_bounds = array<i64: 1, 256>}, {transform_indices = @transform_3, window_bounds = array<i64: 1000, 256>}]} {
    %get3A = arith.constant 0 : index
    %get3A_0 = arith.constant 0 : index
    %get3A_1 = vector.load %arg1[%get3A, %get3A_0] : memref<1000x256xf32, #tpu.memory_space<vmem>>, vector<1000x256xf32>
    %get3A_2 = arith.constant 0 : index
    %get3A_3 = arith.constant 0 : index
    %get3A_4 = vector.load %arg2[%get3A_2, %get3A_3] : memref<256x256xf32, #tpu.memory_space<vmem>>, vector<256x256xf32>
    %dot_general3A = arith.constant dense<0.000000e+00> : vector<1000x256xf32>
    %dot_general3A_5 = tpu.matmul %get3A_1, %get3A_4, %dot_general3A {dimension_numbers = #tpu.dot_dimension_numbers<[1], [0], [0], [1], [0, 0, 1, 1], [], []>, transpose_lhs_hint = false} : vector<1000x256xf32>, vector<256x256xf32>, vector<1000x256xf32> -> vector<1000x256xf32>
    %get3A_6 = arith.constant 0 : index
    %get3A_7 = arith.constant 0 : index
    %get3A_8 = vector.load %arg3[%get3A_6, %get3A_7] : memref<1x256xf32, #tpu.memory_space<vmem>>, vector<1x256xf32>
    %add3A = vector.broadcast %get3A_8 : vector<1x256xf32> to vector<1000x256xf32>
    %add3A_9 = arith.addf %dot_general3A_5, %add3A : vector<1000x256xf32>
    %swap3A = arith.constant 0 : index
    %swap3A_10 = arith.constant 0 : index
    %swap3A_11 = vector.load %arg4[%swap3A, %swap3A_10] : memref<1000x256xf32, #tpu.memory_space<vmem>>, vector<1000x256xf32>
    tpu.vector_store %arg4[%swap3A, %swap3A_10], %add3A_9 {strides = array<i32>} : memref<1000x256xf32, #tpu.memory_space<vmem>>, vector<1000x256xf32>,
    return
  }
  func.func @transform_0(%arg0: i32) -> (i32, i32) {
    %c0_i32 = arith.constant 0 : i32
    %c0_i32_0 = arith.constant 0 : i32
    return %arg0, %c0_i32 : i32, i32
  }
  func.func @transform_1(%arg0: i32) -> (i32, i32) {
    %c0_i32 = arith.constant 0 : i32
    %c0_i32_0 = arith.constant 0 : i32
    %c0_i32_1 = arith.constant 0 : i32
    return %c0_i32, %c0_i32_0 : i32, i32
  }
  func.func @transform_2(%arg0: i32) -> (i32, i32) {
    %c0_i32 = arith.constant 0 : i32
    %c0_i32_0 = arith.constant 0 : i32
    %c0_i32_1 = arith.constant 0 : i32
    return %c0_i32, %c0_i32_0 : i32, i32
  }
  func.func @transform_3(%arg0: i32) -> (i32, i32) {
    %c0_i32 = arith.constant 0 : i32
    %c0_i32_0 = arith.constant 0 : i32
    return %arg0, %c0_i32 : i32, i32
  }
}

module attributes {stable_mosaic.version = 14 : i64} {
  func.func @_tc_postb_body(%arg0: i32, %arg1: memref<1000x256xf32, #tpu.memory_space<vmem>>, %arg2: memref<2x1000x32xf32, #tpu.memory_space<vmem>>, %arg3: memref<32x256xf32, #tpu.memory_space<vmem>>, %arg4: memref<1000x256xf32, #tpu.memory_space<vmem>>) attributes {dimension_semantics = [#tpu.dimension_semantics<arbitrary>], iteration_bounds = array<i64: 10>, scalar_prefetch = 0 : i64, scratch_operands = 0 : i64, tpu.core_type = #tpu.core_type<tc>, window_params = [{transform_indices = @transform_0, window_bounds = array<i64: 1000, 256>}, {transform_indices = @transform_1, window_bounds = array<i64: 2, 1000, 32>}, {pipeline_mode = #tpu.pipeline_mode<synchronous>, transform_indices = @transform_2, window_bounds = array<i64: 32, 256>}, {transform_indices = @transform_3, window_bounds = array<i64: 1000, 256>}]} {
    %get3A = arith.constant 0 : index
    %get3A_0 = arith.constant 0 : index
    %get3A_1 = arith.constant 0 : index
    %get3A_2 = vector.load %arg2[%get3A, %get3A_0, %get3A_1] : memref<2x1000x32xf32, #tpu.memory_space<vmem>>, vector<1x1000x32xf32>
    %get3A_3 = vector.shape_cast %get3A_2 : vector<1x1000x32xf32> to vector<1000x32xf32>
    %get3A_4 = arith.constant 1 : index
    %get3A_5 = arith.constant 0 : index
    %get3A_6 = arith.constant 0 : index
    %get3A_7 = vector.load %arg2[%get3A_4, %get3A_5, %get3A_6] : memref<2x1000x32xf32, #tpu.memory_space<vmem>>, vector<1x1000x32xf32>
    %get3A_8 = vector.shape_cast %get3A_7 : vector<1x1000x32xf32> to vector<1000x32xf32>
    %add3A = arith.addf %get3A_3, %get3A_8 : vector<1000x32xf32>
    %get3A_9 = arith.constant 0 : index
    %get3A_10 = arith.constant 0 : index
    %get3A_11 = vector.load %arg1[%get3A_9, %get3A_10] : memref<1000x256xf32, #tpu.memory_space<vmem>>, vector<1000x256xf32>
    %get3A_12 = arith.constant 0 : index
    %get3A_13 = arith.constant 0 : index
    %get3A_14 = vector.load %arg3[%get3A_12, %get3A_13] : memref<32x256xf32, #tpu.memory_space<vmem>>, vector<32x256xf32>
    %dot_general3A = arith.constant dense<0.000000e+00> : vector<1000x256xf32>
    %dot_general3A_15 = tpu.matmul %add3A, %get3A_14, %dot_general3A {dimension_numbers = #tpu.dot_dimension_numbers<[1], [0], [0], [1], [0, 0, 1, 1], [], []>, transpose_lhs_hint = false} : vector<1000x32xf32>, vector<32x256xf32>, vector<1000x256xf32> -> vector<1000x256xf32>
    %add3A_16 = arith.addf %get3A_11, %dot_general3A_15 : vector<1000x256xf32>
    %max3A = arith.constant 0.000000e+00 : f32
    %max3A_17 = vector.broadcast %max3A : f32 to vector<1000x256xf32>
    %max3A_18 = arith.maximumf %add3A_16, %max3A_17 : vector<1000x256xf32>
    %swap3A = arith.constant 0 : index
    %swap3A_19 = arith.constant 0 : index
    %swap3A_20 = vector.load %arg4[%swap3A, %swap3A_19] : memref<1000x256xf32, #tpu.memory_space<vmem>>, vector<1000x256xf32>
    tpu.vector_store %arg4[%swap3A, %swap3A_19], %max3A_18 {strides = array<i32>} : memref<1000x256xf32, #tpu.memory_space<vmem>>, vector<1000x256xf32>,
    return
  }
  func.func @transform_0(%arg0: i32) -> (i32, i32) {
    %c0_i32 = arith.constant 0 : i32
    %c0_i32_0 = arith.constant 0 : i32
    return %arg0, %c0_i32 : i32, i32
  }
  func.func @transform_1(%arg0: i32) -> (i32, i32, i32) {
    %c0_i32 = arith.constant 0 : i32
    %c0_i32_0 = arith.constant 0 : i32
    %c0_i32_1 = arith.constant 0 : i32
    return %c0_i32, %arg0, %c0_i32_0 : i32, i32, i32
  }
  func.func @transform_2(%arg0: i32) -> (i32, i32) {
    %c0_i32 = arith.constant 0 : i32
    %c0_i32_0 = arith.constant 0 : i32
    %c0_i32_1 = arith.constant 0 : i32
    return %c0_i32, %c0_i32_0 : i32, i32
  }
  func.func @transform_3(%arg0: i32) -> (i32, i32) {
    %c0_i32 = arith.constant 0 : i32
    %c0_i32_0 = arith.constant 0 : i32
    return %arg0, %c0_i32 : i32, i32
  }
}

</mosaic_0001>

<sc_bundles>
// kernel: kernel.6.cloned.1.call-start
scs
__scs_entry_jumppad:
0x0: {  	(pc) =	sbr.rel $0x88, $3  }
0x1: {  	(tag) =	ssettag $0x0;
	lr =	simm.s32 $0x1  }
0x2: {  	[smem:$0x3F9A] =	sst lr;
	_ =	strace $0xD0000000  }
0x3: {  	_ = 	snop  }
0x4: {  	_ = 	snop  }
0x5: {  	_ = 	snop  }
0x6: {  	_ = 	snop  }
0x7: {  	_ = 	snop  }
__scs_overlays_trampoline_lowered:
0x8: {  	[smem:$0x3FA9] =	sst s0  }
0x9: {  	[smem:$0x3FAA] =	sst s1  }
0xa: {  	[smem:$0x3FAB] =	sst s2  }
0xb: {  	[smem:$0x3FAC] =	sst s3  }
0xc: {  	[smem:$0x3FAD] =	sst s4  }
0xd: {  	[smem:$0x3FAE] =	sst s5  }
0xe: {  	[smem:$0x3FAF] =	sst s6  }
0xf: {  	[smem:$0x3FB0] =	sst s7  }
0x10: {  	[smem:$0x3FB1] =	sst s8  }
0x11: {  	[smem:$0x3FB2] =	sst s9;
	s0 =	simm.s32 @!p0 $0x0  }
0x12: {  	s1 =	sld [smem:$0x3F98];
	s0 =	simm.s32 @p0 $0x1  }
0x13: {  	[smem:$0x3FB3] =	sst s0;
	s0 =	simm.s32 @!p1 $0x0  }
0x14: {  	s2 =	sld [smem:$0x3F97];
	s0 =	simm.s32 @p1 $0x1  }
0x15: {  	[smem:$0x3FB4] =	sst s0;
	s0 =	simm.s32 @!p2 $0x0  }
0x16: {  	s3 =	sld [smem:$0x3FDB];
	s0 =	simm.s32 @p2 $0x1  }
0x17: {  	s4 =	simm.s32 $0x1BF5;
	[smem:$0x3FB6] =	sst s0  }
0x18: {  	s0 =	sld [smem:$0x3F99];
	_ =	swait.ge [sflag:s4], $0x0  }
0x19: {  	s7 =	sld [smem:$0x3F9A]  }
0x1a: {  	s8 =	sadd.s32 $0xFFFFE003, lr  }
0x1b: {  	s9 =	sadd.s32 $0xFFFFFEF7, lr;
	s5 =	simm.s32 $0xFFFFFFFF;
	p2 =	slt.u32 s8, $0xFFFFF086  }
0x1c: {  	p1 =	slt.u32 s9, $0xF7A;
	s5 =	simm.s32 @!p2 $0x0  }
0x1d: {  	s5 =	simm.s32 @p1 $0x1;
	p0 =	seq.s32 s7, s2  }
0x1e: {  	s7 =	smul.u32 @!p0 $0xF7A, s2;
	p2 =	seq.s32 @!p0 s5, $0x0  }
0x1f: {  	s9 =	smul.u32 $0xF7A, s1;
	s8 =	simm.s32 @!p0 $0x1BF5;
	p2 =	por !p2, p0  }
0x20: {  	[sflag:s8] =	ssyncset.s32 @!p0 $0xFFFFF086;
	s6 =	sadd.s32 @!p0 s3, s7;
	s7 =	simm.s32 @!p0 $0x108  }
0x21: {  	s3 =	sadd.s32 s3, s9;
	s6 =	sadd.s32 @!p0 $0x88, s6;
	s7 =	simm.s32 @p2 $0x1082  }
0x22: {  	[simem:s7], [sflag:s8] =	dma.local @!p0 [hbm:s6], $0xF7A  }
0x23: {  	s9 =	sor.u32 $0xD0000000, s2;
	s6 =	simm.s32 $0x108;
	_ =	swait.ge @!p0 [sflag:s8], $0x0  }
0x24: {  	s3 =	sadd.s32 $0x88, s3;
	s6 =	simm.s32 @!p1 $0x1082;
	[sflag:s4] =	ssyncset.s32 $0xFFFFF086  }
0x25: {  	[simem:s6], [sflag:s4] =	dma.local [hbm:s3], $0xF7A  }
0x26: {  	[smem:$0x3F9A] =	sst s1;
	(tag) =	ssettag s2;
	_ =	strace s9  }
0x27: {  	s1 =	sld [smem:$0x3FAA]  }
0x28: {  	s2 =	sld [smem:$0x3FAB]  }
0x29: {  	s4 =	sld [smem:$0x3FAD]  }
0x2a: {  	p0 =	seq.s32 s5, $0x0;
	s5 =	sld [smem:$0x3FAE]  }
0x2b: {  	s6 =	sld [smem:$0x3FAF]  }
0x2c: {  	s7 =	sld [smem:$0x3FB0]  }
0x2d: {  	s3 =	simm.s32 $0x108;
	s8 =	sld [smem:$0x3FB1]  }
0x2e: {  	s3 =	simm.s32 @!p0 $0x1082;
	s9 =	sld [smem:$0x3FB2]  }
0x2f: {  	lr =	sadd.s32 s0, s3;
	s0 =	sld [smem:$0x3FA9]  }
0x30: {  	s3 =	sld [smem:$0x3FAC]  }
0x31: {  	[smem:$0x3FB5] =	sst s10  }
0x32: {  	s10 =	sld [smem:$0x3FB3];
	_ =	sdelay $0x3  }
0x33: {  	p0 =	seq.s32 s10, $0x1;
	s10 =	sld [smem:$0x3FB5];
	_ =	sdelay $0x3  }
0x34: {  	[smem:$0x3FB5] =	sst s10  }
0x35: {  	s10 =	sld [smem:$0x3FB4];
	_ =	sdelay $0x3  }
0x36: {  	p1 =	seq.s32 s10, $0x1;
	s10 =	sld [smem:$0x3FB5];
	_ =	sdelay $0x3  }
0x37: {  	[smem:$0x3FB5] =	sst s10  }
0x38: {  	s10 =	sld [smem:$0x3FB6]  }
0x39: {  	_ = 	snop;
	(pc) =	sbr.ind lr, $3  }
0x3a: {  	_ = 	snop  }
0x3b: {  	_ = 	snop  }
0x3c: {  	p2 =	seq.s32 s10, $0x1;
	s10 =	sld [smem:$0x3FB5]  }
0x3d: {  	_ =	shalt  }
0x3e: {  	_ =	shalt  }
0x3f: {  	_ =	shalt  }
0x40: {  	_ =	shalt  }
0x41: {  	_ =	shalt  }
0x42: {  	_ =	shalt  }
0x43: {  	_ =	shalt  }
0x44: {  	_ =	shalt  }
0x45: {  	_ =	shalt  }
0x46: {  	_ =	shalt  }
0x47: {  	_ =	shalt  }
0x48: {  	_ =	shalt  }
0x49: {  	_ =	shalt  }
0x4a: {  	_ =	shalt  }
0x4b: {  	_ =	shalt  }
0x4c: {  	_ =	shalt  }
0x4d: {  	_ =	shalt  }
0x4e: {  	_ =	shalt  }
0x4f: {  	_ =	shalt  }
0x50: {  	_ =	shalt  }
0x51: {  	_ =	shalt  }
0x52: {  	_ =	shalt  }
0x53: {  	_ =	shalt  }
0x54: {  	_ =	shalt  }
0x55: {  	_ =	shalt  }
0x56: {  	_ =	shalt  }
0x57: {  	_ =	shalt  }
0x58: {  	_ =	shalt  }
0x59: {  	_ =	shalt  }
0x5a: {  	_ =	shalt  }
0x5b: {  	_ =	shalt  }
0x5c: {  	_ =	shalt  }
0x5d: {  	_ =	shalt  }
0x5e: {  	_ =	shalt  }
0x5f: {  	_ =	shalt  }
0x60: {  	_ =	shalt  }
0x61: {  	_ =	shalt  }
0x62: {  	_ =	shalt  }
0x63: {  	_ =	shalt  }
0x64: {  	_ =	shalt  }
0x65: {  	_ =	shalt  }
0x66: {  	_ =	shalt  }
0x67: {  	_ =	shalt  }
0x68: {  	_ =	shalt  }
0x69: {  	_ =	shalt  }
0x6a: {  	_ =	shalt  }
0x6b: {  	_ =	shalt  }
0x6c: {  	_ =	shalt  }
0x6d: {  	_ =	shalt  }
0x6e: {  	_ =	shalt  }
0x6f: {  	_ =	shalt  }
0x70: {  	_ =	shalt  }
0x71: {  	_ =	shalt  }
0x72: {  	_ =	shalt  }
0x73: {  	_ =	shalt  }
0x74: {  	_ =	shalt  }
0x75: {  	_ =	shalt  }
0x76: {  	_ =	shalt  }
0x77: {  	_ =	shalt  }
0x78: {  	_ =	shalt  }
0x79: {  	_ =	shalt  }
0x7a: {  	_ =	shalt  }
0x7b: {  	_ =	shalt  }
0x7c: {  	_ =	shalt  }
0x7d: {  	_ =	shalt  }
0x7e: {  	_ =	shalt  }
0x7f: {  	_ =	shalt  }
0x80: {  	_ =	shalt  }
0x81: {  	_ =	shalt  }
0x82: {  	_ =	shalt  }
0x83: {  	_ =	shalt  }
0x84: {  	_ =	shalt  }
0x85: {  	_ =	shalt  }
0x86: {  	_ =	shalt  }
0x87: {  	_ =	shalt  }
.Lfunc_end0:
.L_simem_size_0:
called_computation_lowered:
.L_overlay_start_0:
0x88: {  	s2 =	sld [smem:$0x3FD9]  }
0x89: {  	s3 =	sld [smem:$0x3FFE];
	_ =	sdelay $0x1  }
0x8a: {  	s1 =	srdreg.scid  }
0x8b: {  	s0 =	sand.u32 $0x1, s1  }
0x8c: {  	s17 =	sshll.u32 s0, $0xA;
	s2 =	sadd.s32 s3, s2  }
0x8d: {  	s2 =	sadd.s32 s2, s17  }
0x8e: {  	[smem:$0x3FC1] =	sst s2  }
0x8f: {  	_ = 	snop  }
0x90: {  	s2 =	sld [smem:$0x3FD0];
	(tm) =	ssettm $0x1  }
0x91: {  	s18 =	sld [smem:$0x3FFB];
	_ =	sdelay $0x3  }
0x92: {  	_ =	strace s18  }
0x93: {  	s3 =	sld [smem:$0x3FFC];
	_ =	sdelay $0x3  }
0x94: {  	_ =	strace s3  }
0x95: {  	s3 =	sld [smem:$0x3FFD];
	_ =	sdelay $0x3  }
0x96: {  	_ =	strace s3  }
0x97: {  	_ =	strace $0x8FFFFFFF  }
0x98: {  	s19 =	sld [smem:$0x3FDB];
	_ =	sdelay $0x1  }
0x99: {  	s4 =	simm.s32 $_scs_section_size  }
0x9a: {  	s5 =	simm.s32 $_size__tile_overlayer_lowered;
	s6 =	simm.s32 $_tile_overlayer_lowered  }
0x9b: {  	s22 =	simm.s32 $0x1BFF;
	s21 =	sshll.u32 s6, $0x1;
	s3 =	sadd.s32 s4, s19  }
0x9c: {  	s7 =	simm.s32 $0x0;
	s20 =	sshll.u32 s5, $0x1;
	s5 =	sadd.s32 s21, s3  }
0x9d: {  	[timem:s7], [sflag:s22] =	dma.local [hbm:s5], s20  }
0x9e: {  	_ =	swait.ge [sflag:s22], s20  }
0x9f: {  	s4 =	ssub.s32 $0x0, s20;
	[sflag:s22] =	ssyncset.done $0x0  }
0xa0: {  	[sflag:s22] =	ssyncadd.s32 s4;
	_ =	sdelay $0x1  }
0xa1: {  	s23 =	simm.s32 $0x1B8B  }
0xa2: {  	_ =	swait.ge [sflag:s23], $0x1  }
0xa3: {  	[sflag:s23] =	ssyncset.done $0x0  }
0xa4: {  	s25 =	simm.s32 $0x1B8E;
	s24 =	sld [smem:$0x3FFE];
	[sflag:s23] =	ssyncadd.s32 $0xFFFFFFFF  }
0xa5: {  	s26 =	simm.s32 $execute0_lowered;
	[smem:$0x3FD2] =	sst s25  }
0xa6: {  	s5 =	sshll.u32 s26, $0x1;
	_ =	strace $0x80000046;
	[dreg:$0x1] =	wrdreg $0xFFFFFFFF  }
0xa7: {  	s28 =	simm.s32 $_size_execute0_lowered;
	s3 =	sadd.s32 s3, s5;
	[dreg:$0x0] =	wrdreg $0x0  }
0xa8: {  	s5 =	sshll.u32 s28, $0x1;
	[dreg:$0x2] =	wrdreg s3  }
0xa9: {  	[dreg:$0x3] =	wrdreg s5  }
0xaa: {  	[dreg:$0x4] =	wrdreg $0xC0  }
0xab: {  	_ =	task [dreg:s7], $0x5FFFF  }
0xac: {  	[dreg:$0x1] =	wrdreg $0xFFFFFFFF  }
0xad: {  	[dreg:$0x0] =	wrdreg $0x60  }
0xae: {  	[dreg:$0x2] =	wrdreg s24  }
0xaf: {  	[dreg:$0x3] =	wrdreg s2  }
0xb0: {  	[dreg:$0x4] =	wrdreg $0xD2000  }
0xb1: {  	[dreg:$0x5] =	wrdreg $0x9  }
0xb2: {  	_ =	task.clear_ibuf [dreg:s7], $0x6FFFF;
	_ =	strace $0x90000046  }
0xb3: {  	s29 =	simm.s32 $0x9;
	_ =	strace $0x80000048  }
0xb4: {  	_ =	swait.ge [sflag:s29], $0x1  }
0xb5: {  	[sflag:s29] =	ssyncadd.s32 $0xFFFFFFFF  }
0xb6: {  	_ =	strace $0x90000048  }
0xb7: {  	_ =	sfence  }
0xb8: {  	s30 =	sld [smem:$0x0];
	_ =	sdelay $0x2  }
0xb9: {  	s31 =	sshll.u32 s1, $0xD;
	s1 =	sshrl.u32 s1, $0x2  }
0xba: {  	s3 =	sand.u32 $0x4000, s31;
	s1 =	sadd.s32 s1, s30  }
0xbb: {  	s0 =	sor.u32 s3, s0;
	s1 =	sshll.u32 s1, $0x11  }
0xbc: {  	s0 =	sor.u32 s1, s0  }
0xbd: {  	s0 =	sadd.s32 $0x8F2B, s0  }
0xbe: {  	[sflag:s0] =	ssyncadd.remote.s32 $0x1  }
0xbf: {  	_ =	sfence.sel $0xFFFF  }
0xc0: {  	[dreg:$0x0] =	wrdreg $0xFFFFFFFF;
	(pc) =	sbr.abs _section_cstart, $3  }
0xc1: {  	[dreg:$0x1] =	wrdreg $0xFFFFFFFF  }
0xc2: {  	_ =	task.clear_ibuf [dreg:s7], $0x2FFFF;
	_ =	strace $0x9FFFFFFF  }
0xc3: {  	(tm) =	ssettm $0x7FFFFFFF  }
tec
execute0_lowered:
.L_overlay_start_1:
0x0: {  	(tag) =	ssettag $0x1  }
0x1: {  	s3 =	rddreg [dreg:$0x0]  }
0x2: {  	s0 =	rddreg [dreg:$0x1]  }
0x3: {  	s1 =	rddreg [dreg:$0x2]  }
0x4: {  	s2 =	simm.s32 $0x0;
	s5 =	srdreg.scid;
	s19 =	stileid.u32  }
0x5: {  	s14 =	simm.s32 $0x4;
	s18 =	simm.s32 $0x4;
	s28 =	simm.s32 $0x20  }
0x6: {  	s29 =	simm.s32 $0x80;
	[smem:$0x7FF] =	sst s2;
	s4 =	sadd.s32 $0xA7200, s3  }
0x7: {  	s10 =	sand.u32 $0x1, s5;
	s5 =	sadd.s32 $0x9D400, s3;
	s6 =	sadd.s32 $0x1000, s3  }
0x8: {  	s11 =	sshll.u32 s19, $0x1;
	s7 =	sadd.s32 $0xB1000, s3;
	p0 =	seq.s32 s19, $0x0  }
0x9: {  	s23 =	smul.u32 $0x4F00, s19;
	s19 =	simm.s32 $0x200;
	s8 =	ssub.s32 $0x2, s10  }
0xa: {  	_ =	strace $0x80000047;
	s11 =	sor.u32 s10, s11;
	s9 =	sshrl.u32 s8, $0x1  }
0xb: {  	s10 =	smul.u32 $0x4F000, s10;
	s12 =	sshll.u32 s11, $0x4;
	s3 =	ssub.s32 s8, s9  }
0xc: {  	s8 =	simm.s32 $0x28;
	s9 =	sshll.u32 s11, $0x7;
	s12 =	sadd.s32 s7, s12  }
0xd: {  	s11 =	sshll.u32 s11, $0xB;
	s10 =	sadd.s32 s23, s10;
	s8 =	simm.s32 @!p0 $0x27  }
0xe: {  	s13 =	sshrl.u32 s9, $0x3;
	[dreg:$0x4] =	wrdreg s12;
	s20 =	sadd.s32 s6, s11  }
0xf: {  	s11 =	sor.u32 $0x1000, s9;
	s26 =	sor.u32 $0x1020, s9;
	s31 =	sor.u32 $0x1040, s9  }
0x10: {  	s21 =	sor.u32 $0x1060, s9;
	s10 =	sshrl.u32 s10, $0x3;
	s12 =	sadd.s32 s7, s13  }
0x11: {  	p0 =	sgt.u32 s11, $0x1F3F;
	s16 =	sadd.s32 $0x200, s20;
	[dreg:$0x6] =	wrdreg s20  }
0x12: {  	s17 =	sshll.u32 s31, $0x4;
	s24 =	sadd.s32 $0x400, s20;
	[dreg:$0x7] =	wrdreg s16  }
0x13: {  	s0 =	sadd.s32 s0, s10;
	s13 =	sadd.s32 $0x4E20, s12;
	[dreg:$0xb] =	wrdreg s24  }
0x14: {  	s14 =	simm.s32 @!p0 $0x0;
	p0 =	slt.u32 s11, $0x1F40;
	[dreg:$0x11] =	wrdreg s0  }
0x15: {  	s16 =	simm.s32 $0x4;
	s24 =	sadd.s32 $0xFFFFFFFF, s8;
	[dreg:$0x5] =	wrdreg s13  }
0x16: {  	s13 =	sshll.u32 s11, $0x4;
	s25 =	sadd.s32 s6, s14;
	s11 =	sshrl.u32 s11, $0x3  }
0x17: {  	s14 =	simm.s32 $0x4;
	s15 =	sadd.s32 $0xFFFE0C00, s13;
	s11 =	sadd.s32 s7, s11  }
0x18: {  	s15 =	smov.u32 @p0 s13;
	p0 =	sgt.u32 s26, $0x1F3F;
	[dreg:$0xe] =	wrdreg s11  }
0x19: {  	s11 =	sadd.s32 s23, s1;
	s23 =	simm.s32 $0x5;
	s13 =	sadd.s32 s15, s25  }
0x1a: {  	s15 =	sshll.u32 s26, $0x4;
	s16 =	simm.s32 @!p0 $0x0;
	p0 =	slt.u32 s26, $0x1F40  }
0x1b: {  	s26 =	sadd.s32 $0x600, s20;
	s20 =	simm.s32 $0x2200;
	[dreg:$0x10] =	wrdreg s11  }
0x1c: {  	[dreg:$0x8] =	wrdreg s13;
	s13 =	sadd.s32 $0xFFFE0C00, s15;
	s30 =	sadd.s32 s6, s16  }
0x1d: {  	s16 =	sadd.s32 $0xFFFE0C00, s17;
	s13 =	smov.u32 @p0 s15;
	p0 =	sgt.u32 s31, $0x1F3F  }
0x1e: {  	[dreg:$0xd] =	wrdreg s26;
	s26 =	simm.s32 $0x100;
	s18 =	simm.s32 @!p0 $0x0  }
0x1f: {  	p0 =	slt.u32 s31, $0x1F40;
	s13 =	sadd.s32 s13, s30;
	s30 =	sadd.s32 $0x5020, s12  }
0x20: {  	s31 =	smax.u32 s3, $0x1;
	s12 =	simm.s32 $0x7;
	s3 =	simm.s32 $0x0  }
0x21: {  	s16 =	smov.u32 @p0 s17;
	s18 =	sadd.s32 s6, s18;
	[dreg:$0x9] =	wrdreg s13  }
0x22: {  	p0 =	sgt.u32 s21, $0x1F3F;
	s13 =	sshll.u32 s21, $0x4;
	[dreg:$0xf] =	wrdreg s30  }
0x23: {  	[dreg:$0x12] =	wrdreg s31;
	s17 =	simm.s32 $0x1;
	s22 =	sadd.s32 s16, s18  }
.Ltmp0:
0x24: {  	s14 =	simm.s32 @!p0 $0x0;
	p0 =	slt.u32 s21, $0x1F40;
	(pc) =	sbr.rel .LBB2_1-.Ltmp0, $4  }
0x25: {  	s16 =	sadd.s32 $0xFFFE0C00, s13;
	s18 =	simm.s32 $0x3;
	s21 =	simm.s32 $0x9  }
0x26: {  	[dreg:$0xa] =	wrdreg s22;
	s16 =	smov.u32 @p0 s13;
	s25 =	sadd.s32 s6, s14  }
0x27: {  	s22 =	simm.s32 $0x6;
	s13 =	sadd.s32 s16, s25;
	s16 =	simm.s32 $0x8  }
0x28: {  	v0 =	vimm.f32 $0.0e+00;
	s25 =	simm.s32 $0xA;
	[dreg:$0xc] =	wrdreg s13;
	s13 =	simm.s32 $0xD  }
.LBB2_17:
0x29: {  	s0 =	simm.s32 $0xB  }
0x2a: {  	_ =	swait.ge [sflag:s0], $0x1000  }
0x2b: {  	[sflag:s0] =	ssyncset.done $0x0  }
0x2c: {  	s14 =	simm.s32 $0xC;
	[sflag:s0] =	ssyncadd.s32 $0xFFFFF000  }
0x2d: {  	_ =	swait.ge [sflag:s14], $0x1000  }
0x2e: {  	[sflag:s14] =	ssyncset.done $0x0  }
0x2f: {  	[sflag:s14] =	ssyncadd.s32 $0xFFFFF000  }
0x30: {  	s15 =	stileid.u32;
	[bflag:$0x0] =	sbarrier.arrive $0xFFFF  }
0x31: {  	s13 =	simm.s32 $0xD;
	s0 =	sshll.u32 s15, $0x6;
	s11 =	rddreg [dreg:$0x10]  }
0x32: {  	s0 =	sadd.s32 $0x1C0D, s0;
	s10 =	rddreg [dreg:$0x11];
	s3 =	sshrl.u32 s11, $0x3  }
0x33: {  	[hbm:s10], [sflag:s0] =	dma.local [spmem:s3], $0x9E0  }
0x34: {  	_ =	swait.ge [sflag:s13], $0x9E0  }
0x35: {  	s30 =	rddreg [dreg:$0x13]  }
0x36: {  	s31 =	rddreg [dreg:$0x12];
	s3 =	sadd.s32 $0x1, s30  }
0x37: {  	p0 =	sne.s32 s3, s31  }
.Ltmp1:
0x38: {  	_ = 	snop;
	(pc) =	sbr.rel @!p0 .LBB2_18-.Ltmp1, $3  }
0x39: {  	_ =	sdelay $0x1  }
0x3a: {  	[sflag:s13] =	ssyncset.done $0x0  }
0x3b: {  	[sflag:s13] =	ssyncadd.s32 $0xFFFFF620  }
.LBB2_1:
0x3c: {  	[dreg:$0x13] =	wrdreg s3  }
0x3d: {  	s0 =	rddreg [dreg:$0x4]  }
0x3e: {  	[tilespmem:s2], [sflag:$0x1] =	stream.linear.gather [hbm4b:s0+s2], $0x80, $0x38;
	[tilespmem:$0x12100] =	vst v63  }
0x3f: {  	s15 =	rddreg [dreg:$0x5]  }
0x40: {  	[tilespmem:s26], [sflag:$0x3] =	stream.linear.gather [hbm4b:s15+s2], $0x80, $0x38;
	[tilespmem:$0x12100] =	vst v63  }
0x41: {  	s30 =	rddreg [dreg:$0x6];
	s31 =	simm.s32 $0x4200  }
0x42: {  	[tilespmem:s31], [sflag:$0x5] =	stream.strided.gather [hbm4b:s30+s28], $0x400, s29, s28, $0x38;
	[tilespmem:$0x12100] =	vst v63  }
0x43: {  	s3 =	rddreg [dreg:$0x7];
	s10 =	simm.s32 $0x4600  }
0x44: {  	[tilespmem:s10], [sflag:$0x5] =	stream.strided.gather [hbm4b:s3+s28], $0x400, s29, s28, $0x38;
	[tilespmem:$0x12100] =	vst v63  }
0x45: {  	s14 =	rddreg [dreg:$0xb];
	s15 =	simm.s32 $0x4A00  }
0x46: {  	[tilespmem:s15], [sflag:$0x5] =	stream.strided.gather [hbm4b:s14+s28], $0x400, s29, s28, $0x38;
	[tilespmem:$0x12100] =	vst v63  }
0x47: {  	s30 =	rddreg [dreg:$0xd];
	s31 =	simm.s32 $0x4E00  }
0x48: {  	[tilespmem:s31], [sflag:$0x5] =	stream.strided.gather [hbm4b:s30+s28], $0x400, s29, s28, $0x38;
	[tilespmem:$0x12100] =	vst v63  }
0x49: {  	s10 =	rddreg [dreg:$0xe]  }
0x4a: {  	[tilespmem:s29], [sflag:$0x2] =	stream.linear.gather [hbm4b:s10+s2], $0x80, $0x38;
	[tilespmem:$0x12100] =	vst v63  }
0x4b: {  	s14 =	rddreg [dreg:$0xf];
	s15 =	simm.s32 $0x180  }
0x4c: {  	[tilespmem:s15], [sflag:$0x4] =	stream.linear.gather [hbm4b:s14+s2], $0x80, $0x38;
	[tilespmem:$0x12100] =	vst v63  }
0x4d: {  	s30 =	rddreg [dreg:$0x8];
	s31 =	simm.s32 $0x5200  }
0x4e: {  	[tilespmem:s31], [sflag:$0x6] =	stream.strided.gather [hbm4b:s30+s28], $0x400, s29, s28, $0x38;
	[tilespmem:$0x12100] =	vst v63  }
0x4f: {  	s3 =	rddreg [dreg:$0x9];
	s10 =	simm.s32 $0x5600  }
0x50: {  	[tilespmem:s10], [sflag:$0x6] =	stream.strided.gather [hbm4b:s3+s28], $0x400, s29, s28, $0x38;
	[tilespmem:$0x12100] =	vst v63  }
0x51: {  	s0 =	simm.s32 $0x80;
	s14 =	rddreg [dreg:$0xa];
	s15 =	simm.s32 $0x5A00  }
0x52: {  	[tilespmem:s15], [sflag:$0x6] =	stream.strided.gather [hbm4b:s14+s28], $0x400, s29, s28, $0x38;
	[tilespmem:$0x12100] =	vst v63  }
0x53: {  	s30 =	rddreg [dreg:$0xc];
	s31 =	simm.s32 $0x5E00;
	s3 =	simm.s32 $0x0  }
0x54: {  	[tilespmem:s31], [sflag:$0x6] =	stream.strided.gather [hbm4b:s30+s28], $0x400, s29, s28, $0x38;
	[tilespmem:$0x12100] =	vst v63  }
.LBB2_2:
0x55: {  	p0 =	sne.s32 s0, $0x13B80;
	[tilespmem:s3+$0x8300] =	vst v0;
	s10 =	smov.u32 s0;
	s0 =	sadd.s32 $0x80, s0  }
.Ltmp2:
0x56: {  	[tilespmem:s3+$0x8310] =	vst v0;
	(pc) =	sbr.rel @p0 .LBB2_2-.Ltmp2, $2  }
0x57: {  	_ =	sdelay $0x2  }
0x58: {  	s3 =	sshra.s32 s10, $0x2  }
0x59: {  	[tilespmem:s3+$0x8300] =	vst v0  }
0x5a: {  	[tilespmem:s3+$0x8310] =	vst v0;
	s0 =	simm.s32 $0x8300  }
0x5b: {  	[spmem:s11] =	stream.linear.scatter [tilespmem:s0], [sflag:$0xD], $0x4F00, $0x38;
	[tilespmem:$0x12100] =	vst v63  }
0x5c: {  	_ =	swait.ge [sflag:s13], $0x4F00  }
0x5d: {  	[sflag:s13] =	ssyncset.done $0x0  }
0x5e: {  	[sflag:s13] =	ssyncadd.s32 $0xFFFFB100  }
0x5f: {  	[bflag:$0x0] =	sbarrier.arrive $0xFFFF  }
0x60: {  	_ =	swait.ge [sflag:s17], $0x80  }
0x61: {  	[sflag:s17] =	ssyncset.done $0x0  }
0x62: {  	[sflag:s17] =	ssyncadd.s32 $0xFFFFFF80  }
0x63: {  	_ =	swait.ge [sflag:s18], $0x80  }
.Ltmp3:
0x64: {  	[sflag:s18] =	ssyncset.done $0x0;
	(pc) =	sbr.rel .LBB2_4-.Ltmp3, $4  }
0x65: {  	s30 =	simm.s32 $0x0;
	[sflag:s18] =	ssyncadd.s32 $0xFFFFFF80  }
0x66: {  	[tilespmem:s19], [sflag:$0x7] =	stream.indirect.gather [hbm4b:s4+s29], $0x20, s30, s29, $0xb8;
	[tilespmem:$0x12100] =	vst v63  }
0x67: {  	_ = 	snop  }
0x68: {  	[tilespmem:s20], [sflag:$0x9] =	stream.indirect.gather [hbm4b:s5+s29], $0x20, s26, s29, $0xb8;
	[tilespmem:$0x12100] =	vst v63  }
.LBB2_16:
0x69: {  	s30 =	sadd.s32 $0x1, s30  }
0x6a: {  	p0 =	sne.s32 s30, $0x14  }
.Ltmp4:
0x6b: {  	_ = 	snop;
	(pc) =	sbr.rel @!p0 .LBB2_17-.Ltmp4, $1  }
0x6c: {  	_ =	sdelay $0x3  }
.LBB2_4:
0x6d: {  	s31 =	sshll.u32 s30, $0x1  }
0x6e: {  	p0 =	sge.u32 s31, s24  }
0x6f: {  	s0 =	simm.s32 @!p0 $0x2  }
0x70: {  	_ =	swait.ge @!p0 [sflag:s0], $0x80  }
0x71: {  	[sflag:s0] =	ssyncset.done @!p0 $0x0  }
0x72: {  	[sflag:s0] =	ssyncadd.s32 @!p0 $0xFFFFFF80;
	s0 =	simm.s32 @!p0 $0x4  }
0x73: {  	p1 =	sge.u32 s31, s8;
	_ =	swait.ge @!p0 [sflag:s0], $0x80  }
.Ltmp5:
0x74: {  	[sflag:s0] =	ssyncset.done @!p0 $0x0;
	(pc) =	sbr.rel @p1 .LBB2_8-.Ltmp5, $4  }
0x75: {  	s3 =	simm.s32 @!p0 $0x1200;
	[sflag:s0] =	ssyncadd.s32 @!p0 $0xFFFFFF80;
	s0 =	simm.s32 @!p0 $0x80  }
0x76: {  	[tilespmem:s3], [sflag:$0x8] =	stream.indirect.gather @!p0 [hbm4b:s4+s0], $0x20, s0, s0, $0xb8;
	[tilespmem:$0x12100] =	vst v63  }
0x77: {  	s10 =	simm.s32 @!p0 $0x3200;
	s3 =	simm.s32 @!p0 $0x180  }
0x78: {  	[tilespmem:s10], [sflag:$0xA] =	stream.indirect.gather @!p0 [hbm4b:s5+s0], $0x20, s3, s0, $0xb8;
	[tilespmem:$0x12100] =	vst v63  }
0x79: {  	_ =	swait.ge [sflag:s12], $0x1000  }
0x7a: {  	[sflag:s12] =	ssyncset.done $0x0  }
0x7b: {  	[sflag:s12] =	ssyncadd.s32 $0xFFFFF000  }
0x7c: {  	_ =	swait.ge [sflag:s21], $0x1000  }
0x7d: {  	[sflag:s21] =	ssyncset.done $0x0  }
0x7e: {  	[sflag:s21] =	ssyncadd.s32 $0xFFFFF000  }
0x7f: {  	_ =	swait.ge [sflag:s23], $0x400  }
0x80: {  	[sflag:s23] =	ssyncset.done $0x0  }
0x81: {  	[sflag:s23] =	ssyncadd.s32 $0xFFFFFC00  }
0x82: {  	_ =	swait.ge [sflag:s23], $0x400  }
0x83: {  	[sflag:s23] =	ssyncset.done $0x0  }
0x84: {  	[sflag:s23] =	ssyncadd.s32 $0xFFFFFC00  }
0x85: {  	_ =	swait.ge [sflag:s23], $0x400  }
0x86: {  	[sflag:s23] =	ssyncset.done $0x0  }
0x87: {  	[sflag:s23] =	ssyncadd.s32 $0xFFFFFC00  }
0x88: {  	_ =	swait.ge [sflag:s23], $0x400  }
0x89: {  	p1 =	seq.s32 s30, $0x0;
	[sflag:s23] =	ssyncset.done $0x0  }
0x8a: {  	s0 =	simm.s32 @!p1 $0xB;
	[sflag:s23] =	ssyncadd.s32 $0xFFFFFC00  }
0x8b: {  	_ =	swait.ge @!p1 [sflag:s0], $0x1000  }
0x8c: {  	[sflag:s0] =	ssyncset.done @!p1 $0x0  }
0x8d: {  	[sflag:s0] =	ssyncadd.s32 @!p1 $0xFFFFF000;
	s0 =	simm.s32 $0x0  }
0x8e: {  	v3 =	vld [tilespmem:s0+$0x210]  }
0x8f: {  	v4 =	vld [tilespmem:s0+$0x2210]  }
0x90: {  	v6 =	vld [tilespmem:s0+$0x200]  }
0x91: {  	v5 =	vld [tilespmem:s0+$0x4210]  }
0x92: {  	v7 =	vld [tilespmem:s0+$0x2200]  }
0x93: {  	s3 =	simm.s32 $0x20;
	v1 =	vld [tilespmem:s0+$0x4200]  }
0x94: {  	v2 =	vld [tilespmem:s3+$0x210];
	v8 =	vadd.f32 v4, v3  }
0x95: {  	v4 =	vld [tilespmem:s3+$0x2210]  }
0x96: {  	v3 =	vld [tilespmem:s3+$0x200];
	v8 =	vadd.f32 v5, v8  }
0x97: {  	v7 =	vadd.f32 v7, v6;
	v5 =	vld [tilespmem:s3+$0x4210]  }
0x98: {  	s10 =	simm.s32 $0x100;
	v6 =	vld [tilespmem:s3+$0x2200];
	v8 =	vmax.f32 v8, $0.0e+00  }
.LBB2_6:
0x99: {  	s11 =	sshra.s32 s10, $0x2;
	v7 =	vadd.f32 v1, v7;
	v1 =	vld [tilespmem:s3+$0x4200];
	[tilespmem:s0+$0x6210] =	vst v8;
	p1 =	sne.s32 s10, $0x3F80  }
.Ltmp6:
0x9a: {  	s10 =	sadd.s32 $0x80, s10;
	v8 =	vadd.f32 v4, v2;
	v2 =	vld [tilespmem:s11+$0x210];
	(pc) =	sbr.rel @p1 .LBB2_6-.Ltmp6, $4  }
0x9b: {  	v4 =	vld [tilespmem:s11+$0x2210];
	v7 =	vmax.f32 v7, $0.0e+00;
	v9 =	vmov v3  }
0x9c: {  	v3 =	vld [tilespmem:s11+$0x200];
	v8 =	vadd.f32 v5, v8;
	[tilespmem:s0+$0x6200] =	vst v7;
	s0 =	smov.u32 s3;
	s3 =	smov.u32 s11  }
0x9d: {  	v5 =	vld [tilespmem:s3+$0x4210];
	v7 =	vadd.f32 v6, v9  }
0x9e: {  	v6 =	vld [tilespmem:s3+$0x2200];
	v8 =	vmax.f32 v8, $0.0e+00  }
0x9f: {  	_ = 	snop  }
0xa0: {  	v9 =	vld [tilespmem:s3+$0x4200];
	_ =	sdelay $0x1  }
0xa1: {  	v2 =	vadd.f32 v4, v2  }
0xa2: {  	v1 =	vadd.f32 v1, v7;
	v3 =	vadd.f32 v6, v3  }
0xa3: {  	v2 =	vadd.f32 v5, v2  }
0xa4: {  	[tilespmem:s0+$0x6210] =	vst v8;
	v1 =	vmax.f32 v1, $0.0e+00;
	v3 =	vadd.f32 v9, v3  }
0xa5: {  	[tilespmem:s0+$0x6200] =	vst v1;
	v1 =	vmax.f32 v2, $0.0e+00  }
0xa6: {  	[tilespmem:s3+$0x6210] =	vst v1;
	v1 =	vmax.f32 v3, $0.0e+00  }
0xa7: {  	[tilespmem:s3+$0x6200] =	vst v1  }
0xa8: {  	v1 =	vld [tilespmem:$0x0]  }
0xa9: {  	v2 =	vld [tilespmem:$0x10]  }
0xaa: {  	v3 =	vld [tilespmem:$0x20]  }
0xab: {  	v62 =	vld [tilespmem:$0x30]  }
0xac: {  	v63 =	vld [tilespmem:$0x40]  }
0xad: {  	[tilespmem:$0x8200] =	vst v1;
	v1 =	vld [tilespmem:$0x50]  }
0xae: {  	[tilespmem:$0x8210] =	vst v2;
	v2 =	vld [tilespmem:$0x60]  }
0xaf: {  	[tilespmem:$0x8220] =	vst v3;
	v3 =	vld [tilespmem:$0x70]  }
0xb0: {  	[tilespmem:$0x8230] =	vst v62  }
0xb1: {  	[tilespmem:$0x8240] =	vst v63  }
0xb2: {  	[tilespmem:$0x8250] =	vst v1  }
0xb3: {  	[tilespmem:$0x8260] =	vst v2  }
0xb4: {  	s14 =	simm.s32 $0x8200;
	s15 =	simm.s32 $0x6200;
	[tilespmem:$0x8270] =	vst v3  }
0xb5: {  	[spmem:s1] =	stream.indirect.scatter.add.f32 [tilespmem:s15], [sflag:$0xB], $0x20, s14, s29, $0xb8;
	[tilespmem:$0x12100] =	vst v63  }
.LBB2_8:
0xb6: {  	s0 =	sadd.s32 $0x2, s31  }
0xb7: {  	p1 =	sge.u32 s0, s8  }
.Ltmp7:
0xb8: {  	_ = 	snop;
	(pc) =	sbr.rel @p1 .LBB2_10-.Ltmp7, $1  }
0xb9: {  	_ =	sdelay $0x3  }
0xba: {  	s0 =	sshll.u32 s0, $0xC  }
0xbb: {  	s0 =	sor.u32 s9, s0  }
0xbc: {  	s3 =	sshrl.u32 s0, $0x3  }
0xbd: {  	s10 =	smulhi.u32 $0x10624DD3, s0;
	s3 =	sadd.s32 s7, s3  }
0xbe: {  	[tilespmem:s2], [sflag:$0x1] =	stream.linear.gather [hbm4b:s3+s2], $0x80, $0x38;
	[tilespmem:$0x12100] =	vst v63  }
0xbf: {  	s10 =	sshrl.u32 s10, $0xB  }
0xc0: {  	s3 =	sadd.s32 $0x4E20, s3;
	s11 =	smul.u32 $0x7D00, s10  }
0xc1: {  	[tilespmem:s26], [sflag:$0x3] =	stream.linear.gather [hbm4b:s3+s2], $0x80, $0x38;
	[tilespmem:$0x12100] =	vst v63  }
0xc2: {  	s3 =	ssub.s32 s0, s11  }
0xc3: {  	s11 =	smul.u32 $0x8313, s3  }
0xc4: {  	s13 =	sor.u32 $0x20, s0  }
0xc5: {  	s14 =	smulhi.u32 $0x10624DD3, s13;
	s11 =	sshrl.u32 s11, $0x1C  }
0xc6: {  	s15 =	smul.u32 $0x1F40, s11  }
0xc7: {  	s10 =	smul.u32 $0x1F40, s10;
	s14 =	sshrl.u32 s14, $0xB  }
0xc8: {  	s14 =	smul.u32 $0x7D00, s14;
	s3 =	ssub.s32 s3, s15  }
0xc9: {  	s3 =	sand.u32 $0xFFFF, s3  }
0xca: {  	s13 =	ssub.s32 s13, s14;
	s3 =	sadd.s32 s3, s10  }
0xcb: {  	s14 =	smul.u32 $0x8313, s13;
	s11 =	sshll.u32 s11, $0x5;
	s3 =	sshll.u32 s3, $0x7  }
0xcc: {  	s3 =	sadd.s32 s11, s3  }
0xcd: {  	s11 =	sshrl.u32 s14, $0x1C;
	s3 =	sshrl.u32 s3, $0x3  }
0xce: {  	s15 =	simm.s32 $0x4200;
	s14 =	smul.u32 $0x1F40, s11;
	s3 =	sadd.s32 s6, s3  }
0xcf: {  	[tilespmem:s15], [sflag:$0x5] =	stream.strided.gather [hbm4b:s3+s28], $0x400, s29, s28, $0x38;
	[tilespmem:$0x12100] =	vst v63  }
0xd0: {  	s14 =	ssub.s32 s13, s14  }
0xd1: {  	s3 =	sand.u32 $0xFFFF, s14  }
0xd2: {  	s13 =	sor.u32 $0x40, s0;
	s3 =	sadd.s32 s3, s10  }
0xd3: {  	s11 =	sshll.u32 s11, $0x5;
	s15 =	smulhi.u32 $0x10624DD3, s13;
	s3 =	sshll.u32 s3, $0x7  }
0xd4: {  	s3 =	sadd.s32 s11, s3  }
0xd5: {  	s14 =	sshrl.u32 s15, $0xB;
	s3 =	sshrl.u32 s3, $0x3  }
0xd6: {  	s15 =	simm.s32 $0x4600;
	s11 =	smul.u32 $0x7D00, s14;
	s3 =	sadd.s32 s6, s3  }
0xd7: {  	[tilespmem:s15], [sflag:$0x5] =	stream.strided.gather [hbm4b:s3+s28], $0x400, s29, s28, $0x38;
	[tilespmem:$0x12100] =	vst v63  }
0xd8: {  	s3 =	ssub.s32 s13, s11  }
0xd9: {  	s11 =	smul.u32 $0x8313, s3  }
0xda: {  	s0 =	sor.u32 $0x60, s0  }
0xdb: {  	s14 =	smulhi.u32 $0x10624DD3, s0;
	s11 =	sshrl.u32 s11, $0x1C  }
0xdc: {  	s15 =	smul.u32 $0x1F40, s11  }
0xdd: {  	s13 =	sshrl.u32 s14, $0xB  }
0xde: {  	s13 =	smul.u32 $0x7D00, s13;
	s3 =	ssub.s32 s3, s15  }
0xdf: {  	s3 =	sand.u32 $0xFFFF, s3  }
0xe0: {  	s0 =	ssub.s32 s0, s13;
	s3 =	sadd.s32 s3, s10  }
0xe1: {  	s11 =	sshll.u32 s11, $0x5;
	s13 =	smul.u32 $0x8313, s0;
	s3 =	sshll.u32 s3, $0x7  }
0xe2: {  	s3 =	sadd.s32 s11, s3  }
0xe3: {  	s11 =	sshrl.u32 s13, $0x1C;
	s3 =	sshrl.u32 s3, $0x3  }
0xe4: {  	s15 =	simm.s32 $0x4A00;
	s13 =	smul.u32 $0x1F40, s11;
	s3 =	sadd.s32 s6, s3  }
0xe5: {  	[tilespmem:s15], [sflag:$0x5] =	stream.strided.gather [hbm4b:s3+s28], $0x400, s29, s28, $0x38;
	[tilespmem:$0x12100] =	vst v63  }
0xe6: {  	s0 =	ssub.s32 s0, s13  }
0xe7: {  	s0 =	sand.u32 $0xFFFF, s0  }
0xe8: {  	s0 =	sadd.s32 s0, s10  }
0xe9: {  	s14 =	sshll.u32 s11, $0x5;
	s0 =	sshll.u32 s0, $0x7  }
0xea: {  	s0 =	sadd.s32 s14, s0  }
0xeb: {  	s0 =	sshrl.u32 s0, $0x3  }
0xec: {  	s15 =	simm.s32 $0x4E00;
	s0 =	sadd.s32 s6, s0  }
0xed: {  	[tilespmem:s15], [sflag:$0x5] =	stream.strided.gather [hbm4b:s0+s28], $0x400, s29, s28, $0x38;
	[tilespmem:$0x12100] =	vst v63  }
0xee: {  	_ =	swait.ge [sflag:s17], $0x80  }
0xef: {  	[sflag:s17] =	ssyncset.done $0x0  }
0xf0: {  	[sflag:s17] =	ssyncadd.s32 $0xFFFFFF80  }
0xf1: {  	_ =	swait.ge [sflag:s18], $0x80  }
0xf2: {  	[sflag:s18] =	ssyncset.done $0x0  }
0xf3: {  	[sflag:s18] =	ssyncadd.s32 $0xFFFFFF80  }
0xf4: {  	[tilespmem:s19], [sflag:$0x7] =	stream.indirect.gather [hbm4b:s4+s29], $0x20, s2, s29, $0xb8;
	[tilespmem:$0x12100] =	vst v63  }
0xf5: {  	_ = 	snop  }
0xf6: {  	[tilespmem:s20], [sflag:$0x9] =	stream.indirect.gather [hbm4b:s5+s29], $0x20, s26, s29, $0xb8;
	[tilespmem:$0x12100] =	vst v63  }
.LBB2_10:
.Ltmp8:
0xf7: {  	(pc) =	sbr.rel @p0 .LBB2_14-.Ltmp8, $1  }
0xf8: {  	_ =	sdelay $0x3  }
0xf9: {  	_ =	swait.ge [sflag:s16], $0x1000  }
0xfa: {  	[sflag:s16] =	ssyncset.done $0x0  }
0xfb: {  	[sflag:s16] =	ssyncadd.s32 $0xFFFFF000  }
0xfc: {  	_ =	swait.ge [sflag:s25], $0x1000  }
0xfd: {  	[sflag:s25] =	ssyncset.done $0x0  }
0xfe: {  	[sflag:s25] =	ssyncadd.s32 $0xFFFFF000  }
0xff: {  	_ =	swait.ge [sflag:s22], $0x400  }
0x100: {  	[sflag:s22] =	ssyncset.done $0x0  }
0x101: {  	[sflag:s22] =	ssyncadd.s32 $0xFFFFFC00  }
0x102: {  	_ =	swait.ge [sflag:s22], $0x400  }
0x103: {  	[sflag:s22] =	ssyncset.done $0x0  }
0x104: {  	[sflag:s22] =	ssyncadd.s32 $0xFFFFFC00  }
0x105: {  	_ =	swait.ge [sflag:s22], $0x400  }
0x106: {  	[sflag:s22] =	ssyncset.done $0x0  }
0x107: {  	[sflag:s22] =	ssyncadd.s32 $0xFFFFFC00  }
0x108: {  	_ =	swait.ge [sflag:s22], $0x400  }
0x109: {  	p0 =	seq.s32 s30, $0x0;
	[sflag:s22] =	ssyncset.done $0x0  }
0x10a: {  	s0 =	simm.s32 @!p0 $0xC;
	[sflag:s22] =	ssyncadd.s32 $0xFFFFFC00  }
0x10b: {  	_ =	swait.ge @!p0 [sflag:s0], $0x1000  }
0x10c: {  	[sflag:s0] =	ssyncset.done @!p0 $0x0  }
0x10d: {  	[sflag:s0] =	ssyncadd.s32 @!p0 $0xFFFFF000;
	s0 =	simm.s32 $0x0  }
0x10e: {  	v3 =	vld [tilespmem:s0+$0x1210]  }
0x10f: {  	v4 =	vld [tilespmem:s0+$0x3210]  }
0x110: {  	v6 =	vld [tilespmem:s0+$0x1200]  }
0x111: {  	v5 =	vld [tilespmem:s0+$0x5210]  }
0x112: {  	v7 =	vld [tilespmem:s0+$0x3200]  }
0x113: {  	s3 =	simm.s32 $0x20;
	v1 =	vld [tilespmem:s0+$0x5200]  }
0x114: {  	v2 =	vld [tilespmem:s3+$0x1210];
	v8 =	vadd.f32 v4, v3  }
0x115: {  	v4 =	vld [tilespmem:s3+$0x3210]  }
0x116: {  	v3 =	vld [tilespmem:s3+$0x1200];
	v8 =	vadd.f32 v5, v8  }
0x117: {  	v7 =	vadd.f32 v7, v6;
	v5 =	vld [tilespmem:s3+$0x5210]  }
0x118: {  	s10 =	simm.s32 $0x100;
	v6 =	vld [tilespmem:s3+$0x3200];
	v8 =	vmax.f32 v8, $0.0e+00  }
.LBB2_12:
0x119: {  	s11 =	sshra.s32 s10, $0x2;
	v7 =	vadd.f32 v1, v7;
	v1 =	vld [tilespmem:s3+$0x5200];
	[tilespmem:s0+$0x7210] =	vst v8;
	p0 =	sne.s32 s10, $0x3F80  }
.Ltmp9:
0x11a: {  	s10 =	sadd.s32 $0x80, s10;
	v8 =	vadd.f32 v4, v2;
	v2 =	vld [tilespmem:s11+$0x1210];
	(pc) =	sbr.rel @p0 .LBB2_12-.Ltmp9, $4  }
0x11b: {  	v4 =	vld [tilespmem:s11+$0x3210];
	v7 =	vmax.f32 v7, $0.0e+00;
	v9 =	vmov v3  }
0x11c: {  	v3 =	vld [tilespmem:s11+$0x1200];
	v8 =	vadd.f32 v5, v8;
	[tilespmem:s0+$0x7200] =	vst v7;
	s0 =	smov.u32 s3;
	s3 =	smov.u32 s11  }
0x11d: {  	v5 =	vld [tilespmem:s3+$0x5210];
	v7 =	vadd.f32 v6, v9  }
0x11e: {  	v6 =	vld [tilespmem:s3+$0x3200];
	v8 =	vmax.f32 v8, $0.0e+00  }
0x11f: {  	_ = 	snop  }
0x120: {  	v9 =	vld [tilespmem:s3+$0x5200];
	_ =	sdelay $0x1  }
0x121: {  	v2 =	vadd.f32 v4, v2  }
0x122: {  	v1 =	vadd.f32 v1, v7;
	v3 =	vadd.f32 v6, v3  }
0x123: {  	v2 =	vadd.f32 v5, v2  }
0x124: {  	[tilespmem:s0+$0x7210] =	vst v8;
	v1 =	vmax.f32 v1, $0.0e+00;
	v3 =	vadd.f32 v9, v3  }
0x125: {  	[tilespmem:s0+$0x7200] =	vst v1;
	v1 =	vmax.f32 v2, $0.0e+00  }
0x126: {  	[tilespmem:s3+$0x7210] =	vst v1;
	v1 =	vmax.f32 v3, $0.0e+00  }
0x127: {  	[tilespmem:s3+$0x7200] =	vst v1  }
0x128: {  	v1 =	vld [tilespmem:$0x80]  }
0x129: {  	v2 =	vld [tilespmem:$0x90]  }
0x12a: {  	v3 =	vld [tilespmem:$0xA0]  }
0x12b: {  	v62 =	vld [tilespmem:$0xB0]  }
0x12c: {  	v63 =	vld [tilespmem:$0xC0]  }
0x12d: {  	[tilespmem:$0x8280] =	vst v1;
	v1 =	vld [tilespmem:$0xD0]  }
0x12e: {  	[tilespmem:$0x8290] =	vst v2;
	v2 =	vld [tilespmem:$0xE0]  }
0x12f: {  	[tilespmem:$0x82A0] =	vst v3;
	v3 =	vld [tilespmem:$0xF0]  }
0x130: {  	[tilespmem:$0x82B0] =	vst v62  }
0x131: {  	[tilespmem:$0x82C0] =	vst v63  }
0x132: {  	[tilespmem:$0x82D0] =	vst v1  }
0x133: {  	[tilespmem:$0x82E0] =	vst v2  }
0x134: {  	s14 =	simm.s32 $0x8280;
	s15 =	simm.s32 $0x7200;
	[tilespmem:$0x82F0] =	vst v3  }
0x135: {  	[spmem:s1] =	stream.indirect.scatter.add.f32 [tilespmem:s15], [sflag:$0xC], $0x20, s14, s29, $0xb8;
	[tilespmem:$0x12100] =	vst v63  }
.LBB2_14:
0x136: {  	s0 =	sadd.s32 $0x3, s31  }
0x137: {  	p0 =	sge.u32 s0, s8  }
.Ltmp10:
0x138: {  	_ = 	snop;
	(pc) =	sbr.rel @p0 .LBB2_16-.Ltmp10, $1  }
0x139: {  	_ =	sdelay $0x3  }
0x13a: {  	s0 =	sshll.u32 s0, $0xC  }
0x13b: {  	s0 =	sor.u32 s9, s0  }
0x13c: {  	s3 =	sshrl.u32 s0, $0x3  }
0x13d: {  	s10 =	smulhi.u32 $0x10624DD3, s0;
	s3 =	sadd.s32 s7, s3  }
0x13e: {  	[tilespmem:s29], [sflag:$0x2] =	stream.linear.gather [hbm4b:s3+s2], $0x80, $0x38;
	[tilespmem:$0x12100] =	vst v63  }
0x13f: {  	s10 =	sshrl.u32 s10, $0xB  }
0x140: {  	s13 =	simm.s32 $0x180;
	s3 =	sadd.s32 $0x4E20, s3;
	s11 =	smul.u32 $0x7D00, s10  }
0x141: {  	[tilespmem:s13], [sflag:$0x4] =	stream.linear.gather [hbm4b:s3+s2], $0x80, $0x38;
	[tilespmem:$0x12100] =	vst v63  }
0x142: {  	s13 =	ssub.s32 s0, s11  }
0x143: {  	s11 =	smul.u32 $0x8313, s13  }
0x144: {  	s31 =	sor.u32 $0x20, s0  }
0x145: {  	s14 =	smulhi.u32 $0x10624DD3, s31;
	s11 =	sshrl.u32 s11, $0x1C  }
0x146: {  	s15 =	smul.u32 $0x1F40, s11  }
0x147: {  	s10 =	smul.u32 $0x1F40, s10;
	s14 =	sshrl.u32 s14, $0xB  }
0x148: {  	s14 =	smul.u32 $0x7D00, s14;
	s3 =	ssub.s32 s13, s15  }
0x149: {  	s3 =	sand.u32 $0xFFFF, s3  }
0x14a: {  	s13 =	ssub.s32 s31, s14;
	s3 =	sadd.s32 s3, s10  }
0x14b: {  	s11 =	sshll.u32 s11, $0x5;
	s14 =	smul.u32 $0x8313, s13;
	s3 =	sshll.u32 s3, $0x7  }
0x14c: {  	s3 =	sadd.s32 s11, s3  }
0x14d: {  	s11 =	sshrl.u32 s14, $0x1C;
	s3 =	sshrl.u32 s3, $0x3  }
0x14e: {  	s31 =	simm.s32 $0x5200;
	s14 =	smul.u32 $0x1F40, s11;
	s3 =	sadd.s32 s6, s3  }
0x14f: {  	[tilespmem:s31], [sflag:$0x6] =	stream.strided.gather [hbm4b:s3+s28], $0x400, s29, s28, $0x38;
	[tilespmem:$0x12100] =	vst v63  }
0x150: {  	s15 =	ssub.s32 s13, s14;
	s13 =	sor.u32 $0x40, s0  }
0x151: {  	s3 =	sand.u32 $0xFFFF, s15;
	s31 =	smulhi.u32 $0x10624DD3, s13  }
0x152: {  	s3 =	sadd.s32 s3, s10  }
0x153: {  	s11 =	sshll.u32 s11, $0x5;
	s3 =	sshll.u32 s3, $0x7;
	s15 =	sshrl.u32 s31, $0xB  }
0x154: {  	s3 =	sadd.s32 s11, s3;
	s11 =	smul.u32 $0x7D00, s15  }
0x155: {  	s0 =	sor.u32 $0x60, s0;
	s31 =	simm.s32 $0x5600;
	s3 =	sshrl.u32 s3, $0x3  }
0x156: {  	s15 =	smulhi.u32 $0x10624DD3, s0;
	s3 =	sadd.s32 s6, s3;
	s14 =	ssub.s32 s13, s11  }
0x157: {  	[tilespmem:s31], [sflag:$0x6] =	stream.strided.gather [hbm4b:s3+s28], $0x400, s29, s28, $0x38;
	[tilespmem:$0x12100] =	vst v63  }
0x158: {  	s13 =	sshrl.u32 s15, $0xB;
	s11 =	smul.u32 $0x8313, s14  }
0x159: {  	s13 =	smul.u32 $0x7D00, s13  }
0x15a: {  	s11 =	sshrl.u32 s11, $0x1C  }
0x15b: {  	s0 =	ssub.s32 s0, s13;
	s31 =	smul.u32 $0x1F40, s11  }
0x15c: {  	s13 =	smul.u32 $0x8313, s0  }
0x15d: {  	s3 =	ssub.s32 s14, s31  }
0x15e: {  	s15 =	sshrl.u32 s13, $0x1C;
	s3 =	sand.u32 $0xFFFF, s3  }
0x15f: {  	s13 =	smul.u32 $0x1F40, s15;
	s3 =	sadd.s32 s3, s10  }
0x160: {  	s11 =	sshll.u32 s11, $0x5;
	s3 =	sshll.u32 s3, $0x7  }
0x161: {  	s0 =	ssub.s32 s0, s13;
	s3 =	sadd.s32 s11, s3  }
0x162: {  	s0 =	sand.u32 $0xFFFF, s0;
	s3 =	sshrl.u32 s3, $0x3  }
0x163: {  	s31 =	simm.s32 $0x5A00;
	s0 =	sadd.s32 s0, s10;
	s3 =	sadd.s32 s6, s3  }
0x164: {  	[tilespmem:s31], [sflag:$0x6] =	stream.strided.gather [hbm4b:s3+s28], $0x400, s29, s28, $0x38;
	[tilespmem:$0x12100] =	vst v63  }
.Ltmp11:
0x165: {  	s15 =	sshll.u32 s15, $0x5;
	s0 =	sshll.u32 s0, $0x7;
	(pc) =	sbr.rel .LBB2_16-.Ltmp11, $4  }
0x166: {  	s0 =	sadd.s32 s15, s0  }
0x167: {  	s0 =	sshrl.u32 s0, $0x3  }
0x168: {  	s31 =	simm.s32 $0x5E00;
	s0 =	sadd.s32 s6, s0  }
0x169: {  	[tilespmem:s31], [sflag:$0x6] =	stream.strided.gather [hbm4b:s0+s28], $0x400, s29, s28, $0x38;
	[tilespmem:$0x12100] =	vst v63  }
.LBB2_18:
0x16a: {  	_ =	sfence.sel $0x180000  }
0x16b: {  	[bflag:$0x0] =	sbarrier.arrive $0xFFFF  }
0x16c: {  	_ =	strace $0x90000047  }
0x16d: {  	s0 =	stileid.u32;
	[bflag:$0x2] =	sbarrier.arrive $0xFFFF  }
0x16e: {  	p0 =	sne.s32 s0, $0x0;
	s0 =	rddreg [dreg:$0x3]  }
0x16f: {  	s0 =	sadd.s32 @!p0 $0x100000, s0  }
0x170: {  	[sflag:s0] =	ssyncadd.tile.s32 @!p0 $0x1;
	_ =	shalt  }
.Lfunc_end2:
_tile_overlayer_lowered:
.L_overlay_start_2:
0x171: {  	(tag) =	ssettag $0x2  }
0x172: {  	s0 =	rddreg [dreg:$0x0];
	s2 =	stileid.u32  }
0x173: {  	s1 =	rddreg [dreg:$0x1];
	p0 =	sne.s32 s2, $0x0  }
0x174: {  	s3 =	rddreg [dreg:$0x2];
	[bflag:$0x3] =	sbarrier.arrive $0xFFFF;
	s2 =	simm.s32 @!p0 $0x1C0D  }
0x175: {  	[timem:s3], [sflag:s2] =	dma.local @!p0 [hbm:s0], s1  }
0x176: {  	s0 =	simm.s32 @!p0 $0xD  }
0x177: {  	_ =	swait.ge @!p0 [sflag:s0], s1  }
0x178: {  	s1 =	ssub.s32 @!p0 $0x0, s1;
	[sflag:s0] =	ssyncset.done @!p0 $0x0  }
0x179: {  	[sflag:s0] =	ssyncadd.s32 @!p0 s1  }
0x17a: {  	[bflag:$0x3] =	sbarrier.arrive $0xFFFF  }
0x17b: {  	_ =	shalt  }

</sc_bundles>
